<compile_context>
chip_gen: v7x
topology: tpu7x:2x2x1
jax: 0.10.2.dev20260603
libtpu: 0.0.44.dev20260713+nightly
codegen_flags: <defaults>
</compile_context>

<pallas_src>
import functools

import jax
import jax.numpy as jnp
from jax import lax
from jax.experimental import pallas as pl
from jax.experimental.pallas import tpu as pltpu
from jax.experimental.pallas import tpu_sc as plsc

_NW = 32
_NB = 128
_BE = 1024
_PAY = 144
_NEG_INF = float("-inf")
_SC_PARAMS = pltpu.CompilerParams(use_tc_tiling_on_sc=False)



def _sc_gather_rows(table, idx):
    v, d = table.shape
    b = idx.shape[0]
    assert b % _NW == 0
    bpw = b // _NW
    assert bpw % 8 == 0 and d % 16 == 0
    cg = 800 if bpw % 800 == 0 else bpw
    n_chunks = bpw // cg
    mesh = plsc.VectorSubcoreMesh(core_axis_name="c", subcore_axis_name="s")

    def body(table_hbm, idx_hbm, out_hbm, idx_v, rows_v, sem):
        wid = lax.axis_index("s") * 2 + lax.axis_index("c")
        base = wid * bpw

        def step(j, carry):
            off = base + j * cg
            pltpu.sync_copy(idx_hbm.at[pl.ds(off, cg)], idx_v)
            pltpu.async_copy(table_hbm.at[idx_v], rows_v, sem).wait()
            pltpu.sync_copy(rows_v, out_hbm.at[pl.ds(off, cg)])
            return carry

        lax.fori_loop(0, n_chunks, step, 0)

    f = pl.kernel(
        body,
        out_type=jax.ShapeDtypeStruct((b, d), jnp.float32),
        mesh=mesh,
        scratch_types=[
            pltpu.VMEM((cg,), jnp.int32),
            pltpu.VMEM((cg, d), jnp.float32),
            pltpu.SemaphoreType.DMA,
        ],
        compiler_params=_SC_PARAMS,
    )
    return f(table, idx)


def _sc_gather_scalars(table, s_idx, d_idx):
    e = s_idx.shape[0]
    assert e % _NW == 0
    bpw = e // _NW
    cg = 2000 if bpw % 2000 == 0 else bpw
    assert cg % 8 == 0
    n_chunks = bpw // cg
    mesh = plsc.VectorSubcoreMesh(core_axis_name="c", subcore_axis_name="s")

    def body(nt_hbm, s_hbm, d_hbm, outs_hbm, outd_hbm, idx_v, val_v, sem):
        wid = lax.axis_index("s") * 2 + lax.axis_index("c")
        base = wid * bpw

        def step(j, carry):
            off = base + j * cg
            pltpu.sync_copy(s_hbm.at[pl.ds(off, cg)], idx_v)
            pltpu.async_copy(nt_hbm.at[idx_v], val_v, sem).wait()
            pltpu.sync_copy(val_v, outs_hbm.at[pl.ds(off, cg)])
            pltpu.sync_copy(d_hbm.at[pl.ds(off, cg)], idx_v)
            pltpu.async_copy(nt_hbm.at[idx_v], val_v, sem).wait()
            pltpu.sync_copy(val_v, outd_hbm.at[pl.ds(off, cg)])
            return carry

        lax.fori_loop(0, n_chunks, step, 0)

    f = pl.kernel(
        body,
        out_type=(jax.ShapeDtypeStruct((e,), jnp.int32),
                  jax.ShapeDtypeStruct((e,), jnp.int32)),
        mesh=mesh,
        scratch_types=[
            pltpu.VMEM((cg,), jnp.int32),
            pltpu.VMEM((cg,), jnp.int32),
            pltpu.SemaphoreType.DMA,
        ],
        compiler_params=_SC_PARAMS,
    )
    return f(table, s_idx, d_idx)


def _sc_scatter_add(payload, dst2, zeros_init, n_pad):
    e, d = payload.shape
    half = n_pad // 2
    acc_rows = half + 16
    bpt = e // 16
    cg = 100
    assert bpt % cg == 0
    n_chunks = bpt // cg
    assert n_chunks % 2 == 0
    rpt = half // 16
    zpt = acc_rows // 16
    mesh = plsc.VectorSubcoreMesh(core_axis_name="c", subcore_axis_name="s")

    def body(pay_hbm, dst_hbm, z_hbm, out_hbm, idx_v, pay_a, pay_b,
             acc_sh, sem_a, sem_b):
        c = lax.axis_index("c")
        s = lax.axis_index("s")
        pltpu.sync_copy(z_hbm.at[pl.ds(s * zpt, zpt)],
                        acc_sh.at[pl.ds(s * zpt, zpt)])
        plsc.subcore_barrier()

        base = s * bpt
        pltpu.sync_copy(dst_hbm.at[c, s], idx_v)

        def copy_a(j):
            return pltpu.make_async_copy(
                pay_hbm.at[pl.ds(base + j * cg, cg)], pay_a, sem_a)

        def copy_b(j):
            return pltpu.make_async_copy(
                pay_hbm.at[pl.ds(base + j * cg, cg)], pay_b, sem_b)

        copy_a(0).start()

        def step(t, carry):
            j0 = 2 * t
            j1 = j0 + 1
            copy_b(j1).start()
            copy_a(j0).wait()
            pltpu.sync_copy(pay_a, acc_sh.at[idx_v.at[j0]], add=True)
            copy_a(jnp.minimum(j0 + 2, n_chunks - 1)).start()
            copy_b(j1).wait()
            pltpu.sync_copy(pay_b, acc_sh.at[idx_v.at[j1]], add=True)
            return carry

        lax.fori_loop(0, n_chunks // 2, step, 0)
        copy_a(n_chunks - 1).wait()
        plsc.subcore_barrier()
        pltpu.sync_copy(acc_sh.at[pl.ds(s * rpt, rpt)],
                        out_hbm.at[pl.ds(c * half + s * rpt, rpt)])

    f = pl.kernel(
        body,
        out_type=jax.ShapeDtypeStruct((n_pad, d), jnp.float32),
        mesh=mesh,
        scratch_types=[
            pltpu.VMEM((n_chunks, cg), jnp.int32),
            pltpu.VMEM((cg, d), jnp.float32),
            pltpu.VMEM((cg, d), jnp.float32),
            pltpu.VMEM_SHARED((acc_rows, d), jnp.float32),
            pltpu.SemaphoreType.DMA,
            pltpu.SemaphoreType.DMA,
        ],
        compiler_params=_SC_PARAMS,
    )
    return f(payload, dst2, zeros_init)



def _dot(a, b):
    return jnp.dot(a, b, preferred_element_type=jnp.float32)


def _encoder_body(x_ref, w1, b1, w2, b2, o_ref):
    h1 = jnp.maximum(_dot(x_ref[...], w1[...]) + b1[...], 0.0)
    o_ref[...] = jnp.maximum(_dot(h1, w2[...]) + b2[...], 0.0)


def _encode(x_pad, w1, b1, w2, b2):
    n_pad, nd = x_pad.shape
    hid = w1.shape[1]
    blk = 1024
    return pl.pallas_call(
        _encoder_body,
        grid=(n_pad // blk,),
        in_specs=[
            pl.BlockSpec((blk, nd), lambda i: (i, 0)),
            pl.BlockSpec((nd, hid), lambda i: (0, 0)),
            pl.BlockSpec((1, hid), lambda i: (0, 0)),
            pl.BlockSpec((hid, hid), lambda i: (0, 0)),
            pl.BlockSpec((1, hid), lambda i: (0, 0)),
        ],
        out_specs=pl.BlockSpec((blk, hid), lambda i: (i, 0)),
        out_shape=jax.ShapeDtypeStruct((n_pad, hid), jnp.float32),
    )(x_pad, w1, b1, w2, b2)


def _edge_body(hs_ref, ea_ref, nts_ref, ntd_ref, w1h, w1e, b1, w2, b2,
               a1h, a1e, ab1, a2, ab2, o_ref):
    hs = hs_ref[...]
    ea = ea_ref[...]
    pre = _dot(hs, w1h[...]) + _dot(ea, w1e[...]) + b1[...]
    m = _dot(jnp.maximum(pre, 0.0), w2[...]) + b2[...]
    apre = _dot(hs, a1h[...]) + _dot(ea, a1e[...]) + ab1[...]
    a = _dot(jnp.maximum(apre, 0.0), a2[...]) + ab2[...]
    ok = (nts_ref[...] == 0) & (ntd_ref[...] == 1)
    w = jnp.where(ok, jnp.exp(a), 0.0)
    pad = jnp.zeros((hs.shape[0], _PAY - m.shape[1] - 1), jnp.float32)
    o_ref[...] = jnp.concatenate([m * w, w, pad], axis=1)


def _edge_mlps(hs, ea, nt_s, nt_d, w1h, w1e, b1, w2, b2,
               a1h, a1e, ab1, a2, ab2):
    e, hid = hs.shape
    ed = ea.shape[1]
    hh = a1h.shape[1]
    full = lambda shape: pl.BlockSpec(shape, lambda i: tuple(0 for _ in shape))
    return pl.pallas_call(
        _edge_body,
        grid=(e // _BE,),
        in_specs=[
            pl.BlockSpec((_BE, hid), lambda i: (i, 0)),
            pl.BlockSpec((_BE, ed), lambda i: (i, 0)),
            pl.BlockSpec((_BE, 1), lambda i: (i, 0)),
            pl.BlockSpec((_BE, 1), lambda i: (i, 0)),
            full((hid, hid)), full((ed, hid)), full((1, hid)),
            full((hid, hid)), full((1, hid)),
            full((hid, hh)), full((ed, hh)), full((1, hh)),
            full((hh, 1)), full((1, 1)),
        ],
        out_specs=pl.BlockSpec((_BE, _PAY), lambda i: (i, 0)),
        out_shape=jax.ShapeDtypeStruct((e, _PAY), jnp.float32),
    )(hs, ea, nt_s, nt_d, w1h, w1e, b1, w2, b2, a1h, a1e, ab1, a2, ab2)


def _combine_body(h_ref, p_ref, g_ref, b_ref, o_ref):
    hid = h_ref.shape[1]
    tot = p_ref[...]
    num = tot[:, :hid]
    den = tot[:, hid:hid + 1]
    aggr = num / (den + 1e-30)
    hv = h_ref[...]
    hb = hv + aggr
    mu = jnp.mean(hb, axis=1, keepdims=True)
    var = jnp.mean((hb - mu) ** 2, axis=1, keepdims=True)
    hb = (hb - mu) * lax.rsqrt(var + 1e-5) * g_ref[...] + b_ref[...]
    o_ref[...] = jnp.maximum(hb, 0.0) + hv


def _combine(h_pad, partials, g, b):
    n_pad, hid = h_pad.shape
    return pl.pallas_call(
        _combine_body,
        grid=(n_pad // _NB,),
        in_specs=[
            pl.BlockSpec((_NB, hid), lambda i: (i, 0)),
            pl.BlockSpec((_NB, _PAY), lambda i: (i, 0)),
            pl.BlockSpec((1, hid), lambda i: (0, 0)),
            pl.BlockSpec((1, hid), lambda i: (0, 0)),
        ],
        out_specs=pl.BlockSpec((_NB, hid), lambda i: (i, 0)),
        out_shape=jax.ShapeDtypeStruct((n_pad, hid), jnp.float32),
    )(h_pad, partials, g, b)


def _head_body(hyp_ref, w1, b1, w2, b2, o_ref):
    h1 = jnp.maximum(_dot(hyp_ref[...], w1[...]) + b1[...], 0.0)
    o_ref[...] = _dot(h1, w2[...]) + b2[...]


def _head(hyp, w1, b1, w2, b2):
    k = hyp.shape[0]
    return pl.pallas_call(
        _head_body,
        out_shape=jax.ShapeDtypeStruct((k, 1), jnp.float32),
    )(hyp, w1, b1, w2, b2)



def kernel(x, edge_index, edge_attr, node_type, hypoth_idx,
           enc_W1, enc_b1, enc_W2, enc_b2, msg_W1, msg_b1, msg_W2, msg_b2,
           att_W1, att_b1, att_W2, att_b2, ln_g, ln_b,
           head_W1, head_b1, head_W2, head_b2):
    n, node_d = x.shape
    e = edge_index.shape[1]
    hid = enc_W2.shape[0]
    layers = msg_W1.shape[0]
    hh = att_W1.shape[2]

    n_pad = ((n + 1023) // 1024) * 1024

    src = edge_index[0].astype(jnp.int32)
    dst = edge_index[1].astype(jnp.int32)

    nt_s, nt_d = _sc_gather_scalars(node_type, src, dst)
    nt_s = nt_s.reshape(e, 1)
    nt_d = nt_d.reshape(e, 1)

    half = n_pad // 2
    dst_lo = jnp.where(dst < half, dst, half)
    dst_hi = jnp.where(dst >= half, dst - half, half)
    dst2 = jnp.stack([dst_lo, dst_hi]).reshape(2, 16, -1, 100)
    zeros_init = jnp.zeros((half + 16, _PAY), jnp.float32)

    x_pad = jnp.pad(x, ((0, n_pad - n), (0, 0)))
    h = _encode(x_pad, enc_W1, enc_b1.reshape(1, hid), enc_W2,
                enc_b2.reshape(1, hid))

    for l in range(layers):
        w1 = msg_W1[l]
        w1h = w1[:hid]
        w1e = w1[hid:]
        a1 = att_W1[l]
        a1h = a1[:hid]
        a1e = a1[hid:]

        hs = _sc_gather_rows(h, src)
        payload = _edge_mlps(
            hs, edge_attr, nt_s, nt_d,
            w1h, w1e, msg_b1[l].reshape(1, hid), msg_W2[l],
            msg_b2[l].reshape(1, hid),
            a1h, a1e, att_b1[l].reshape(1, hh), att_W2[l],
            att_b2[l].reshape(1, 1))
        partials = _sc_scatter_add(payload, dst2, zeros_init, n_pad)
        h = _combine(h, partials, ln_g[l].reshape(1, hid),
                     ln_b[l].reshape(1, hid))

    hyp = _sc_gather_rows(h, hypoth_idx.astype(jnp.int32))
    logits = _head(hyp, head_W1, head_b1.reshape(1, hh), head_W2,
                   head_b2.reshape(1, 1))
    return logits.reshape(-1)

# --- scband reference (transcript-rebuilt; emitter-appended) ---
"""Pipeline reference for scband-hypothesis-scorer-3959959847188 (READ-ONLY COPY).

The authoritative reference and input builder live on the scoring server;
editing this copy changes nothing except your own understanding.
"""

import jax, jax.numpy as jnp
import numpy as np

N = 10000
E = 640000
NODE_D = 6
EDGE_D = 3
HID = 128
LAYERS = 3
K = 1024


def setup_inputs(seed: int = 0):
    key = jax.random.key(seed)
    ks = jax.random.split(key, 16)
    sc = 0.05
    inp = {}
    inp["x"] = jax.random.normal(ks[0], (N, NODE_D), dtype=jnp.float32)
    inp["edge_index"] = jax.random.randint(ks[1], (2, E), 0, N, dtype=jnp.int32)
    inp["edge_attr"] = jax.random.normal(ks[2], (E, EDGE_D), dtype=jnp.float32)
    inp["node_type"] = jax.random.randint(ks[3], (N,), 0, 2, dtype=jnp.int32)
    inp["hypoth_idx"] = jax.random.randint(ks[4], (K,), 0, N, dtype=jnp.int32)
    inp["enc_W1"] = jax.random.normal(ks[5], (NODE_D, HID)) * sc
    inp["enc_b1"] = jnp.zeros((HID,))
    inp["enc_W2"] = jax.random.normal(ks[6], (HID, HID)) * sc
    inp["enc_b2"] = jnp.zeros((HID,))
    inp["msg_W1"] = jax.random.normal(ks[7], (LAYERS, HID + EDGE_D, HID)) * sc
    inp["msg_b1"] = jnp.zeros((LAYERS, HID))
    inp["msg_W2"] = jax.random.normal(ks[8], (LAYERS, HID, HID)) * sc
    inp["msg_b2"] = jnp.zeros((LAYERS, HID))
    inp["att_W1"] = jax.random.normal(ks[9], (LAYERS, HID + EDGE_D, HID // 2)) * sc
    inp["att_b1"] = jnp.zeros((LAYERS, HID // 2))
    inp["att_W2"] = jax.random.normal(ks[10], (LAYERS, HID // 2, 1)) * sc
    inp["att_b2"] = jnp.zeros((LAYERS, 1))
    inp["ln_g"] = jnp.ones((LAYERS, HID))
    inp["ln_b"] = jnp.zeros((LAYERS, HID))
    inp["head_W1"] = jax.random.normal(ks[11], (HID, HID // 2)) * sc
    inp["head_b1"] = jnp.zeros((HID // 2,))
    inp["head_W2"] = jax.random.normal(ks[12], (HID // 2, 1)) * sc
    inp["head_b2"] = jnp.zeros((1,))
    return inp


def _forward(x, edge_attr, enc_W1, enc_b1, enc_W2, enc_b2, msg_W1, msg_b1, msg_W2, msg_b2,
             att_W1, att_b1, att_W2, att_b2, ln_g, ln_b, head_W1, head_b1, head_W2, head_b2,
             s, d, mask, hypoth_idx):
    n = x.shape[0]
    h = jax.nn.relu(x @ enc_W1 + enc_b1)
    h = jax.nn.relu(h @ enc_W2 + enc_b2)
    ea = edge_attr
    for l in range(LAYERS):
        h_res = h
        z = jnp.concatenate([h[s], ea], axis=-1)
        m = jax.nn.relu(z @ msg_W1[l] + msg_b1[l]) @ msg_W2[l] + msg_b2[l]
        a = (jax.nn.relu(z @ att_W1[l] + att_b1[l]) @ att_W2[l] + att_b2[l])[:, 0]
        a_masked = jnp.where(mask, a, -jnp.inf)
        amax = jax.ops.segment_max(a_masked, d, num_segments=n)
        ex = jnp.where(mask, jnp.exp(a - amax[d]), 0.0)
        den = jax.ops.segment_sum(ex, d, num_segments=n)
        alpha = ex / (den[d] + 1e-16)
        aggr = jax.ops.segment_sum(m * alpha[:, None], d, num_segments=n)
        hb = h + aggr
        mu = jnp.mean(hb, axis=-1, keepdims=True)
        var = jnp.mean((hb - mu) ** 2, axis=-1, keepdims=True)
        hb = (hb - mu) / jnp.sqrt(var + 1e-5) * ln_g[l] + ln_b[l]
        h = jax.nn.relu(hb) + h_res
    hyp = h[hypoth_idx]
    logits = (jax.nn.relu(hyp @ head_W1 + head_b1) @ head_W2 + head_b2)[:, 0]
    return logits


def reference(x, edge_index, edge_attr, node_type, hypoth_idx,
              enc_W1, enc_b1, enc_W2, enc_b2, msg_W1, msg_b1, msg_W2, msg_b2,
              att_W1, att_b1, att_W2, att_b2, ln_g, ln_b,
              head_W1, head_b1, head_W2, head_b2):
    src = edge_index[0]
    dst = edge_index[1]
    mask = (node_type[src] == 0) & (node_type[dst] == 1)
    s = src
    d = dst
    return _forward(x, edge_attr, enc_W1, enc_b1, enc_W2, enc_b2,
                    msg_W1, msg_b1, msg_W2, msg_b2,
                    att_W1, att_b1, att_W2, att_b2, ln_g, ln_b,
                    head_W1, head_b1, head_W2, head_b2,
                    s, d, mask, hypoth_idx)


if False:  # reference __main__ guard neutralized (emitter)
    out = reference(**setup_inputs())
    print(out.shape, out.dtype)

if __name__ == "__main__":
    import jax
    _d = setup_inputs()
    print(jax.jit(kernel)(*tuple(_d.values())))

</pallas_src>

<mosaic_0001>
#map = affine_map<(d0, d1) -> (0, 0)>
#map1 = affine_map<(d0, d1) -> (0)>
module attributes {stable_mosaic.version = 14 : i64} {
  func.func @body(%arg0: i32, %arg1: i32, %arg2: memref<10240x128xf32, #tpu.memory_space<hbm>>, %arg3: memref<640000xi32, #tpu.memory_space<hbm>>, %arg4: memref<640000x128xf32, #tpu.memory_space<hbm>>, %arg5: memref<800xi32, #tpu.memory_space<vmem>>, %arg6: memref<800x128xf32, #tpu.memory_space<vmem>>, %arg7: memref<!tpu.dma_semaphore, #tpu.memory_space<semaphore_mem>>) attributes {dimension_semantics = [#tpu.dimension_semantics<core_parallel>, #tpu.dimension_semantics<subcore_parallel>], iteration_bounds = array<i64: 2, 16>, scalar_prefetch = 0 : i64, scratch_operands = 3 : i64, tpu.core_type = #tpu.core_type<sc_vector_subcore>, window_params = [{transform_indices = #map}, {transform_indices = #map1}, {transform_indices = #map}]} {
    %mul3A = arith.constant 2 : i32
    %mul3A_0 = arith.muli %arg1, %mul3A : i32
    %add3A = arith.addi %mul3A_0, %arg0 : i32
    %mul3A_1 = arith.constant 20000 : i32
    %mul3A_2 = arith.muli %add3A, %mul3A_1 : i32
    %scan3A = arith.constant 0 : i32
    %scan3A_3 = arith.constant 0 : i32
    %scan3A_4 = arith.constant 25 : i32
    %scan3A_5 = arith.addi %scan3A_3, %scan3A_4 : i32
    %scan3A_6 = arith.constant 1 : i32
    scf.for %scan3A_8 = %scan3A_3 to %scan3A_5 step %scan3A_6  : i32 {
      %mul3A_9 = arith.constant 800 : i32
      %mul3A_10 = arith.muli %scan3A_8, %mul3A_9 : i32
      %add3A_11 = arith.addi %mul3A_2, %mul3A_10 : i32
      "tpu.region"() ({
        %run_scoped3A = tpu.sem_alloc : memref<!tpu.dma_semaphore, #tpu.memory_space<semaphore_mem>>
        %dma_start3A_16 = tpu.memref_slice %arg3[%add3A_11] : memref<640000xi32, #tpu.memory_space<hbm>> -> memref<800xi32, #tpu.memory_space<hbm>>
        %dma_start3A_17 = tpu.memref_slice %arg3[%add3A_11] : memref<640000xi32, #tpu.memory_space<hbm>> -> memref<800xi32, #tpu.memory_space<hbm>>
        tpu.enqueue_dma source(%dma_start3A_17 : memref<800xi32, #tpu.memory_space<hbm>>) target(%arg5 : memref<800xi32, #tpu.memory_space<vmem>>) target_semaphore(%run_scoped3A : memref<!tpu.dma_semaphore, #tpu.memory_space<semaphore_mem>>)
        %dma_wait3A_18 = tpu.memref_slice %arg3[%add3A_11] : memref<640000xi32, #tpu.memory_space<hbm>> -> memref<800xi32, #tpu.memory_space<hbm>>
        %dma_wait3A_19 = tpu.memref_slice %arg3[%add3A_11] : memref<640000xi32, #tpu.memory_space<hbm>> -> memref<800xi32, #tpu.memory_space<hbm>>
        tpu.wait_dma2 semaphore(%run_scoped3A : memref<!tpu.dma_semaphore, #tpu.memory_space<semaphore_mem>>) src(%dma_wait3A_19 : memref<800xi32, #tpu.memory_space<hbm>>) dst(%arg5 : memref<800xi32, #tpu.memory_space<vmem>>)
        tpu.yield
      }) : () -> ()
      %dma_start3A = arith.constant 0 : i32
      %dma_start3A_12 = arith.constant 0 : i32
      %dma_start3A_13 = tpu.memref_slice %arg2[%dma_start3A, %dma_start3A_12] : memref<10240x128xf32, #tpu.memory_space<hbm>> -> memref<10240x128xf32, #tpu.memory_space<hbm>>
      tpu.enqueue_indirect_dma source(%dma_start3A_13 : memref<10240x128xf32, #tpu.memory_space<hbm>>) target(%arg6 : memref<800x128xf32, #tpu.memory_space<vmem>>) offsets(%arg5 : memref<800xi32, #tpu.memory_space<vmem>>) semaphore(%arg7 : memref<!tpu.dma_semaphore, #tpu.memory_space<semaphore_mem>>)
      %dma_wait3A = arith.constant 0 : i32
      %dma_wait3A_14 = arith.constant 0 : i32
      %dma_wait3A_15 = tpu.memref_slice %arg2[%dma_wait3A, %dma_wait3A_14] : memref<10240x128xf32, #tpu.memory_space<hbm>> -> memref<10240x128xf32, #tpu.memory_space<hbm>>
      tpu.wait_indirect_dma semaphore(%arg7 : memref<!tpu.dma_semaphore, #tpu.memory_space<semaphore_mem>>) src(%dma_wait3A_15 : memref<10240x128xf32, #tpu.memory_space<hbm>>) dst(%arg6 : memref<800x128xf32, #tpu.memory_space<vmem>>)
      "tpu.region"() ({
        %run_scoped3A = tpu.sem_alloc : memref<!tpu.dma_semaphore, #tpu.memory_space<semaphore_mem>>
        %dma_start3A_16 = arith.constant 0 : i32
        %dma_start3A_17 = tpu.memref_slice %arg4[%add3A_11, %dma_start3A_16] : memref<640000x128xf32, #tpu.memory_space<hbm>> -> memref<800x128xf32, #tpu.memory_space<hbm>>
        %dma_start3A_18 = arith.constant 0 : i32
        %dma_start3A_19 = tpu.memref_slice %arg4[%add3A_11, %dma_start3A_18] : memref<640000x128xf32, #tpu.memory_space<hbm>> -> memref<800x128xf32, #tpu.memory_space<hbm>>
        tpu.enqueue_dma source(%arg6 : memref<800x128xf32, #tpu.memory_space<vmem>>) target(%dma_start3A_19 : memref<800x128xf32, #tpu.memory_space<hbm>>) target_semaphore(%run_scoped3A : memref<!tpu.dma_semaphore, #tpu.memory_space<semaphore_mem>>)
        %dma_wait3A_20 = arith.constant 0 : i32
        %dma_wait3A_21 = tpu.memref_slice %arg4[%add3A_11, %dma_wait3A_20] : memref<640000x128xf32, #tpu.memory_space<hbm>> -> memref<800x128xf32, #tpu.memory_space<hbm>>
        %dma_wait3A_22 = arith.constant 0 : i32
        %dma_wait3A_23 = tpu.memref_slice %arg4[%add3A_11, %dma_wait3A_22] : memref<640000x128xf32, #tpu.memory_space<hbm>> -> memref<800x128xf32, #tpu.memory_space<hbm>>
        tpu.wait_dma2 semaphore(%run_scoped3A : memref<!tpu.dma_semaphore, #tpu.memory_space<semaphore_mem>>) src(%arg6 : memref<800x128xf32, #tpu.memory_space<vmem>>) dst(%dma_wait3A_23 : memref<800x128xf32, #tpu.memory_space<hbm>>)
        tpu.yield
      }) : () -> ()
    }
    %scan3A_7 = arith.constant 25 : i32
    return
  }
}

#map = affine_map<(d0, d1) -> (0, 0)>
#map1 = affine_map<(d0, d1) -> (0, 0, 0, 0)>
module attributes {stable_mosaic.version = 14 : i64} {
  func.func @body(%arg0: i32, %arg1: i32, %arg2: memref<640000x144xf32, #tpu.memory_space<hbm>>, %arg3: memref<2x16x400x100xi32, #tpu.memory_space<hbm>>, %arg4: memref<5136x144xf32, #tpu.memory_space<hbm>>, %arg5: memref<10240x144xf32, #tpu.memory_space<hbm>>, %arg6: memref<400x100xi32, #tpu.memory_space<vmem>>, %arg7: memref<100x144xf32, #tpu.memory_space<vmem>>, %arg8: memref<100x144xf32, #tpu.memory_space<vmem>>, %arg9: memref<5136x144xf32, #tpu.memory_space<vmem_shared>>, %arg10: memref<!tpu.dma_semaphore, #tpu.memory_space<semaphore_mem>>, %arg11: memref<!tpu.dma_semaphore, #tpu.memory_space<semaphore_mem>>) attributes {dimension_semantics = [#tpu.dimension_semantics<core_parallel>, #tpu.dimension_semantics<subcore_parallel>], iteration_bounds = array<i64: 2, 16>, scalar_prefetch = 0 : i64, scratch_operands = 6 : i64, tpu.core_type = #tpu.core_type<sc_vector_subcore>, window_params = [{transform_indices = #map}, {transform_indices = #map1}, {transform_indices = #map}, {transform_indices = #map}]} {
    %mul3A = arith.constant 321 : i32
    %mul3A_0 = arith.muli %arg1, %mul3A : i32
    %mul3A_1 = arith.constant 321 : i32
    %mul3A_2 = arith.muli %arg1, %mul3A_1 : i32
    "tpu.region"() ({
      %run_scoped3A = tpu.sem_alloc : memref<!tpu.dma_semaphore, #tpu.memory_space<semaphore_mem>>
      %dma_start3A_27 = arith.constant 0 : i32
      %dma_start3A_28 = tpu.memref_slice %arg9[%mul3A_2, %dma_start3A_27] : memref<5136x144xf32, #tpu.memory_space<vmem_shared>> -> memref<321x144xf32, #tpu.memory_space<vmem_shared>>
      %dma_start3A_29 = arith.constant 0 : i32
      %dma_start3A_30 = tpu.memref_slice %arg4[%mul3A_0, %dma_start3A_29] : memref<5136x144xf32, #tpu.memory_space<hbm>> -> memref<321x144xf32, #tpu.memory_space<hbm>>
      tpu.enqueue_dma source(%dma_start3A_30 : memref<321x144xf32, #tpu.memory_space<hbm>>) target(%dma_start3A_28 : memref<321x144xf32, #tpu.memory_space<vmem_shared>>) target_semaphore(%run_scoped3A : memref<!tpu.dma_semaphore, #tpu.memory_space<semaphore_mem>>)
      %dma_wait3A_31 = arith.constant 0 : i32
      %dma_wait3A_32 = tpu.memref_slice %arg9[%mul3A_2, %dma_wait3A_31] : memref<5136x144xf32, #tpu.memory_space<vmem_shared>> -> memref<321x144xf32, #tpu.memory_space<vmem_shared>>
      %dma_wait3A_33 = arith.constant 0 : i32
      %dma_wait3A_34 = tpu.memref_slice %arg4[%mul3A_0, %dma_wait3A_33] : memref<5136x144xf32, #tpu.memory_space<hbm>> -> memref<321x144xf32, #tpu.memory_space<hbm>>
      tpu.wait_dma2 semaphore(%run_scoped3A : memref<!tpu.dma_semaphore, #tpu.memory_space<semaphore_mem>>) src(%dma_wait3A_34 : memref<321x144xf32, #tpu.memory_space<hbm>>) dst(%dma_wait3A_32 : memref<321x144xf32, #tpu.memory_space<vmem_shared>>)
      tpu.yield
    }) : () -> ()
    %barrier3A = arith.constant 0 : index
    tpu.barrier barrier_id(%barrier3A)
    %mul3A_3 = arith.constant 40000 : i32
    %mul3A_4 = arith.muli %arg1, %mul3A_3 : i32
    "tpu.region"() ({
      %run_scoped3A = tpu.sem_alloc : memref<!tpu.dma_semaphore, #tpu.memory_space<semaphore_mem>>
      %dma_start3A_27 = arith.constant 0 : i32
      %dma_start3A_28 = arith.constant 0 : i32
      %dma_start3A_29 = tpu.memref_slice %arg3[%arg0, %arg1, %dma_start3A_27, %dma_start3A_28] : memref<2x16x400x100xi32, #tpu.memory_space<hbm>> -> memref<1x1x400x100xi32, #tpu.memory_space<hbm>>
      %dma_start3A_30 = tpu.memref_squeeze %dma_start3A_29 : memref<1x1x400x100xi32, #tpu.memory_space<hbm>> -> memref<400x100xi32, #tpu.memory_space<hbm>>
      %dma_start3A_31 = arith.constant 0 : i32
      %dma_start3A_32 = arith.constant 0 : i32
      %dma_start3A_33 = tpu.memref_slice %arg3[%arg0, %arg1, %dma_start3A_31, %dma_start3A_32] : memref<2x16x400x100xi32, #tpu.memory_space<hbm>> -> memref<1x1x400x100xi32, #tpu.memory_space<hbm>>
      %dma_start3A_34 = tpu.memref_squeeze %dma_start3A_33 : memref<1x1x400x100xi32, #tpu.memory_space<hbm>> -> memref<400x100xi32, #tpu.memory_space<hbm>>
      tpu.enqueue_dma source(%dma_start3A_34 : memref<400x100xi32, #tpu.memory_space<hbm>>) target(%arg6 : memref<400x100xi32, #tpu.memory_space<vmem>>) target_semaphore(%run_scoped3A : memref<!tpu.dma_semaphore, #tpu.memory_space<semaphore_mem>>)
      %dma_wait3A_35 = arith.constant 0 : i32
      %dma_wait3A_36 = arith.constant 0 : i32
      %dma_wait3A_37 = tpu.memref_slice %arg3[%arg0, %arg1, %dma_wait3A_35, %dma_wait3A_36] : memref<2x16x400x100xi32, #tpu.memory_space<hbm>> -> memref<1x1x400x100xi32, #tpu.memory_space<hbm>>
      %dma_wait3A_38 = tpu.memref_squeeze %dma_wait3A_37 : memref<1x1x400x100xi32, #tpu.memory_space<hbm>> -> memref<400x100xi32, #tpu.memory_space<hbm>>
      %dma_wait3A_39 = arith.constant 0 : i32
      %dma_wait3A_40 = arith.constant 0 : i32
      %dma_wait3A_41 = tpu.memref_slice %arg3[%arg0, %arg1, %dma_wait3A_39, %dma_wait3A_40] : memref<2x16x400x100xi32, #tpu.memory_space<hbm>> -> memref<1x1x400x100xi32, #tpu.memory_space<hbm>>
      %dma_wait3A_42 = tpu.memref_squeeze %dma_wait3A_41 : memref<1x1x400x100xi32, #tpu.memory_space<hbm>> -> memref<400x100xi32, #tpu.memory_space<hbm>>
      tpu.wait_dma2 semaphore(%run_scoped3A : memref<!tpu.dma_semaphore, #tpu.memory_space<semaphore_mem>>) src(%dma_wait3A_42 : memref<400x100xi32, #tpu.memory_space<hbm>>) dst(%arg6 : memref<400x100xi32, #tpu.memory_space<vmem>>)
      tpu.yield
    }) : () -> ()
    %add3A = arith.constant 0 : i32
    %add3A_5 = arith.addi %mul3A_4, %add3A : i32
    %dma_start3A = arith.constant 0 : i32
    %dma_start3A_6 = tpu.memref_slice %arg2[%add3A_5, %dma_start3A] : memref<640000x144xf32, #tpu.memory_space<hbm>> -> memref<100x144xf32, #tpu.memory_space<hbm>>
    %dma_start3A_7 = arith.constant 0 : i32
    %dma_start3A_8 = tpu.memref_slice %arg2[%add3A_5, %dma_start3A_7] : memref<640000x144xf32, #tpu.memory_space<hbm>> -> memref<100x144xf32, #tpu.memory_space<hbm>>
    tpu.enqueue_dma source(%dma_start3A_8 : memref<100x144xf32, #tpu.memory_space<hbm>>) target(%arg7 : memref<100x144xf32, #tpu.memory_space<vmem>>) target_semaphore(%arg10 : memref<!tpu.dma_semaphore, #tpu.memory_space<semaphore_mem>>)
    %scan3A = arith.constant 0 : i32
    %scan3A_9 = arith.constant 0 : i32
    %scan3A_10 = arith.constant 200 : i32
    %scan3A_11 = arith.addi %scan3A_9, %scan3A_10 : i32
    %scan3A_12 = arith.constant 1 : i32
    scf.for %scan3A_27 = %scan3A_9 to %scan3A_11 step %scan3A_12  : i32 {
      %mul3A_28 = arith.constant 2 : i32
      %mul3A_29 = arith.muli %mul3A_28, %scan3A_27 : i32
      %add3A_30 = arith.constant 1 : i32
      %add3A_31 = arith.addi %mul3A_29, %add3A_30 : i32
      %mul3A_32 = arith.constant 100 : i32
      %mul3A_33 = arith.muli %add3A_31, %mul3A_32 : i32
      %add3A_34 = arith.addi %mul3A_4, %mul3A_33 : i32
      %dma_start3A_35 = arith.constant 0 : i32
      %dma_start3A_36 = tpu.memref_slice %arg2[%add3A_34, %dma_start3A_35] : memref<640000x144xf32, #tpu.memory_space<hbm>> -> memref<100x144xf32, #tpu.memory_space<hbm>>
      %dma_start3A_37 = arith.constant 0 : i32
      %dma_start3A_38 = tpu.memref_slice %arg2[%add3A_34, %dma_start3A_37] : memref<640000x144xf32, #tpu.memory_space<hbm>> -> memref<100x144xf32, #tpu.memory_space<hbm>>
      tpu.enqueue_dma source(%dma_start3A_38 : memref<100x144xf32, #tpu.memory_space<hbm>>) target(%arg8 : memref<100x144xf32, #tpu.memory_space<vmem>>) target_semaphore(%arg11 : memref<!tpu.dma_semaphore, #tpu.memory_space<semaphore_mem>>)
      %mul3A_39 = arith.constant 100 : i32
      %mul3A_40 = arith.muli %mul3A_29, %mul3A_39 : i32
      %add3A_41 = arith.addi %mul3A_4, %mul3A_40 : i32
      %dma_wait3A_42 = arith.constant 0 : i32
      %dma_wait3A_43 = tpu.memref_slice %arg2[%add3A_41, %dma_wait3A_42] : memref<640000x144xf32, #tpu.memory_space<hbm>> -> memref<100x144xf32, #tpu.memory_space<hbm>>
      %dma_wait3A_44 = arith.constant 0 : i32
      %dma_wait3A_45 = tpu.memref_slice %arg2[%add3A_41, %dma_wait3A_44] : memref<640000x144xf32, #tpu.memory_space<hbm>> -> memref<100x144xf32, #tpu.memory_space<hbm>>
      tpu.wait_dma2 semaphore(%arg10 : memref<!tpu.dma_semaphore, #tpu.memory_space<semaphore_mem>>) src(%dma_wait3A_45 : memref<100x144xf32, #tpu.memory_space<hbm>>) dst(%arg7 : memref<100x144xf32, #tpu.memory_space<vmem>>)
      "tpu.region"() ({
        %run_scoped3A = tpu.sem_alloc : memref<!tpu.dma_semaphore, #tpu.memory_space<semaphore_mem>>
        %dma_start3A_63 = arith.constant 0 : i32
        %dma_start3A_64 = tpu.memref_slice %arg6[%mul3A_29, %dma_start3A_63] : memref<400x100xi32, #tpu.memory_space<vmem>> -> memref<1x100xi32, #tpu.memory_space<vmem>>
        %dma_start3A_65 = tpu.memref_squeeze %dma_start3A_64 : memref<1x100xi32, #tpu.memory_space<vmem>> -> memref<100xi32, #tpu.memory_space<vmem>>
        %dma_start3A_66 = arith.constant 0 : i32
        %dma_start3A_67 = arith.constant 0 : i32
        %dma_start3A_68 = tpu.memref_slice %arg9[%dma_start3A_66, %dma_start3A_67] : memref<5136x144xf32, #tpu.memory_space<vmem_shared>> -> memref<5136x144xf32, #tpu.memory_space<vmem_shared>>
        tpu.enqueue_indirect_dma source(%arg7 : memref<100x144xf32, #tpu.memory_space<vmem>>) target(%dma_start3A_68 : memref<5136x144xf32, #tpu.memory_space<vmem_shared>>) offsets(%dma_start3A_65 : memref<100xi32, #tpu.memory_space<vmem>>) semaphore(%run_scoped3A : memref<!tpu.dma_semaphore, #tpu.memory_space<semaphore_mem>>) {add = true}
        %dma_wait3A_69 = arith.constant 0 : i32
        %dma_wait3A_70 = tpu.memref_slice %arg6[%mul3A_29, %dma_wait3A_69] : memref<400x100xi32, #tpu.memory_space<vmem>> -> memref<1x100xi32, #tpu.memory_space<vmem>>
        %dma_wait3A_71 = tpu.memref_squeeze %dma_wait3A_70 : memref<1x100xi32, #tpu.memory_space<vmem>> -> memref<100xi32, #tpu.memory_space<vmem>>
        %dma_wait3A_72 = arith.constant 0 : i32
        %dma_wait3A_73 = arith.constant 0 : i32
        %dma_wait3A_74 = tpu.memref_slice %arg9[%dma_wait3A_72, %dma_wait3A_73] : memref<5136x144xf32, #tpu.memory_space<vmem_shared>> -> memref<5136x144xf32, #tpu.memory_space<vmem_shared>>
        tpu.wait_indirect_dma semaphore(%run_scoped3A : memref<!tpu.dma_semaphore, #tpu.memory_space<semaphore_mem>>) src(%arg7 : memref<100x144xf32, #tpu.memory_space<vmem>>) dst(%dma_wait3A_74 : memref<5136x144xf32, #tpu.memory_space<vmem_shared>>)
        tpu.yield
      }) : () -> ()
      %add3A_46 = arith.constant 2 : i32
      %add3A_47 = arith.addi %mul3A_29, %add3A_46 : i32
      %min3A = arith.constant 399 : i32
      %min3A_48 = arith.minsi %add3A_47, %min3A : i32
      %mul3A_49 = arith.constant 100 : i32
      %mul3A_50 = arith.muli %min3A_48, %mul3A_49 : i32
      %add3A_51 = arith.addi %mul3A_4, %mul3A_50 : i32
      %dma_start3A_52 = arith.constant 0 : i32
      %dma_start3A_53 = tpu.memref_slice %arg2[%add3A_51, %dma_start3A_52] : memref<640000x144xf32, #tpu.memory_space<hbm>> -> memref<100x144xf32, #tpu.memory_space<hbm>>
      %dma_start3A_54 = arith.constant 0 : i32
      %dma_start3A_55 = tpu.memref_slice %arg2[%add3A_51, %dma_start3A_54] : memref<640000x144xf32, #tpu.memory_space<hbm>> -> memref<100x144xf32, #tpu.memory_space<hbm>>
      tpu.enqueue_dma source(%dma_start3A_55 : memref<100x144xf32, #tpu.memory_space<hbm>>) target(%arg7 : memref<100x144xf32, #tpu.memory_space<vmem>>) target_semaphore(%arg10 : memref<!tpu.dma_semaphore, #tpu.memory_space<semaphore_mem>>)
      %mul3A_56 = arith.constant 100 : i32
      %mul3A_57 = arith.muli %add3A_31, %mul3A_56 : i32
      %add3A_58 = arith.addi %mul3A_4, %mul3A_57 : i32
      %dma_wait3A_59 = arith.constant 0 : i32
      %dma_wait3A_60 = tpu.memref_slice %arg2[%add3A_58, %dma_wait3A_59] : memref<640000x144xf32, #tpu.memory_space<hbm>> -> memref<100x144xf32, #tpu.memory_space<hbm>>
      %dma_wait3A_61 = arith.constant 0 : i32
      %dma_wait3A_62 = tpu.memref_slice %arg2[%add3A_58, %dma_wait3A_61] : memref<640000x144xf32, #tpu.memory_space<hbm>> -> memref<100x144xf32, #tpu.memory_space<hbm>>
      tpu.wait_dma2 semaphore(%arg11 : memref<!tpu.dma_semaphore, #tpu.memory_space<semaphore_mem>>) src(%dma_wait3A_62 : memref<100x144xf32, #tpu.memory_space<hbm>>) dst(%arg8 : memref<100x144xf32, #tpu.memory_space<vmem>>)
      "tpu.region"() ({
        %run_scoped3A = tpu.sem_alloc : memref<!tpu.dma_semaphore, #tpu.memory_space<semaphore_mem>>
        %dma_start3A_63 = arith.constant 0 : i32
        %dma_start3A_64 = tpu.memref_slice %arg6[%add3A_31, %dma_start3A_63] : memref<400x100xi32, #tpu.memory_space<vmem>> -> memref<1x100xi32, #tpu.memory_space<vmem>>
        %dma_start3A_65 = tpu.memref_squeeze %dma_start3A_64 : memref<1x100xi32, #tpu.memory_space<vmem>> -> memref<100xi32, #tpu.memory_space<vmem>>
        %dma_start3A_66 = arith.constant 0 : i32
        %dma_start3A_67 = arith.constant 0 : i32
        %dma_start3A_68 = tpu.memref_slice %arg9[%dma_start3A_66, %dma_start3A_67] : memref<5136x144xf32, #tpu.memory_space<vmem_shared>> -> memref<5136x144xf32, #tpu.memory_space<vmem_shared>>
        tpu.enqueue_indirect_dma source(%arg8 : memref<100x144xf32, #tpu.memory_space<vmem>>) target(%dma_start3A_68 : memref<5136x144xf32, #tpu.memory_space<vmem_shared>>) offsets(%dma_start3A_65 : memref<100xi32, #tpu.memory_space<vmem>>) semaphore(%run_scoped3A : memref<!tpu.dma_semaphore, #tpu.memory_space<semaphore_mem>>) {add = true}
        %dma_wait3A_69 = arith.constant 0 : i32
        %dma_wait3A_70 = tpu.memref_slice %arg6[%add3A_31, %dma_wait3A_69] : memref<400x100xi32, #tpu.memory_space<vmem>> -> memref<1x100xi32, #tpu.memory_space<vmem>>
        %dma_wait3A_71 = tpu.memref_squeeze %dma_wait3A_70 : memref<1x100xi32, #tpu.memory_space<vmem>> -> memref<100xi32, #tpu.memory_space<vmem>>
        %dma_wait3A_72 = arith.constant 0 : i32
        %dma_wait3A_73 = arith.constant 0 : i32
        %dma_wait3A_74 = tpu.memref_slice %arg9[%dma_wait3A_72, %dma_wait3A_73] : memref<5136x144xf32, #tpu.memory_space<vmem_shared>> -> memref<5136x144xf32, #tpu.memory_space<vmem_shared>>
        tpu.wait_indirect_dma semaphore(%run_scoped3A : memref<!tpu.dma_semaphore, #tpu.memory_space<semaphore_mem>>) src(%arg8 : memref<100x144xf32, #tpu.memory_space<vmem>>) dst(%dma_wait3A_74 : memref<5136x144xf32, #tpu.memory_space<vmem_shared>>)
        tpu.yield
      }) : () -> ()
    }
    %scan3A_13 = arith.constant 200 : i32
    %add3A_14 = arith.constant 39900 : i32
    %add3A_15 = arith.addi %mul3A_4, %add3A_14 : i32
    %dma_wait3A = arith.constant 0 : i32
    %dma_wait3A_16 = tpu.memref_slice %arg2[%add3A_15, %dma_wait3A] : memref<640000x144xf32, #tpu.memory_space<hbm>> -> memref<100x144xf32, #tpu.memory_space<hbm>>
    %dma_wait3A_17 = arith.constant 0 : i32
    %dma_wait3A_18 = tpu.memref_slice %arg2[%add3A_15, %dma_wait3A_17] : memref<640000x144xf32, #tpu.memory_space<hbm>> -> memref<100x144xf32, #tpu.memory_space<hbm>>
    tpu.wait_dma2 semaphore(%arg10 : memref<!tpu.dma_semaphore, #tpu.memory_space<semaphore_mem>>) src(%dma_wait3A_18 : memref<100x144xf32, #tpu.memory_space<hbm>>) dst(%arg7 : memref<100x144xf32, #tpu.memory_space<vmem>>)
    %barrier3A_19 = arith.constant 0 : index
    tpu.barrier barrier_id(%barrier3A_19)
    %mul3A_20 = arith.constant 320 : i32
    %mul3A_21 = arith.muli %arg1, %mul3A_20 : i32
    %mul3A_22 = arith.constant 5120 : i32
    %mul3A_23 = arith.muli %arg0, %mul3A_22 : i32
    %mul3A_24 = arith.constant 320 : i32
    %mul3A_25 = arith.muli %arg1, %mul3A_24 : i32
    %add3A_26 = arith.addi %mul3A_23, %mul3A_25 : i32
    "tpu.region"() ({
      %run_scoped3A = tpu.sem_alloc : memref<!tpu.dma_semaphore, #tpu.memory_space<semaphore_mem>>
      %dma_start3A_27 = arith.constant 0 : i32
      %dma_start3A_28 = tpu.memref_slice %arg5[%add3A_26, %dma_start3A_27] : memref<10240x144xf32, #tpu.memory_space<hbm>> -> memref<320x144xf32, #tpu.memory_space<hbm>>
      %dma_start3A_29 = arith.constant 0 : i32
      %dma_start3A_30 = tpu.memref_slice %arg9[%mul3A_21, %dma_start3A_29] : memref<5136x144xf32, #tpu.memory_space<vmem_shared>> -> memref<320x144xf32, #tpu.memory_space<vmem_shared>>
      tpu.enqueue_dma source(%dma_start3A_30 : memref<320x144xf32, #tpu.memory_space<vmem_shared>>) target(%dma_start3A_28 : memref<320x144xf32, #tpu.memory_space<hbm>>) target_semaphore(%run_scoped3A : memref<!tpu.dma_semaphore, #tpu.memory_space<semaphore_mem>>)
      %dma_wait3A_31 = arith.constant 0 : i32
      %dma_wait3A_32 = tpu.memref_slice %arg5[%add3A_26, %dma_wait3A_31] : memref<10240x144xf32, #tpu.memory_space<hbm>> -> memref<320x144xf32, #tpu.memory_space<hbm>>
      %dma_wait3A_33 = arith.constant 0 : i32
      %dma_wait3A_34 = tpu.memref_slice %arg9[%mul3A_21, %dma_wait3A_33] : memref<5136x144xf32, #tpu.memory_space<vmem_shared>> -> memref<320x144xf32, #tpu.memory_space<vmem_shared>>
      tpu.wait_dma2 semaphore(%run_scoped3A : memref<!tpu.dma_semaphore, #tpu.memory_space<semaphore_mem>>) src(%dma_wait3A_34 : memref<320x144xf32, #tpu.memory_space<vmem_shared>>) dst(%dma_wait3A_32 : memref<320x144xf32, #tpu.memory_space<hbm>>)
      tpu.yield
    }) : () -> ()
    return
  }
}

#map = affine_map<(d0, d1) -> (0)>
module attributes {stable_mosaic.version = 14 : i64} {
  func.func @body(%arg0: i32, %arg1: i32, %arg2: memref<10000xi32, #tpu.memory_space<hbm>>, %arg3: memref<640000xi32, #tpu.memory_space<hbm>>, %arg4: memref<640000xi32, #tpu.memory_space<hbm>>, %arg5: memref<640000xi32, #tpu.memory_space<hbm>>, %arg6: memref<640000xi32, #tpu.memory_space<hbm>>, %arg7: memref<2000xi32, #tpu.memory_space<vmem>>, %arg8: memref<2000xi32, #tpu.memory_space<vmem>>, %arg9: memref<!tpu.dma_semaphore, #tpu.memory_space<semaphore_mem>>) attributes {dimension_semantics = [#tpu.dimension_semantics<core_parallel>, #tpu.dimension_semantics<subcore_parallel>], iteration_bounds = array<i64: 2, 16>, scalar_prefetch = 0 : i64, scratch_operands = 3 : i64, tpu.core_type = #tpu.core_type<sc_vector_subcore>, window_params = [{transform_indices = #map}, {transform_indices = #map}, {transform_indices = #map}, {transform_indices = #map}, {transform_indices = #map}]} {
    %mul3A = arith.constant 2 : i32
    %mul3A_0 = arith.muli %arg1, %mul3A : i32
    %add3A = arith.addi %mul3A_0, %arg0 : i32
    %mul3A_1 = arith.constant 20000 : i32
    %mul3A_2 = arith.muli %add3A, %mul3A_1 : i32
    %scan3A = arith.constant 0 : i32
    %scan3A_3 = arith.constant 0 : i32
    %scan3A_4 = arith.constant 10 : i32
    %scan3A_5 = arith.addi %scan3A_3, %scan3A_4 : i32
    %scan3A_6 = arith.constant 1 : i32
    scf.for %scan3A_8 = %scan3A_3 to %scan3A_5 step %scan3A_6  : i32 {
      %mul3A_9 = arith.constant 2000 : i32
      %mul3A_10 = arith.muli %scan3A_8, %mul3A_9 : i32
      %add3A_11 = arith.addi %mul3A_2, %mul3A_10 : i32
      "tpu.region"() ({
        %run_scoped3A = tpu.sem_alloc : memref<!tpu.dma_semaphore, #tpu.memory_space<semaphore_mem>>
        %dma_start3A_18 = tpu.memref_slice %arg3[%add3A_11] : memref<640000xi32, #tpu.memory_space<hbm>> -> memref<2000xi32, #tpu.memory_space<hbm>>
        %dma_start3A_19 = tpu.memref_slice %arg3[%add3A_11] : memref<640000xi32, #tpu.memory_space<hbm>> -> memref<2000xi32, #tpu.memory_space<hbm>>
        tpu.enqueue_dma source(%dma_start3A_19 : memref<2000xi32, #tpu.memory_space<hbm>>) target(%arg7 : memref<2000xi32, #tpu.memory_space<vmem>>) target_semaphore(%run_scoped3A : memref<!tpu.dma_semaphore, #tpu.memory_space<semaphore_mem>>)
        %dma_wait3A_20 = tpu.memref_slice %arg3[%add3A_11] : memref<640000xi32, #tpu.memory_space<hbm>> -> memref<2000xi32, #tpu.memory_space<hbm>>
        %dma_wait3A_21 = tpu.memref_slice %arg3[%add3A_11] : memref<640000xi32, #tpu.memory_space<hbm>> -> memref<2000xi32, #tpu.memory_space<hbm>>
        tpu.wait_dma2 semaphore(%run_scoped3A : memref<!tpu.dma_semaphore, #tpu.memory_space<semaphore_mem>>) src(%dma_wait3A_21 : memref<2000xi32, #tpu.memory_space<hbm>>) dst(%arg7 : memref<2000xi32, #tpu.memory_space<vmem>>)
        tpu.yield
      }) : () -> ()
      %dma_start3A = arith.constant 0 : i32
      %dma_start3A_12 = tpu.memref_slice %arg2[%dma_start3A] : memref<10000xi32, #tpu.memory_space<hbm>> -> memref<10000xi32, #tpu.memory_space<hbm>>
      tpu.enqueue_indirect_dma source(%dma_start3A_12 : memref<10000xi32, #tpu.memory_space<hbm>>) target(%arg8 : memref<2000xi32, #tpu.memory_space<vmem>>) offsets(%arg7 : memref<2000xi32, #tpu.memory_space<vmem>>) semaphore(%arg9 : memref<!tpu.dma_semaphore, #tpu.memory_space<semaphore_mem>>)
      %dma_wait3A = arith.constant 0 : i32
      %dma_wait3A_13 = tpu.memref_slice %arg2[%dma_wait3A] : memref<10000xi32, #tpu.memory_space<hbm>> -> memref<10000xi32, #tpu.memory_space<hbm>>
      tpu.wait_indirect_dma semaphore(%arg9 : memref<!tpu.dma_semaphore, #tpu.memory_space<semaphore_mem>>) src(%dma_wait3A_13 : memref<10000xi32, #tpu.memory_space<hbm>>) dst(%arg8 : memref<2000xi32, #tpu.memory_space<vmem>>)
      "tpu.region"() ({
        %run_scoped3A = tpu.sem_alloc : memref<!tpu.dma_semaphore, #tpu.memory_space<semaphore_mem>>
        %dma_start3A_18 = tpu.memref_slice %arg5[%add3A_11] : memref<640000xi32, #tpu.memory_space<hbm>> -> memref<2000xi32, #tpu.memory_space<hbm>>
        %dma_start3A_19 = tpu.memref_slice %arg5[%add3A_11] : memref<640000xi32, #tpu.memory_space<hbm>> -> memref<2000xi32, #tpu.memory_space<hbm>>
        tpu.enqueue_dma source(%arg8 : memref<2000xi32, #tpu.memory_space<vmem>>) target(%dma_start3A_19 : memref<2000xi32, #tpu.memory_space<hbm>>) target_semaphore(%run_scoped3A : memref<!tpu.dma_semaphore, #tpu.memory_space<semaphore_mem>>)
        %dma_wait3A_20 = tpu.memref_slice %arg5[%add3A_11] : memref<640000xi32, #tpu.memory_space<hbm>> -> memref<2000xi32, #tpu.memory_space<hbm>>
        %dma_wait3A_21 = tpu.memref_slice %arg5[%add3A_11] : memref<640000xi32, #tpu.memory_space<hbm>> -> memref<2000xi32, #tpu.memory_space<hbm>>
        tpu.wait_dma2 semaphore(%run_scoped3A : memref<!tpu.dma_semaphore, #tpu.memory_space<semaphore_mem>>) src(%arg8 : memref<2000xi32, #tpu.memory_space<vmem>>) dst(%dma_wait3A_21 : memref<2000xi32, #tpu.memory_space<hbm>>)
        tpu.yield
      }) : () -> ()
      "tpu.region"() ({
        %run_scoped3A = tpu.sem_alloc : memref<!tpu.dma_semaphore, #tpu.memory_space<semaphore_mem>>
        %dma_start3A_18 = tpu.memref_slice %arg4[%add3A_11] : memref<640000xi32, #tpu.memory_space<hbm>> -> memref<2000xi32, #tpu.memory_space<hbm>>
        %dma_start3A_19 = tpu.memref_slice %arg4[%add3A_11] : memref<640000xi32, #tpu.memory_space<hbm>> -> memref<2000xi32, #tpu.memory_space<hbm>>
        tpu.enqueue_dma source(%dma_start3A_19 : memref<2000xi32, #tpu.memory_space<hbm>>) target(%arg7 : memref<2000xi32, #tpu.memory_space<vmem>>) target_semaphore(%run_scoped3A : memref<!tpu.dma_semaphore, #tpu.memory_space<semaphore_mem>>)
        %dma_wait3A_20 = tpu.memref_slice %arg4[%add3A_11] : memref<640000xi32, #tpu.memory_space<hbm>> -> memref<2000xi32, #tpu.memory_space<hbm>>
        %dma_wait3A_21 = tpu.memref_slice %arg4[%add3A_11] : memref<640000xi32, #tpu.memory_space<hbm>> -> memref<2000xi32, #tpu.memory_space<hbm>>
        tpu.wait_dma2 semaphore(%run_scoped3A : memref<!tpu.dma_semaphore, #tpu.memory_space<semaphore_mem>>) src(%dma_wait3A_21 : memref<2000xi32, #tpu.memory_space<hbm>>) dst(%arg7 : memref<2000xi32, #tpu.memory_space<vmem>>)
        tpu.yield
      }) : () -> ()
      %dma_start3A_14 = arith.constant 0 : i32
      %dma_start3A_15 = tpu.memref_slice %arg2[%dma_start3A_14] : memref<10000xi32, #tpu.memory_space<hbm>> -> memref<10000xi32, #tpu.memory_space<hbm>>
      tpu.enqueue_indirect_dma source(%dma_start3A_15 : memref<10000xi32, #tpu.memory_space<hbm>>) target(%arg8 : memref<2000xi32, #tpu.memory_space<vmem>>) offsets(%arg7 : memref<2000xi32, #tpu.memory_space<vmem>>) semaphore(%arg9 : memref<!tpu.dma_semaphore, #tpu.memory_space<semaphore_mem>>)
      %dma_wait3A_16 = arith.constant 0 : i32
      %dma_wait3A_17 = tpu.memref_slice %arg2[%dma_wait3A_16] : memref<10000xi32, #tpu.memory_space<hbm>> -> memref<10000xi32, #tpu.memory_space<hbm>>
      tpu.wait_indirect_dma semaphore(%arg9 : memref<!tpu.dma_semaphore, #tpu.memory_space<semaphore_mem>>) src(%dma_wait3A_17 : memref<10000xi32, #tpu.memory_space<hbm>>) dst(%arg8 : memref<2000xi32, #tpu.memory_space<vmem>>)
      "tpu.region"() ({
        %run_scoped3A = tpu.sem_alloc : memref<!tpu.dma_semaphore, #tpu.memory_space<semaphore_mem>>
        %dma_start3A_18 = tpu.memref_slice %arg6[%add3A_11] : memref<640000xi32, #tpu.memory_space<hbm>> -> memref<2000xi32, #tpu.memory_space<hbm>>
        %dma_start3A_19 = tpu.memref_slice %arg6[%add3A_11] : memref<640000xi32, #tpu.memory_space<hbm>> -> memref<2000xi32, #tpu.memory_space<hbm>>
        tpu.enqueue_dma source(%arg8 : memref<2000xi32, #tpu.memory_space<vmem>>) target(%dma_start3A_19 : memref<2000xi32, #tpu.memory_space<hbm>>) target_semaphore(%run_scoped3A : memref<!tpu.dma_semaphore, #tpu.memory_space<semaphore_mem>>)
        %dma_wait3A_20 = tpu.memref_slice %arg6[%add3A_11] : memref<640000xi32, #tpu.memory_space<hbm>> -> memref<2000xi32, #tpu.memory_space<hbm>>
        %dma_wait3A_21 = tpu.memref_slice %arg6[%add3A_11] : memref<640000xi32, #tpu.memory_space<hbm>> -> memref<2000xi32, #tpu.memory_space<hbm>>
        tpu.wait_dma2 semaphore(%run_scoped3A : memref<!tpu.dma_semaphore, #tpu.memory_space<semaphore_mem>>) src(%arg8 : memref<2000xi32, #tpu.memory_space<vmem>>) dst(%dma_wait3A_21 : memref<2000xi32, #tpu.memory_space<hbm>>)
        tpu.yield
      }) : () -> ()
    }
    %scan3A_7 = arith.constant 10 : i32
    return
  }
}

#map = affine_map<(d0, d1) -> (0, 0)>
#map1 = affine_map<(d0, d1) -> (0)>
module attributes {stable_mosaic.version = 14 : i64} {
  func.func @body(%arg0: i32, %arg1: i32, %arg2: memref<10240x128xf32, #tpu.memory_space<hbm>>, %arg3: memref<640000xi32, #tpu.memory_space<hbm>>, %arg4: memref<640000x128xf32, #tpu.memory_space<hbm>>, %arg5: memref<800xi32, #tpu.memory_space<vmem>>, %arg6: memref<800x128xf32, #tpu.memory_space<vmem>>, %arg7: memref<!tpu.dma_semaphore, #tpu.memory_space<semaphore_mem>>) attributes {dimension_semantics = [#tpu.dimension_semantics<core_parallel>, #tpu.dimension_semantics<subcore_parallel>], iteration_bounds = array<i64: 2, 16>, scalar_prefetch = 0 : i64, scratch_operands = 3 : i64, tpu.core_type = #tpu.core_type<sc_vector_subcore>, window_params = [{transform_indices = #map}, {transform_indices = #map1}, {transform_indices = #map}]} {
    %mul3A = arith.constant 2 : i32
    %mul3A_0 = arith.muli %arg1, %mul3A : i32
    %add3A = arith.addi %mul3A_0, %arg0 : i32
    %mul3A_1 = arith.constant 20000 : i32
    %mul3A_2 = arith.muli %add3A, %mul3A_1 : i32
    %scan3A = arith.constant 0 : i32
    %scan3A_3 = arith.constant 0 : i32
    %scan3A_4 = arith.constant 25 : i32
    %scan3A_5 = arith.addi %scan3A_3, %scan3A_4 : i32
    %scan3A_6 = arith.constant 1 : i32
    scf.for %scan3A_8 = %scan3A_3 to %scan3A_5 step %scan3A_6  : i32 {
      %mul3A_9 = arith.constant 800 : i32
      %mul3A_10 = arith.muli %scan3A_8, %mul3A_9 : i32
      %add3A_11 = arith.addi %mul3A_2, %mul3A_10 : i32
      "tpu.region"() ({
        %run_scoped3A = tpu.sem_alloc : memref<!tpu.dma_semaphore, #tpu.memory_space<semaphore_mem>>
        %dma_start3A_16 = tpu.memref_slice %arg3[%add3A_11] : memref<640000xi32, #tpu.memory_space<hbm>> -> memref<800xi32, #tpu.memory_space<hbm>>
        %dma_start3A_17 = tpu.memref_slice %arg3[%add3A_11] : memref<640000xi32, #tpu.memory_space<hbm>> -> memref<800xi32, #tpu.memory_space<hbm>>
        tpu.enqueue_dma source(%dma_start3A_17 : memref<800xi32, #tpu.memory_space<hbm>>) target(%arg5 : memref<800xi32, #tpu.memory_space<vmem>>) target_semaphore(%run_scoped3A : memref<!tpu.dma_semaphore, #tpu.memory_space<semaphore_mem>>)
        %dma_wait3A_18 = tpu.memref_slice %arg3[%add3A_11] : memref<640000xi32, #tpu.memory_space<hbm>> -> memref<800xi32, #tpu.memory_space<hbm>>
        %dma_wait3A_19 = tpu.memref_slice %arg3[%add3A_11] : memref<640000xi32, #tpu.memory_space<hbm>> -> memref<800xi32, #tpu.memory_space<hbm>>
        tpu.wait_dma2 semaphore(%run_scoped3A : memref<!tpu.dma_semaphore, #tpu.memory_space<semaphore_mem>>) src(%dma_wait3A_19 : memref<800xi32, #tpu.memory_space<hbm>>) dst(%arg5 : memref<800xi32, #tpu.memory_space<vmem>>)
        tpu.yield
      }) : () -> ()
      %dma_start3A = arith.constant 0 : i32
      %dma_start3A_12 = arith.constant 0 : i32
      %dma_start3A_13 = tpu.memref_slice %arg2[%dma_start3A, %dma_start3A_12] : memref<10240x128xf32, #tpu.memory_space<hbm>> -> memref<10240x128xf32, #tpu.memory_space<hbm>>
      tpu.enqueue_indirect_dma source(%dma_start3A_13 : memref<10240x128xf32, #tpu.memory_space<hbm>>) target(%arg6 : memref<800x128xf32, #tpu.memory_space<vmem>>) offsets(%arg5 : memref<800xi32, #tpu.memory_space<vmem>>) semaphore(%arg7 : memref<!tpu.dma_semaphore, #tpu.memory_space<semaphore_mem>>)
      %dma_wait3A = arith.constant 0 : i32
      %dma_wait3A_14 = arith.constant 0 : i32
      %dma_wait3A_15 = tpu.memref_slice %arg2[%dma_wait3A, %dma_wait3A_14] : memref<10240x128xf32, #tpu.memory_space<hbm>> -> memref<10240x128xf32, #tpu.memory_space<hbm>>
      tpu.wait_indirect_dma semaphore(%arg7 : memref<!tpu.dma_semaphore, #tpu.memory_space<semaphore_mem>>) src(%dma_wait3A_15 : memref<10240x128xf32, #tpu.memory_space<hbm>>) dst(%arg6 : memref<800x128xf32, #tpu.memory_space<vmem>>)
      "tpu.region"() ({
        %run_scoped3A = tpu.sem_alloc : memref<!tpu.dma_semaphore, #tpu.memory_space<semaphore_mem>>
        %dma_start3A_16 = arith.constant 0 : i32
        %dma_start3A_17 = tpu.memref_slice %arg4[%add3A_11, %dma_start3A_16] : memref<640000x128xf32, #tpu.memory_space<hbm>> -> memref<800x128xf32, #tpu.memory_space<hbm>>
        %dma_start3A_18 = arith.constant 0 : i32
        %dma_start3A_19 = tpu.memref_slice %arg4[%add3A_11, %dma_start3A_18] : memref<640000x128xf32, #tpu.memory_space<hbm>> -> memref<800x128xf32, #tpu.memory_space<hbm>>
        tpu.enqueue_dma source(%arg6 : memref<800x128xf32, #tpu.memory_space<vmem>>) target(%dma_start3A_19 : memref<800x128xf32, #tpu.memory_space<hbm>>) target_semaphore(%run_scoped3A : memref<!tpu.dma_semaphore, #tpu.memory_space<semaphore_mem>>)
        %dma_wait3A_20 = arith.constant 0 : i32
        %dma_wait3A_21 = tpu.memref_slice %arg4[%add3A_11, %dma_wait3A_20] : memref<640000x128xf32, #tpu.memory_space<hbm>> -> memref<800x128xf32, #tpu.memory_space<hbm>>
        %dma_wait3A_22 = arith.constant 0 : i32
        %dma_wait3A_23 = tpu.memref_slice %arg4[%add3A_11, %dma_wait3A_22] : memref<640000x128xf32, #tpu.memory_space<hbm>> -> memref<800x128xf32, #tpu.memory_space<hbm>>
        tpu.wait_dma2 semaphore(%run_scoped3A : memref<!tpu.dma_semaphore, #tpu.memory_space<semaphore_mem>>) src(%arg6 : memref<800x128xf32, #tpu.memory_space<vmem>>) dst(%dma_wait3A_23 : memref<800x128xf32, #tpu.memory_space<hbm>>)
        tpu.yield
      }) : () -> ()
    }
    %scan3A_7 = arith.constant 25 : i32
    return
  }
}

#map = affine_map<(d0, d1) -> (0, 0)>
#map1 = affine_map<(d0, d1) -> (0, 0, 0, 0)>
module attributes {stable_mosaic.version = 14 : i64} {
  func.func @body(%arg0: i32, %arg1: i32, %arg2: memref<640000x144xf32, #tpu.memory_space<hbm>>, %arg3: memref<2x16x400x100xi32, #tpu.memory_space<hbm>>, %arg4: memref<5136x144xf32, #tpu.memory_space<hbm>>, %arg5: memref<10240x144xf32, #tpu.memory_space<hbm>>, %arg6: memref<400x100xi32, #tpu.memory_space<vmem>>, %arg7: memref<100x144xf32, #tpu.memory_space<vmem>>, %arg8: memref<100x144xf32, #tpu.memory_space<vmem>>, %arg9: memref<5136x144xf32, #tpu.memory_space<vmem_shared>>, %arg10: memref<!tpu.dma_semaphore, #tpu.memory_space<semaphore_mem>>, %arg11: memref<!tpu.dma_semaphore, #tpu.memory_space<semaphore_mem>>) attributes {dimension_semantics = [#tpu.dimension_semantics<core_parallel>, #tpu.dimension_semantics<subcore_parallel>], iteration_bounds = array<i64: 2, 16>, scalar_prefetch = 0 : i64, scratch_operands = 6 : i64, tpu.core_type = #tpu.core_type<sc_vector_subcore>, window_params = [{transform_indices = #map}, {transform_indices = #map1}, {transform_indices = #map}, {transform_indices = #map}]} {
    %mul3A = arith.constant 321 : i32
    %mul3A_0 = arith.muli %arg1, %mul3A : i32
    %mul3A_1 = arith.constant 321 : i32
    %mul3A_2 = arith.muli %arg1, %mul3A_1 : i32
    "tpu.region"() ({
      %run_scoped3A = tpu.sem_alloc : memref<!tpu.dma_semaphore, #tpu.memory_space<semaphore_mem>>
      %dma_start3A_27 = arith.constant 0 : i32
      %dma_start3A_28 = tpu.memref_slice %arg9[%mul3A_2, %dma_start3A_27] : memref<5136x144xf32, #tpu.memory_space<vmem_shared>> -> memref<321x144xf32, #tpu.memory_space<vmem_shared>>
      %dma_start3A_29 = arith.constant 0 : i32
      %dma_start3A_30 = tpu.memref_slice %arg4[%mul3A_0, %dma_start3A_29] : memref<5136x144xf32, #tpu.memory_space<hbm>> -> memref<321x144xf32, #tpu.memory_space<hbm>>
      tpu.enqueue_dma source(%dma_start3A_30 : memref<321x144xf32, #tpu.memory_space<hbm>>) target(%dma_start3A_28 : memref<321x144xf32, #tpu.memory_space<vmem_shared>>) target_semaphore(%run_scoped3A : memref<!tpu.dma_semaphore, #tpu.memory_space<semaphore_mem>>)
      %dma_wait3A_31 = arith.constant 0 : i32
      %dma_wait3A_32 = tpu.memref_slice %arg9[%mul3A_2, %dma_wait3A_31] : memref<5136x144xf32, #tpu.memory_space<vmem_shared>> -> memref<321x144xf32, #tpu.memory_space<vmem_shared>>
      %dma_wait3A_33 = arith.constant 0 : i32
      %dma_wait3A_34 = tpu.memref_slice %arg4[%mul3A_0, %dma_wait3A_33] : memref<5136x144xf32, #tpu.memory_space<hbm>> -> memref<321x144xf32, #tpu.memory_space<hbm>>
      tpu.wait_dma2 semaphore(%run_scoped3A : memref<!tpu.dma_semaphore, #tpu.memory_space<semaphore_mem>>) src(%dma_wait3A_34 : memref<321x144xf32, #tpu.memory_space<hbm>>) dst(%dma_wait3A_32 : memref<321x144xf32, #tpu.memory_space<vmem_shared>>)
      tpu.yield
    }) : () -> ()
    %barrier3A = arith.constant 0 : index
    tpu.barrier barrier_id(%barrier3A)
    %mul3A_3 = arith.constant 40000 : i32
    %mul3A_4 = arith.muli %arg1, %mul3A_3 : i32
    "tpu.region"() ({
      %run_scoped3A = tpu.sem_alloc : memref<!tpu.dma_semaphore, #tpu.memory_space<semaphore_mem>>
      %dma_start3A_27 = arith.constant 0 : i32
      %dma_start3A_28 = arith.constant 0 : i32
      %dma_start3A_29 = tpu.memref_slice %arg3[%arg0, %arg1, %dma_start3A_27, %dma_start3A_28] : memref<2x16x400x100xi32, #tpu.memory_space<hbm>> -> memref<1x1x400x100xi32, #tpu.memory_space<hbm>>
      %dma_start3A_30 = tpu.memref_squeeze %dma_start3A_29 : memref<1x1x400x100xi32, #tpu.memory_space<hbm>> -> memref<400x100xi32, #tpu.memory_space<hbm>>
      %dma_start3A_31 = arith.constant 0 : i32
      %dma_start3A_32 = arith.constant 0 : i32
      %dma_start3A_33 = tpu.memref_slice %arg3[%arg0, %arg1, %dma_start3A_31, %dma_start3A_32] : memref<2x16x400x100xi32, #tpu.memory_space<hbm>> -> memref<1x1x400x100xi32, #tpu.memory_space<hbm>>
      %dma_start3A_34 = tpu.memref_squeeze %dma_start3A_33 : memref<1x1x400x100xi32, #tpu.memory_space<hbm>> -> memref<400x100xi32, #tpu.memory_space<hbm>>
      tpu.enqueue_dma source(%dma_start3A_34 : memref<400x100xi32, #tpu.memory_space<hbm>>) target(%arg6 : memref<400x100xi32, #tpu.memory_space<vmem>>) target_semaphore(%run_scoped3A : memref<!tpu.dma_semaphore, #tpu.memory_space<semaphore_mem>>)
      %dma_wait3A_35 = arith.constant 0 : i32
      %dma_wait3A_36 = arith.constant 0 : i32
      %dma_wait3A_37 = tpu.memref_slice %arg3[%arg0, %arg1, %dma_wait3A_35, %dma_wait3A_36] : memref<2x16x400x100xi32, #tpu.memory_space<hbm>> -> memref<1x1x400x100xi32, #tpu.memory_space<hbm>>
      %dma_wait3A_38 = tpu.memref_squeeze %dma_wait3A_37 : memref<1x1x400x100xi32, #tpu.memory_space<hbm>> -> memref<400x100xi32, #tpu.memory_space<hbm>>
      %dma_wait3A_39 = arith.constant 0 : i32
      %dma_wait3A_40 = arith.constant 0 : i32
      %dma_wait3A_41 = tpu.memref_slice %arg3[%arg0, %arg1, %dma_wait3A_39, %dma_wait3A_40] : memref<2x16x400x100xi32, #tpu.memory_space<hbm>> -> memref<1x1x400x100xi32, #tpu.memory_space<hbm>>
      %dma_wait3A_42 = tpu.memref_squeeze %dma_wait3A_41 : memref<1x1x400x100xi32, #tpu.memory_space<hbm>> -> memref<400x100xi32, #tpu.memory_space<hbm>>
      tpu.wait_dma2 semaphore(%run_scoped3A : memref<!tpu.dma_semaphore, #tpu.memory_space<semaphore_mem>>) src(%dma_wait3A_42 : memref<400x100xi32, #tpu.memory_space<hbm>>) dst(%arg6 : memref<400x100xi32, #tpu.memory_space<vmem>>)
      tpu.yield
    }) : () -> ()
    %add3A = arith.constant 0 : i32
    %add3A_5 = arith.addi %mul3A_4, %add3A : i32
    %dma_start3A = arith.constant 0 : i32
    %dma_start3A_6 = tpu.memref_slice %arg2[%add3A_5, %dma_start3A] : memref<640000x144xf32, #tpu.memory_space<hbm>> -> memref<100x144xf32, #tpu.memory_space<hbm>>
    %dma_start3A_7 = arith.constant 0 : i32
    %dma_start3A_8 = tpu.memref_slice %arg2[%add3A_5, %dma_start3A_7] : memref<640000x144xf32, #tpu.memory_space<hbm>> -> memref<100x144xf32, #tpu.memory_space<hbm>>
    tpu.enqueue_dma source(%dma_start3A_8 : memref<100x144xf32, #tpu.memory_space<hbm>>) target(%arg7 : memref<100x144xf32, #tpu.memory_space<vmem>>) target_semaphore(%arg10 : memref<!tpu.dma_semaphore, #tpu.memory_space<semaphore_mem>>)
    %scan3A = arith.constant 0 : i32
    %scan3A_9 = arith.constant 0 : i32
    %scan3A_10 = arith.constant 200 : i32
    %scan3A_11 = arith.addi %scan3A_9, %scan3A_10 : i32
    %scan3A_12 = arith.constant 1 : i32
    scf.for %scan3A_27 = %scan3A_9 to %scan3A_11 step %scan3A_12  : i32 {
      %mul3A_28 = arith.constant 2 : i32
      %mul3A_29 = arith.muli %mul3A_28, %scan3A_27 : i32
      %add3A_30 = arith.constant 1 : i32
      %add3A_31 = arith.addi %mul3A_29, %add3A_30 : i32
      %mul3A_32 = arith.constant 100 : i32
      %mul3A_33 = arith.muli %add3A_31, %mul3A_32 : i32
      %add3A_34 = arith.addi %mul3A_4, %mul3A_33 : i32
      %dma_start3A_35 = arith.constant 0 : i32
      %dma_start3A_36 = tpu.memref_slice %arg2[%add3A_34, %dma_start3A_35] : memref<640000x144xf32, #tpu.memory_space<hbm>> -> memref<100x144xf32, #tpu.memory_space<hbm>>
      %dma_start3A_37 = arith.constant 0 : i32
      %dma_start3A_38 = tpu.memref_slice %arg2[%add3A_34, %dma_start3A_37] : memref<640000x144xf32, #tpu.memory_space<hbm>> -> memref<100x144xf32, #tpu.memory_space<hbm>>
      tpu.enqueue_dma source(%dma_start3A_38 : memref<100x144xf32, #tpu.memory_space<hbm>>) target(%arg8 : memref<100x144xf32, #tpu.memory_space<vmem>>) target_semaphore(%arg11 : memref<!tpu.dma_semaphore, #tpu.memory_space<semaphore_mem>>)
      %mul3A_39 = arith.constant 100 : i32
      %mul3A_40 = arith.muli %mul3A_29, %mul3A_39 : i32
      %add3A_41 = arith.addi %mul3A_4, %mul3A_40 : i32
      %dma_wait3A_42 = arith.constant 0 : i32
      %dma_wait3A_43 = tpu.memref_slice %arg2[%add3A_41, %dma_wait3A_42] : memref<640000x144xf32, #tpu.memory_space<hbm>> -> memref<100x144xf32, #tpu.memory_space<hbm>>
      %dma_wait3A_44 = arith.constant 0 : i32
      %dma_wait3A_45 = tpu.memref_slice %arg2[%add3A_41, %dma_wait3A_44] : memref<640000x144xf32, #tpu.memory_space<hbm>> -> memref<100x144xf32, #tpu.memory_space<hbm>>
      tpu.wait_dma2 semaphore(%arg10 : memref<!tpu.dma_semaphore, #tpu.memory_space<semaphore_mem>>) src(%dma_wait3A_45 : memref<100x144xf32, #tpu.memory_space<hbm>>) dst(%arg7 : memref<100x144xf32, #tpu.memory_space<vmem>>)
      "tpu.region"() ({
        %run_scoped3A = tpu.sem_alloc : memref<!tpu.dma_semaphore, #tpu.memory_space<semaphore_mem>>
        %dma_start3A_63 = arith.constant 0 : i32
        %dma_start3A_64 = tpu.memref_slice %arg6[%mul3A_29, %dma_start3A_63] : memref<400x100xi32, #tpu.memory_space<vmem>> -> memref<1x100xi32, #tpu.memory_space<vmem>>
        %dma_start3A_65 = tpu.memref_squeeze %dma_start3A_64 : memref<1x100xi32, #tpu.memory_space<vmem>> -> memref<100xi32, #tpu.memory_space<vmem>>
        %dma_start3A_66 = arith.constant 0 : i32
        %dma_start3A_67 = arith.constant 0 : i32
        %dma_start3A_68 = tpu.memref_slice %arg9[%dma_start3A_66, %dma_start3A_67] : memref<5136x144xf32, #tpu.memory_space<vmem_shared>> -> memref<5136x144xf32, #tpu.memory_space<vmem_shared>>
        tpu.enqueue_indirect_dma source(%arg7 : memref<100x144xf32, #tpu.memory_space<vmem>>) target(%dma_start3A_68 : memref<5136x144xf32, #tpu.memory_space<vmem_shared>>) offsets(%dma_start3A_65 : memref<100xi32, #tpu.memory_space<vmem>>) semaphore(%run_scoped3A : memref<!tpu.dma_semaphore, #tpu.memory_space<semaphore_mem>>) {add = true}
        %dma_wait3A_69 = arith.constant 0 : i32
        %dma_wait3A_70 = tpu.memref_slice %arg6[%mul3A_29, %dma_wait3A_69] : memref<400x100xi32, #tpu.memory_space<vmem>> -> memref<1x100xi32, #tpu.memory_space<vmem>>
        %dma_wait3A_71 = tpu.memref_squeeze %dma_wait3A_70 : memref<1x100xi32, #tpu.memory_space<vmem>> -> memref<100xi32, #tpu.memory_space<vmem>>
        %dma_wait3A_72 = arith.constant 0 : i32
        %dma_wait3A_73 = arith.constant 0 : i32
        %dma_wait3A_74 = tpu.memref_slice %arg9[%dma_wait3A_72, %dma_wait3A_73] : memref<5136x144xf32, #tpu.memory_space<vmem_shared>> -> memref<5136x144xf32, #tpu.memory_space<vmem_shared>>
        tpu.wait_indirect_dma semaphore(%run_scoped3A : memref<!tpu.dma_semaphore, #tpu.memory_space<semaphore_mem>>) src(%arg7 : memref<100x144xf32, #tpu.memory_space<vmem>>) dst(%dma_wait3A_74 : memref<5136x144xf32, #tpu.memory_space<vmem_shared>>)
        tpu.yield
      }) : () -> ()
      %add3A_46 = arith.constant 2 : i32
      %add3A_47 = arith.addi %mul3A_29, %add3A_46 : i32
      %min3A = arith.constant 399 : i32
      %min3A_48 = arith.minsi %add3A_47, %min3A : i32
      %mul3A_49 = arith.constant 100 : i32
      %mul3A_50 = arith.muli %min3A_48, %mul3A_49 : i32
      %add3A_51 = arith.addi %mul3A_4, %mul3A_50 : i32
      %dma_start3A_52 = arith.constant 0 : i32
      %dma_start3A_53 = tpu.memref_slice %arg2[%add3A_51, %dma_start3A_52] : memref<640000x144xf32, #tpu.memory_space<hbm>> -> memref<100x144xf32, #tpu.memory_space<hbm>>
      %dma_start3A_54 = arith.constant 0 : i32
      %dma_start3A_55 = tpu.memref_slice %arg2[%add3A_51, %dma_start3A_54] : memref<640000x144xf32, #tpu.memory_space<hbm>> -> memref<100x144xf32, #tpu.memory_space<hbm>>
      tpu.enqueue_dma source(%dma_start3A_55 : memref<100x144xf32, #tpu.memory_space<hbm>>) target(%arg7 : memref<100x144xf32, #tpu.memory_space<vmem>>) target_semaphore(%arg10 : memref<!tpu.dma_semaphore, #tpu.memory_space<semaphore_mem>>)
      %mul3A_56 = arith.constant 100 : i32
      %mul3A_57 = arith.muli %add3A_31, %mul3A_56 : i32
      %add3A_58 = arith.addi %mul3A_4, %mul3A_57 : i32
      %dma_wait3A_59 = arith.constant 0 : i32
      %dma_wait3A_60 = tpu.memref_slice %arg2[%add3A_58, %dma_wait3A_59] : memref<640000x144xf32, #tpu.memory_space<hbm>> -> memref<100x144xf32, #tpu.memory_space<hbm>>
      %dma_wait3A_61 = arith.constant 0 : i32
      %dma_wait3A_62 = tpu.memref_slice %arg2[%add3A_58, %dma_wait3A_61] : memref<640000x144xf32, #tpu.memory_space<hbm>> -> memref<100x144xf32, #tpu.memory_space<hbm>>
      tpu.wait_dma2 semaphore(%arg11 : memref<!tpu.dma_semaphore, #tpu.memory_space<semaphore_mem>>) src(%dma_wait3A_62 : memref<100x144xf32, #tpu.memory_space<hbm>>) dst(%arg8 : memref<100x144xf32, #tpu.memory_space<vmem>>)
      "tpu.region"() ({
        %run_scoped3A = tpu.sem_alloc : memref<!tpu.dma_semaphore, #tpu.memory_space<semaphore_mem>>
        %dma_start3A_63 = arith.constant 0 : i32
        %dma_start3A_64 = tpu.memref_slice %arg6[%add3A_31, %dma_start3A_63] : memref<400x100xi32, #tpu.memory_space<vmem>> -> memref<1x100xi32, #tpu.memory_space<vmem>>
        %dma_start3A_65 = tpu.memref_squeeze %dma_start3A_64 : memref<1x100xi32, #tpu.memory_space<vmem>> -> memref<100xi32, #tpu.memory_space<vmem>>
        %dma_start3A_66 = arith.constant 0 : i32
        %dma_start3A_67 = arith.constant 0 : i32
        %dma_start3A_68 = tpu.memref_slice %arg9[%dma_start3A_66, %dma_start3A_67] : memref<5136x144xf32, #tpu.memory_space<vmem_shared>> -> memref<5136x144xf32, #tpu.memory_space<vmem_shared>>
        tpu.enqueue_indirect_dma source(%arg8 : memref<100x144xf32, #tpu.memory_space<vmem>>) target(%dma_start3A_68 : memref<5136x144xf32, #tpu.memory_space<vmem_shared>>) offsets(%dma_start3A_65 : memref<100xi32, #tpu.memory_space<vmem>>) semaphore(%run_scoped3A : memref<!tpu.dma_semaphore, #tpu.memory_space<semaphore_mem>>) {add = true}
        %dma_wait3A_69 = arith.constant 0 : i32
        %dma_wait3A_70 = tpu.memref_slice %arg6[%add3A_31, %dma_wait3A_69] : memref<400x100xi32, #tpu.memory_space<vmem>> -> memref<1x100xi32, #tpu.memory_space<vmem>>
        %dma_wait3A_71 = tpu.memref_squeeze %dma_wait3A_70 : memref<1x100xi32, #tpu.memory_space<vmem>> -> memref<100xi32, #tpu.memory_space<vmem>>
        %dma_wait3A_72 = arith.constant 0 : i32
        %dma_wait3A_73 = arith.constant 0 : i32
        %dma_wait3A_74 = tpu.memref_slice %arg9[%dma_wait3A_72, %dma_wait3A_73] : memref<5136x144xf32, #tpu.memory_space<vmem_shared>> -> memref<5136x144xf32, #tpu.memory_space<vmem_shared>>
        tpu.wait_indirect_dma semaphore(%run_scoped3A : memref<!tpu.dma_semaphore, #tpu.memory_space<semaphore_mem>>) src(%arg8 : memref<100x144xf32, #tpu.memory_space<vmem>>) dst(%dma_wait3A_74 : memref<5136x144xf32, #tpu.memory_space<vmem_shared>>)
        tpu.yield
      }) : () -> ()
    }
    %scan3A_13 = arith.constant 200 : i32
    %add3A_14 = arith.constant 39900 : i32
    %add3A_15 = arith.addi %mul3A_4, %add3A_14 : i32
    %dma_wait3A = arith.constant 0 : i32
    %dma_wait3A_16 = tpu.memref_slice %arg2[%add3A_15, %dma_wait3A] : memref<640000x144xf32, #tpu.memory_space<hbm>> -> memref<100x144xf32, #tpu.memory_space<hbm>>
    %dma_wait3A_17 = arith.constant 0 : i32
    %dma_wait3A_18 = tpu.memref_slice %arg2[%add3A_15, %dma_wait3A_17] : memref<640000x144xf32, #tpu.memory_space<hbm>> -> memref<100x144xf32, #tpu.memory_space<hbm>>
    tpu.wait_dma2 semaphore(%arg10 : memref<!tpu.dma_semaphore, #tpu.memory_space<semaphore_mem>>) src(%dma_wait3A_18 : memref<100x144xf32, #tpu.memory_space<hbm>>) dst(%arg7 : memref<100x144xf32, #tpu.memory_space<vmem>>)
    %barrier3A_19 = arith.constant 0 : index
    tpu.barrier barrier_id(%barrier3A_19)
    %mul3A_20 = arith.constant 320 : i32
    %mul3A_21 = arith.muli %arg1, %mul3A_20 : i32
    %mul3A_22 = arith.constant 5120 : i32
    %mul3A_23 = arith.muli %arg0, %mul3A_22 : i32
    %mul3A_24 = arith.constant 320 : i32
    %mul3A_25 = arith.muli %arg1, %mul3A_24 : i32
    %add3A_26 = arith.addi %mul3A_23, %mul3A_25 : i32
    "tpu.region"() ({
      %run_scoped3A = tpu.sem_alloc : memref<!tpu.dma_semaphore, #tpu.memory_space<semaphore_mem>>
      %dma_start3A_27 = arith.constant 0 : i32
      %dma_start3A_28 = tpu.memref_slice %arg5[%add3A_26, %dma_start3A_27] : memref<10240x144xf32, #tpu.memory_space<hbm>> -> memref<320x144xf32, #tpu.memory_space<hbm>>
      %dma_start3A_29 = arith.constant 0 : i32
      %dma_start3A_30 = tpu.memref_slice %arg9[%mul3A_21, %dma_start3A_29] : memref<5136x144xf32, #tpu.memory_space<vmem_shared>> -> memref<320x144xf32, #tpu.memory_space<vmem_shared>>
      tpu.enqueue_dma source(%dma_start3A_30 : memref<320x144xf32, #tpu.memory_space<vmem_shared>>) target(%dma_start3A_28 : memref<320x144xf32, #tpu.memory_space<hbm>>) target_semaphore(%run_scoped3A : memref<!tpu.dma_semaphore, #tpu.memory_space<semaphore_mem>>)
      %dma_wait3A_31 = arith.constant 0 : i32
      %dma_wait3A_32 = tpu.memref_slice %arg5[%add3A_26, %dma_wait3A_31] : memref<10240x144xf32, #tpu.memory_space<hbm>> -> memref<320x144xf32, #tpu.memory_space<hbm>>
      %dma_wait3A_33 = arith.constant 0 : i32
      %dma_wait3A_34 = tpu.memref_slice %arg9[%mul3A_21, %dma_wait3A_33] : memref<5136x144xf32, #tpu.memory_space<vmem_shared>> -> memref<320x144xf32, #tpu.memory_space<vmem_shared>>
      tpu.wait_dma2 semaphore(%run_scoped3A : memref<!tpu.dma_semaphore, #tpu.memory_space<semaphore_mem>>) src(%dma_wait3A_34 : memref<320x144xf32, #tpu.memory_space<vmem_shared>>) dst(%dma_wait3A_32 : memref<320x144xf32, #tpu.memory_space<hbm>>)
      tpu.yield
    }) : () -> ()
    return
  }
}

#map = affine_map<(d0, d1) -> (0, 0)>
#map1 = affine_map<(d0, d1) -> (0)>
module attributes {stable_mosaic.version = 14 : i64} {
  func.func @body(%arg0: i32, %arg1: i32, %arg2: memref<10240x128xf32, #tpu.memory_space<hbm>>, %arg3: memref<640000xi32, #tpu.memory_space<hbm>>, %arg4: memref<640000x128xf32, #tpu.memory_space<hbm>>, %arg5: memref<800xi32, #tpu.memory_space<vmem>>, %arg6: memref<800x128xf32, #tpu.memory_space<vmem>>, %arg7: memref<!tpu.dma_semaphore, #tpu.memory_space<semaphore_mem>>) attributes {dimension_semantics = [#tpu.dimension_semantics<core_parallel>, #tpu.dimension_semantics<subcore_parallel>], iteration_bounds = array<i64: 2, 16>, scalar_prefetch = 0 : i64, scratch_operands = 3 : i64, tpu.core_type = #tpu.core_type<sc_vector_subcore>, window_params = [{transform_indices = #map}, {transform_indices = #map1}, {transform_indices = #map}]} {
    %mul3A = arith.constant 2 : i32
    %mul3A_0 = arith.muli %arg1, %mul3A : i32
    %add3A = arith.addi %mul3A_0, %arg0 : i32
    %mul3A_1 = arith.constant 20000 : i32
    %mul3A_2 = arith.muli %add3A, %mul3A_1 : i32
    %scan3A = arith.constant 0 : i32
    %scan3A_3 = arith.constant 0 : i32
    %scan3A_4 = arith.constant 25 : i32
    %scan3A_5 = arith.addi %scan3A_3, %scan3A_4 : i32
    %scan3A_6 = arith.constant 1 : i32
    scf.for %scan3A_8 = %scan3A_3 to %scan3A_5 step %scan3A_6  : i32 {
      %mul3A_9 = arith.constant 800 : i32
      %mul3A_10 = arith.muli %scan3A_8, %mul3A_9 : i32
      %add3A_11 = arith.addi %mul3A_2, %mul3A_10 : i32
      "tpu.region"() ({
        %run_scoped3A = tpu.sem_alloc : memref<!tpu.dma_semaphore, #tpu.memory_space<semaphore_mem>>
        %dma_start3A_16 = tpu.memref_slice %arg3[%add3A_11] : memref<640000xi32, #tpu.memory_space<hbm>> -> memref<800xi32, #tpu.memory_space<hbm>>
        %dma_start3A_17 = tpu.memref_slice %arg3[%add3A_11] : memref<640000xi32, #tpu.memory_space<hbm>> -> memref<800xi32, #tpu.memory_space<hbm>>
        tpu.enqueue_dma source(%dma_start3A_17 : memref<800xi32, #tpu.memory_space<hbm>>) target(%arg5 : memref<800xi32, #tpu.memory_space<vmem>>) target_semaphore(%run_scoped3A : memref<!tpu.dma_semaphore, #tpu.memory_space<semaphore_mem>>)
        %dma_wait3A_18 = tpu.memref_slice %arg3[%add3A_11] : memref<640000xi32, #tpu.memory_space<hbm>> -> memref<800xi32, #tpu.memory_space<hbm>>
        %dma_wait3A_19 = tpu.memref_slice %arg3[%add3A_11] : memref<640000xi32, #tpu.memory_space<hbm>> -> memref<800xi32, #tpu.memory_space<hbm>>
        tpu.wait_dma2 semaphore(%run_scoped3A : memref<!tpu.dma_semaphore, #tpu.memory_space<semaphore_mem>>) src(%dma_wait3A_19 : memref<800xi32, #tpu.memory_space<hbm>>) dst(%arg5 : memref<800xi32, #tpu.memory_space<vmem>>)
        tpu.yield
      }) : () -> ()
      %dma_start3A = arith.constant 0 : i32
      %dma_start3A_12 = arith.constant 0 : i32
      %dma_start3A_13 = tpu.memref_slice %arg2[%dma_start3A, %dma_start3A_12] : memref<10240x128xf32, #tpu.memory_space<hbm>> -> memref<10240x128xf32, #tpu.memory_space<hbm>>
      tpu.enqueue_indirect_dma source(%dma_start3A_13 : memref<10240x128xf32, #tpu.memory_space<hbm>>) target(%arg6 : memref<800x128xf32, #tpu.memory_space<vmem>>) offsets(%arg5 : memref<800xi32, #tpu.memory_space<vmem>>) semaphore(%arg7 : memref<!tpu.dma_semaphore, #tpu.memory_space<semaphore_mem>>)
      %dma_wait3A = arith.constant 0 : i32
      %dma_wait3A_14 = arith.constant 0 : i32
      %dma_wait3A_15 = tpu.memref_slice %arg2[%dma_wait3A, %dma_wait3A_14] : memref<10240x128xf32, #tpu.memory_space<hbm>> -> memref<10240x128xf32, #tpu.memory_space<hbm>>
      tpu.wait_indirect_dma semaphore(%arg7 : memref<!tpu.dma_semaphore, #tpu.memory_space<semaphore_mem>>) src(%dma_wait3A_15 : memref<10240x128xf32, #tpu.memory_space<hbm>>) dst(%arg6 : memref<800x128xf32, #tpu.memory_space<vmem>>)
      "tpu.region"() ({
        %run_scoped3A = tpu.sem_alloc : memref<!tpu.dma_semaphore, #tpu.memory_space<semaphore_mem>>
        %dma_start3A_16 = arith.constant 0 : i32
        %dma_start3A_17 = tpu.memref_slice %arg4[%add3A_11, %dma_start3A_16] : memref<640000x128xf32, #tpu.memory_space<hbm>> -> memref<800x128xf32, #tpu.memory_space<hbm>>
        %dma_start3A_18 = arith.constant 0 : i32
        %dma_start3A_19 = tpu.memref_slice %arg4[%add3A_11, %dma_start3A_18] : memref<640000x128xf32, #tpu.memory_space<hbm>> -> memref<800x128xf32, #tpu.memory_space<hbm>>
        tpu.enqueue_dma source(%arg6 : memref<800x128xf32, #tpu.memory_space<vmem>>) target(%dma_start3A_19 : memref<800x128xf32, #tpu.memory_space<hbm>>) target_semaphore(%run_scoped3A : memref<!tpu.dma_semaphore, #tpu.memory_space<semaphore_mem>>)
        %dma_wait3A_20 = arith.constant 0 : i32
        %dma_wait3A_21 = tpu.memref_slice %arg4[%add3A_11, %dma_wait3A_20] : memref<640000x128xf32, #tpu.memory_space<hbm>> -> memref<800x128xf32, #tpu.memory_space<hbm>>
        %dma_wait3A_22 = arith.constant 0 : i32
        %dma_wait3A_23 = tpu.memref_slice %arg4[%add3A_11, %dma_wait3A_22] : memref<640000x128xf32, #tpu.memory_space<hbm>> -> memref<800x128xf32, #tpu.memory_space<hbm>>
        tpu.wait_dma2 semaphore(%run_scoped3A : memref<!tpu.dma_semaphore, #tpu.memory_space<semaphore_mem>>) src(%arg6 : memref<800x128xf32, #tpu.memory_space<vmem>>) dst(%dma_wait3A_23 : memref<800x128xf32, #tpu.memory_space<hbm>>)
        tpu.yield
      }) : () -> ()
    }
    %scan3A_7 = arith.constant 25 : i32
    return
  }
}

#map = affine_map<(d0, d1) -> (0, 0)>
#map1 = affine_map<(d0, d1) -> (0, 0, 0, 0)>
module attributes {stable_mosaic.version = 14 : i64} {
  func.func @body(%arg0: i32, %arg1: i32, %arg2: memref<640000x144xf32, #tpu.memory_space<hbm>>, %arg3: memref<2x16x400x100xi32, #tpu.memory_space<hbm>>, %arg4: memref<5136x144xf32, #tpu.memory_space<hbm>>, %arg5: memref<10240x144xf32, #tpu.memory_space<hbm>>, %arg6: memref<400x100xi32, #tpu.memory_space<vmem>>, %arg7: memref<100x144xf32, #tpu.memory_space<vmem>>, %arg8: memref<100x144xf32, #tpu.memory_space<vmem>>, %arg9: memref<5136x144xf32, #tpu.memory_space<vmem_shared>>, %arg10: memref<!tpu.dma_semaphore, #tpu.memory_space<semaphore_mem>>, %arg11: memref<!tpu.dma_semaphore, #tpu.memory_space<semaphore_mem>>) attributes {dimension_semantics = [#tpu.dimension_semantics<core_parallel>, #tpu.dimension_semantics<subcore_parallel>], iteration_bounds = array<i64: 2, 16>, scalar_prefetch = 0 : i64, scratch_operands = 6 : i64, tpu.core_type = #tpu.core_type<sc_vector_subcore>, window_params = [{transform_indices = #map}, {transform_indices = #map1}, {transform_indices = #map}, {transform_indices = #map}]} {
    %mul3A = arith.constant 321 : i32
    %mul3A_0 = arith.muli %arg1, %mul3A : i32
    %mul3A_1 = arith.constant 321 : i32
    %mul3A_2 = arith.muli %arg1, %mul3A_1 : i32
    "tpu.region"() ({
      %run_scoped3A = tpu.sem_alloc : memref<!tpu.dma_semaphore, #tpu.memory_space<semaphore_mem>>
      %dma_start3A_27 = arith.constant 0 : i32
      %dma_start3A_28 = tpu.memref_slice %arg9[%mul3A_2, %dma_start3A_27] : memref<5136x144xf32, #tpu.memory_space<vmem_shared>> -> memref<321x144xf32, #tpu.memory_space<vmem_shared>>
      %dma_start3A_29 = arith.constant 0 : i32
      %dma_start3A_30 = tpu.memref_slice %arg4[%mul3A_0, %dma_start3A_29] : memref<5136x144xf32, #tpu.memory_space<hbm>> -> memref<321x144xf32, #tpu.memory_space<hbm>>
      tpu.enqueue_dma source(%dma_start3A_30 : memref<321x144xf32, #tpu.memory_space<hbm>>) target(%dma_start3A_28 : memref<321x144xf32, #tpu.memory_space<vmem_shared>>) target_semaphore(%run_scoped3A : memref<!tpu.dma_semaphore, #tpu.memory_space<semaphore_mem>>)
      %dma_wait3A_31 = arith.constant 0 : i32
      %dma_wait3A_32 = tpu.memref_slice %arg9[%mul3A_2, %dma_wait3A_31] : memref<5136x144xf32, #tpu.memory_space<vmem_shared>> -> memref<321x144xf32, #tpu.memory_space<vmem_shared>>
      %dma_wait3A_33 = arith.constant 0 : i32
      %dma_wait3A_34 = tpu.memref_slice %arg4[%mul3A_0, %dma_wait3A_33] : memref<5136x144xf32, #tpu.memory_space<hbm>> -> memref<321x144xf32, #tpu.memory_space<hbm>>
      tpu.wait_dma2 semaphore(%run_scoped3A : memref<!tpu.dma_semaphore, #tpu.memory_space<semaphore_mem>>) src(%dma_wait3A_34 : memref<321x144xf32, #tpu.memory_space<hbm>>) dst(%dma_wait3A_32 : memref<321x144xf32, #tpu.memory_space<vmem_shared>>)
      tpu.yield
    }) : () -> ()
    %barrier3A = arith.constant 0 : index
    tpu.barrier barrier_id(%barrier3A)
    %mul3A_3 = arith.constant 40000 : i32
    %mul3A_4 = arith.muli %arg1, %mul3A_3 : i32
    "tpu.region"() ({
      %run_scoped3A = tpu.sem_alloc : memref<!tpu.dma_semaphore, #tpu.memory_space<semaphore_mem>>
      %dma_start3A_27 = arith.constant 0 : i32
      %dma_start3A_28 = arith.constant 0 : i32
      %dma_start3A_29 = tpu.memref_slice %arg3[%arg0, %arg1, %dma_start3A_27, %dma_start3A_28] : memref<2x16x400x100xi32, #tpu.memory_space<hbm>> -> memref<1x1x400x100xi32, #tpu.memory_space<hbm>>
      %dma_start3A_30 = tpu.memref_squeeze %dma_start3A_29 : memref<1x1x400x100xi32, #tpu.memory_space<hbm>> -> memref<400x100xi32, #tpu.memory_space<hbm>>
      %dma_start3A_31 = arith.constant 0 : i32
      %dma_start3A_32 = arith.constant 0 : i32
      %dma_start3A_33 = tpu.memref_slice %arg3[%arg0, %arg1, %dma_start3A_31, %dma_start3A_32] : memref<2x16x400x100xi32, #tpu.memory_space<hbm>> -> memref<1x1x400x100xi32, #tpu.memory_space<hbm>>
      %dma_start3A_34 = tpu.memref_squeeze %dma_start3A_33 : memref<1x1x400x100xi32, #tpu.memory_space<hbm>> -> memref<400x100xi32, #tpu.memory_space<hbm>>
      tpu.enqueue_dma source(%dma_start3A_34 : memref<400x100xi32, #tpu.memory_space<hbm>>) target(%arg6 : memref<400x100xi32, #tpu.memory_space<vmem>>) target_semaphore(%run_scoped3A : memref<!tpu.dma_semaphore, #tpu.memory_space<semaphore_mem>>)
      %dma_wait3A_35 = arith.constant 0 : i32
      %dma_wait3A_36 = arith.constant 0 : i32
      %dma_wait3A_37 = tpu.memref_slice %arg3[%arg0, %arg1, %dma_wait3A_35, %dma_wait3A_36] : memref<2x16x400x100xi32, #tpu.memory_space<hbm>> -> memref<1x1x400x100xi32, #tpu.memory_space<hbm>>
      %dma_wait3A_38 = tpu.memref_squeeze %dma_wait3A_37 : memref<1x1x400x100xi32, #tpu.memory_space<hbm>> -> memref<400x100xi32, #tpu.memory_space<hbm>>
      %dma_wait3A_39 = arith.constant 0 : i32
      %dma_wait3A_40 = arith.constant 0 : i32
      %dma_wait3A_41 = tpu.memref_slice %arg3[%arg0, %arg1, %dma_wait3A_39, %dma_wait3A_40] : memref<2x16x400x100xi32, #tpu.memory_space<hbm>> -> memref<1x1x400x100xi32, #tpu.memory_space<hbm>>
      %dma_wait3A_42 = tpu.memref_squeeze %dma_wait3A_41 : memref<1x1x400x100xi32, #tpu.memory_space<hbm>> -> memref<400x100xi32, #tpu.memory_space<hbm>>
      tpu.wait_dma2 semaphore(%run_scoped3A : memref<!tpu.dma_semaphore, #tpu.memory_space<semaphore_mem>>) src(%dma_wait3A_42 : memref<400x100xi32, #tpu.memory_space<hbm>>) dst(%arg6 : memref<400x100xi32, #tpu.memory_space<vmem>>)
      tpu.yield
    }) : () -> ()
    %add3A = arith.constant 0 : i32
    %add3A_5 = arith.addi %mul3A_4, %add3A : i32
    %dma_start3A = arith.constant 0 : i32
    %dma_start3A_6 = tpu.memref_slice %arg2[%add3A_5, %dma_start3A] : memref<640000x144xf32, #tpu.memory_space<hbm>> -> memref<100x144xf32, #tpu.memory_space<hbm>>
    %dma_start3A_7 = arith.constant 0 : i32
    %dma_start3A_8 = tpu.memref_slice %arg2[%add3A_5, %dma_start3A_7] : memref<640000x144xf32, #tpu.memory_space<hbm>> -> memref<100x144xf32, #tpu.memory_space<hbm>>
    tpu.enqueue_dma source(%dma_start3A_8 : memref<100x144xf32, #tpu.memory_space<hbm>>) target(%arg7 : memref<100x144xf32, #tpu.memory_space<vmem>>) target_semaphore(%arg10 : memref<!tpu.dma_semaphore, #tpu.memory_space<semaphore_mem>>)
    %scan3A = arith.constant 0 : i32
    %scan3A_9 = arith.constant 0 : i32
    %scan3A_10 = arith.constant 200 : i32
    %scan3A_11 = arith.addi %scan3A_9, %scan3A_10 : i32
    %scan3A_12 = arith.constant 1 : i32
    scf.for %scan3A_27 = %scan3A_9 to %scan3A_11 step %scan3A_12  : i32 {
      %mul3A_28 = arith.constant 2 : i32
      %mul3A_29 = arith.muli %mul3A_28, %scan3A_27 : i32
      %add3A_30 = arith.constant 1 : i32
      %add3A_31 = arith.addi %mul3A_29, %add3A_30 : i32
      %mul3A_32 = arith.constant 100 : i32
      %mul3A_33 = arith.muli %add3A_31, %mul3A_32 : i32
      %add3A_34 = arith.addi %mul3A_4, %mul3A_33 : i32
      %dma_start3A_35 = arith.constant 0 : i32
      %dma_start3A_36 = tpu.memref_slice %arg2[%add3A_34, %dma_start3A_35] : memref<640000x144xf32, #tpu.memory_space<hbm>> -> memref<100x144xf32, #tpu.memory_space<hbm>>
      %dma_start3A_37 = arith.constant 0 : i32
      %dma_start3A_38 = tpu.memref_slice %arg2[%add3A_34, %dma_start3A_37] : memref<640000x144xf32, #tpu.memory_space<hbm>> -> memref<100x144xf32, #tpu.memory_space<hbm>>
      tpu.enqueue_dma source(%dma_start3A_38 : memref<100x144xf32, #tpu.memory_space<hbm>>) target(%arg8 : memref<100x144xf32, #tpu.memory_space<vmem>>) target_semaphore(%arg11 : memref<!tpu.dma_semaphore, #tpu.memory_space<semaphore_mem>>)
      %mul3A_39 = arith.constant 100 : i32
      %mul3A_40 = arith.muli %mul3A_29, %mul3A_39 : i32
      %add3A_41 = arith.addi %mul3A_4, %mul3A_40 : i32
      %dma_wait3A_42 = arith.constant 0 : i32
      %dma_wait3A_43 = tpu.memref_slice %arg2[%add3A_41, %dma_wait3A_42] : memref<640000x144xf32, #tpu.memory_space<hbm>> -> memref<100x144xf32, #tpu.memory_space<hbm>>
      %dma_wait3A_44 = arith.constant 0 : i32
      %dma_wait3A_45 = tpu.memref_slice %arg2[%add3A_41, %dma_wait3A_44] : memref<640000x144xf32, #tpu.memory_space<hbm>> -> memref<100x144xf32, #tpu.memory_space<hbm>>
      tpu.wait_dma2 semaphore(%arg10 : memref<!tpu.dma_semaphore, #tpu.memory_space<semaphore_mem>>) src(%dma_wait3A_45 : memref<100x144xf32, #tpu.memory_space<hbm>>) dst(%arg7 : memref<100x144xf32, #tpu.memory_space<vmem>>)
      "tpu.region"() ({
        %run_scoped3A = tpu.sem_alloc : memref<!tpu.dma_semaphore, #tpu.memory_space<semaphore_mem>>
        %dma_start3A_63 = arith.constant 0 : i32
        %dma_start3A_64 = tpu.memref_slice %arg6[%mul3A_29, %dma_start3A_63] : memref<400x100xi32, #tpu.memory_space<vmem>> -> memref<1x100xi32, #tpu.memory_space<vmem>>
        %dma_start3A_65 = tpu.memref_squeeze %dma_start3A_64 : memref<1x100xi32, #tpu.memory_space<vmem>> -> memref<100xi32, #tpu.memory_space<vmem>>
        %dma_start3A_66 = arith.constant 0 : i32
        %dma_start3A_67 = arith.constant 0 : i32
        %dma_start3A_68 = tpu.memref_slice %arg9[%dma_start3A_66, %dma_start3A_67] : memref<5136x144xf32, #tpu.memory_space<vmem_shared>> -> memref<5136x144xf32, #tpu.memory_space<vmem_shared>>
        tpu.enqueue_indirect_dma source(%arg7 : memref<100x144xf32, #tpu.memory_space<vmem>>) target(%dma_start3A_68 : memref<5136x144xf32, #tpu.memory_space<vmem_shared>>) offsets(%dma_start3A_65 : memref<100xi32, #tpu.memory_space<vmem>>) semaphore(%run_scoped3A : memref<!tpu.dma_semaphore, #tpu.memory_space<semaphore_mem>>) {add = true}
        %dma_wait3A_69 = arith.constant 0 : i32
        %dma_wait3A_70 = tpu.memref_slice %arg6[%mul3A_29, %dma_wait3A_69] : memref<400x100xi32, #tpu.memory_space<vmem>> -> memref<1x100xi32, #tpu.memory_space<vmem>>
        %dma_wait3A_71 = tpu.memref_squeeze %dma_wait3A_70 : memref<1x100xi32, #tpu.memory_space<vmem>> -> memref<100xi32, #tpu.memory_space<vmem>>
        %dma_wait3A_72 = arith.constant 0 : i32
        %dma_wait3A_73 = arith.constant 0 : i32
        %dma_wait3A_74 = tpu.memref_slice %arg9[%dma_wait3A_72, %dma_wait3A_73] : memref<5136x144xf32, #tpu.memory_space<vmem_shared>> -> memref<5136x144xf32, #tpu.memory_space<vmem_shared>>
        tpu.wait_indirect_dma semaphore(%run_scoped3A : memref<!tpu.dma_semaphore, #tpu.memory_space<semaphore_mem>>) src(%arg7 : memref<100x144xf32, #tpu.memory_space<vmem>>) dst(%dma_wait3A_74 : memref<5136x144xf32, #tpu.memory_space<vmem_shared>>)
        tpu.yield
      }) : () -> ()
      %add3A_46 = arith.constant 2 : i32
      %add3A_47 = arith.addi %mul3A_29, %add3A_46 : i32
      %min3A = arith.constant 399 : i32
      %min3A_48 = arith.minsi %add3A_47, %min3A : i32
      %mul3A_49 = arith.constant 100 : i32
      %mul3A_50 = arith.muli %min3A_48, %mul3A_49 : i32
      %add3A_51 = arith.addi %mul3A_4, %mul3A_50 : i32
      %dma_start3A_52 = arith.constant 0 : i32
      %dma_start3A_53 = tpu.memref_slice %arg2[%add3A_51, %dma_start3A_52] : memref<640000x144xf32, #tpu.memory_space<hbm>> -> memref<100x144xf32, #tpu.memory_space<hbm>>
      %dma_start3A_54 = arith.constant 0 : i32
      %dma_start3A_55 = tpu.memref_slice %arg2[%add3A_51, %dma_start3A_54] : memref<640000x144xf32, #tpu.memory_space<hbm>> -> memref<100x144xf32, #tpu.memory_space<hbm>>
      tpu.enqueue_dma source(%dma_start3A_55 : memref<100x144xf32, #tpu.memory_space<hbm>>) target(%arg7 : memref<100x144xf32, #tpu.memory_space<vmem>>) target_semaphore(%arg10 : memref<!tpu.dma_semaphore, #tpu.memory_space<semaphore_mem>>)
      %mul3A_56 = arith.constant 100 : i32
      %mul3A_57 = arith.muli %add3A_31, %mul3A_56 : i32
      %add3A_58 = arith.addi %mul3A_4, %mul3A_57 : i32
      %dma_wait3A_59 = arith.constant 0 : i32
      %dma_wait3A_60 = tpu.memref_slice %arg2[%add3A_58, %dma_wait3A_59] : memref<640000x144xf32, #tpu.memory_space<hbm>> -> memref<100x144xf32, #tpu.memory_space<hbm>>
      %dma_wait3A_61 = arith.constant 0 : i32
      %dma_wait3A_62 = tpu.memref_slice %arg2[%add3A_58, %dma_wait3A_61] : memref<640000x144xf32, #tpu.memory_space<hbm>> -> memref<100x144xf32, #tpu.memory_space<hbm>>
      tpu.wait_dma2 semaphore(%arg11 : memref<!tpu.dma_semaphore, #tpu.memory_space<semaphore_mem>>) src(%dma_wait3A_62 : memref<100x144xf32, #tpu.memory_space<hbm>>) dst(%arg8 : memref<100x144xf32, #tpu.memory_space<vmem>>)
      "tpu.region"() ({
        %run_scoped3A = tpu.sem_alloc : memref<!tpu.dma_semaphore, #tpu.memory_space<semaphore_mem>>
        %dma_start3A_63 = arith.constant 0 : i32
        %dma_start3A_64 = tpu.memref_slice %arg6[%add3A_31, %dma_start3A_63] : memref<400x100xi32, #tpu.memory_space<vmem>> -> memref<1x100xi32, #tpu.memory_space<vmem>>
        %dma_start3A_65 = tpu.memref_squeeze %dma_start3A_64 : memref<1x100xi32, #tpu.memory_space<vmem>> -> memref<100xi32, #tpu.memory_space<vmem>>
        %dma_start3A_66 = arith.constant 0 : i32
        %dma_start3A_67 = arith.constant 0 : i32
        %dma_start3A_68 = tpu.memref_slice %arg9[%dma_start3A_66, %dma_start3A_67] : memref<5136x144xf32, #tpu.memory_space<vmem_shared>> -> memref<5136x144xf32, #tpu.memory_space<vmem_shared>>
        tpu.enqueue_indirect_dma source(%arg8 : memref<100x144xf32, #tpu.memory_space<vmem>>) target(%dma_start3A_68 : memref<5136x144xf32, #tpu.memory_space<vmem_shared>>) offsets(%dma_start3A_65 : memref<100xi32, #tpu.memory_space<vmem>>) semaphore(%run_scoped3A : memref<!tpu.dma_semaphore, #tpu.memory_space<semaphore_mem>>) {add = true}
        %dma_wait3A_69 = arith.constant 0 : i32
        %dma_wait3A_70 = tpu.memref_slice %arg6[%add3A_31, %dma_wait3A_69] : memref<400x100xi32, #tpu.memory_space<vmem>> -> memref<1x100xi32, #tpu.memory_space<vmem>>
        %dma_wait3A_71 = tpu.memref_squeeze %dma_wait3A_70 : memref<1x100xi32, #tpu.memory_space<vmem>> -> memref<100xi32, #tpu.memory_space<vmem>>
        %dma_wait3A_72 = arith.constant 0 : i32
        %dma_wait3A_73 = arith.constant 0 : i32
        %dma_wait3A_74 = tpu.memref_slice %arg9[%dma_wait3A_72, %dma_wait3A_73] : memref<5136x144xf32, #tpu.memory_space<vmem_shared>> -> memref<5136x144xf32, #tpu.memory_space<vmem_shared>>
        tpu.wait_indirect_dma semaphore(%run_scoped3A : memref<!tpu.dma_semaphore, #tpu.memory_space<semaphore_mem>>) src(%arg8 : memref<100x144xf32, #tpu.memory_space<vmem>>) dst(%dma_wait3A_74 : memref<5136x144xf32, #tpu.memory_space<vmem_shared>>)
        tpu.yield
      }) : () -> ()
    }
    %scan3A_13 = arith.constant 200 : i32
    %add3A_14 = arith.constant 39900 : i32
    %add3A_15 = arith.addi %mul3A_4, %add3A_14 : i32
    %dma_wait3A = arith.constant 0 : i32
    %dma_wait3A_16 = tpu.memref_slice %arg2[%add3A_15, %dma_wait3A] : memref<640000x144xf32, #tpu.memory_space<hbm>> -> memref<100x144xf32, #tpu.memory_space<hbm>>
    %dma_wait3A_17 = arith.constant 0 : i32
    %dma_wait3A_18 = tpu.memref_slice %arg2[%add3A_15, %dma_wait3A_17] : memref<640000x144xf32, #tpu.memory_space<hbm>> -> memref<100x144xf32, #tpu.memory_space<hbm>>
    tpu.wait_dma2 semaphore(%arg10 : memref<!tpu.dma_semaphore, #tpu.memory_space<semaphore_mem>>) src(%dma_wait3A_18 : memref<100x144xf32, #tpu.memory_space<hbm>>) dst(%arg7 : memref<100x144xf32, #tpu.memory_space<vmem>>)
    %barrier3A_19 = arith.constant 0 : index
    tpu.barrier barrier_id(%barrier3A_19)
    %mul3A_20 = arith.constant 320 : i32
    %mul3A_21 = arith.muli %arg1, %mul3A_20 : i32
    %mul3A_22 = arith.constant 5120 : i32
    %mul3A_23 = arith.muli %arg0, %mul3A_22 : i32
    %mul3A_24 = arith.constant 320 : i32
    %mul3A_25 = arith.muli %arg1, %mul3A_24 : i32
    %add3A_26 = arith.addi %mul3A_23, %mul3A_25 : i32
    "tpu.region"() ({
      %run_scoped3A = tpu.sem_alloc : memref<!tpu.dma_semaphore, #tpu.memory_space<semaphore_mem>>
      %dma_start3A_27 = arith.constant 0 : i32
      %dma_start3A_28 = tpu.memref_slice %arg5[%add3A_26, %dma_start3A_27] : memref<10240x144xf32, #tpu.memory_space<hbm>> -> memref<320x144xf32, #tpu.memory_space<hbm>>
      %dma_start3A_29 = arith.constant 0 : i32
      %dma_start3A_30 = tpu.memref_slice %arg9[%mul3A_21, %dma_start3A_29] : memref<5136x144xf32, #tpu.memory_space<vmem_shared>> -> memref<320x144xf32, #tpu.memory_space<vmem_shared>>
      tpu.enqueue_dma source(%dma_start3A_30 : memref<320x144xf32, #tpu.memory_space<vmem_shared>>) target(%dma_start3A_28 : memref<320x144xf32, #tpu.memory_space<hbm>>) target_semaphore(%run_scoped3A : memref<!tpu.dma_semaphore, #tpu.memory_space<semaphore_mem>>)
      %dma_wait3A_31 = arith.constant 0 : i32
      %dma_wait3A_32 = tpu.memref_slice %arg5[%add3A_26, %dma_wait3A_31] : memref<10240x144xf32, #tpu.memory_space<hbm>> -> memref<320x144xf32, #tpu.memory_space<hbm>>
      %dma_wait3A_33 = arith.constant 0 : i32
      %dma_wait3A_34 = tpu.memref_slice %arg9[%mul3A_21, %dma_wait3A_33] : memref<5136x144xf32, #tpu.memory_space<vmem_shared>> -> memref<320x144xf32, #tpu.memory_space<vmem_shared>>
      tpu.wait_dma2 semaphore(%run_scoped3A : memref<!tpu.dma_semaphore, #tpu.memory_space<semaphore_mem>>) src(%dma_wait3A_34 : memref<320x144xf32, #tpu.memory_space<vmem_shared>>) dst(%dma_wait3A_32 : memref<320x144xf32, #tpu.memory_space<hbm>>)
      tpu.yield
    }) : () -> ()
    return
  }
}

#map = affine_map<(d0, d1) -> (0, 0)>
#map1 = affine_map<(d0, d1) -> (0)>
module attributes {stable_mosaic.version = 14 : i64} {
  func.func @body(%arg0: i32, %arg1: i32, %arg2: memref<10240x128xf32, #tpu.memory_space<hbm>>, %arg3: memref<1024xi32, #tpu.memory_space<hbm>>, %arg4: memref<1024x128xf32, #tpu.memory_space<hbm>>, %arg5: memref<32xi32, #tpu.memory_space<vmem>>, %arg6: memref<32x128xf32, #tpu.memory_space<vmem>>, %arg7: memref<!tpu.dma_semaphore, #tpu.memory_space<semaphore_mem>>) attributes {dimension_semantics = [#tpu.dimension_semantics<core_parallel>, #tpu.dimension_semantics<subcore_parallel>], iteration_bounds = array<i64: 2, 16>, scalar_prefetch = 0 : i64, scratch_operands = 3 : i64, tpu.core_type = #tpu.core_type<sc_vector_subcore>, window_params = [{transform_indices = #map}, {transform_indices = #map1}, {transform_indices = #map}]} {
    %mul3A = arith.constant 2 : i32
    %mul3A_0 = arith.muli %arg1, %mul3A : i32
    %add3A = arith.addi %mul3A_0, %arg0 : i32
    %mul3A_1 = arith.constant 32 : i32
    %mul3A_2 = arith.muli %add3A, %mul3A_1 : i32
    %scan3A = arith.constant 0 : i32
    %scan3A_3 = arith.constant 0 : i32
    %mul3A_4 = arith.constant 32 : i32
    %mul3A_5 = arith.muli %scan3A_3, %mul3A_4 : i32
    %add3A_6 = arith.addi %mul3A_2, %mul3A_5 : i32
    "tpu.region"() ({
      %run_scoped3A = tpu.sem_alloc : memref<!tpu.dma_semaphore, #tpu.memory_space<semaphore_mem>>
      %dma_start3A_12 = tpu.memref_slice %arg3[%add3A_6] : memref<1024xi32, #tpu.memory_space<hbm>> -> memref<32xi32, #tpu.memory_space<hbm>>
      %dma_start3A_13 = tpu.memref_slice %arg3[%add3A_6] : memref<1024xi32, #tpu.memory_space<hbm>> -> memref<32xi32, #tpu.memory_space<hbm>>
      tpu.enqueue_dma source(%dma_start3A_13 : memref<32xi32, #tpu.memory_space<hbm>>) target(%arg5 : memref<32xi32, #tpu.memory_space<vmem>>) target_semaphore(%run_scoped3A : memref<!tpu.dma_semaphore, #tpu.memory_space<semaphore_mem>>)
      %dma_wait3A_14 = tpu.memref_slice %arg3[%add3A_6] : memref<1024xi32, #tpu.memory_space<hbm>> -> memref<32xi32, #tpu.memory_space<hbm>>
      %dma_wait3A_15 = tpu.memref_slice %arg3[%add3A_6] : memref<1024xi32, #tpu.memory_space<hbm>> -> memref<32xi32, #tpu.memory_space<hbm>>
      tpu.wait_dma2 semaphore(%run_scoped3A : memref<!tpu.dma_semaphore, #tpu.memory_space<semaphore_mem>>) src(%dma_wait3A_15 : memref<32xi32, #tpu.memory_space<hbm>>) dst(%arg5 : memref<32xi32, #tpu.memory_space<vmem>>)
      tpu.yield
    }) : () -> ()
    %dma_start3A = arith.constant 0 : i32
    %dma_start3A_7 = arith.constant 0 : i32
    %dma_start3A_8 = tpu.memref_slice %arg2[%dma_start3A, %dma_start3A_7] : memref<10240x128xf32, #tpu.memory_space<hbm>> -> memref<10240x128xf32, #tpu.memory_space<hbm>>
    tpu.enqueue_indirect_dma source(%dma_start3A_8 : memref<10240x128xf32, #tpu.memory_space<hbm>>) target(%arg6 : memref<32x128xf32, #tpu.memory_space<vmem>>) offsets(%arg5 : memref<32xi32, #tpu.memory_space<vmem>>) semaphore(%arg7 : memref<!tpu.dma_semaphore, #tpu.memory_space<semaphore_mem>>)
    %dma_wait3A = arith.constant 0 : i32
    %dma_wait3A_9 = arith.constant 0 : i32
    %dma_wait3A_10 = tpu.memref_slice %arg2[%dma_wait3A, %dma_wait3A_9] : memref<10240x128xf32, #tpu.memory_space<hbm>> -> memref<10240x128xf32, #tpu.memory_space<hbm>>
    tpu.wait_indirect_dma semaphore(%arg7 : memref<!tpu.dma_semaphore, #tpu.memory_space<semaphore_mem>>) src(%dma_wait3A_10 : memref<10240x128xf32, #tpu.memory_space<hbm>>) dst(%arg6 : memref<32x128xf32, #tpu.memory_space<vmem>>)
    "tpu.region"() ({
      %run_scoped3A = tpu.sem_alloc : memref<!tpu.dma_semaphore, #tpu.memory_space<semaphore_mem>>
      %dma_start3A_12 = arith.constant 0 : i32
      %dma_start3A_13 = tpu.memref_slice %arg4[%add3A_6, %dma_start3A_12] : memref<1024x128xf32, #tpu.memory_space<hbm>> -> memref<32x128xf32, #tpu.memory_space<hbm>>
      %dma_start3A_14 = arith.constant 0 : i32
      %dma_start3A_15 = tpu.memref_slice %arg4[%add3A_6, %dma_start3A_14] : memref<1024x128xf32, #tpu.memory_space<hbm>> -> memref<32x128xf32, #tpu.memory_space<hbm>>
      tpu.enqueue_dma source(%arg6 : memref<32x128xf32, #tpu.memory_space<vmem>>) target(%dma_start3A_15 : memref<32x128xf32, #tpu.memory_space<hbm>>) target_semaphore(%run_scoped3A : memref<!tpu.dma_semaphore, #tpu.memory_space<semaphore_mem>>)
      %dma_wait3A_16 = arith.constant 0 : i32
      %dma_wait3A_17 = tpu.memref_slice %arg4[%add3A_6, %dma_wait3A_16] : memref<1024x128xf32, #tpu.memory_space<hbm>> -> memref<32x128xf32, #tpu.memory_space<hbm>>
      %dma_wait3A_18 = arith.constant 0 : i32
      %dma_wait3A_19 = tpu.memref_slice %arg4[%add3A_6, %dma_wait3A_18] : memref<1024x128xf32, #tpu.memory_space<hbm>> -> memref<32x128xf32, #tpu.memory_space<hbm>>
      tpu.wait_dma2 semaphore(%run_scoped3A : memref<!tpu.dma_semaphore, #tpu.memory_space<semaphore_mem>>) src(%arg6 : memref<32x128xf32, #tpu.memory_space<vmem>>) dst(%dma_wait3A_19 : memref<32x128xf32, #tpu.memory_space<hbm>>)
      tpu.yield
    }) : () -> ()
    %scan3A_11 = arith.constant 1 : i32
    return
  }
}

module attributes {stable_mosaic.version = 14 : i64} {
  func.func @_encoder_body(%arg0: i32, %arg1: memref<1024x6xf32, #tpu.memory_space<vmem>>, %arg2: memref<6x128xf32, #tpu.memory_space<vmem>>, %arg3: memref<1x128xf32, #tpu.memory_space<vmem>>, %arg4: memref<128x128xf32, #tpu.memory_space<vmem>>, %arg5: memref<1x128xf32, #tpu.memory_space<vmem>>, %arg6: memref<1024x128xf32, #tpu.memory_space<vmem>>) attributes {dimension_semantics = [#tpu.dimension_semantics<arbitrary>], iteration_bounds = array<i64: 10>, scalar_prefetch = 0 : i64, scratch_operands = 0 : i64, tpu.core_type = #tpu.core_type<tc>, window_params = [{transform_indices = @transform_0, window_bounds = array<i64: 1024, 6>}, {pipeline_mode = #tpu.pipeline_mode<synchronous>, transform_indices = @transform_1, window_bounds = array<i64: 6, 128>}, {pipeline_mode = #tpu.pipeline_mode<synchronous>, transform_indices = @transform_2, window_bounds = array<i64: 1, 128>}, {pipeline_mode = #tpu.pipeline_mode<synchronous>, transform_indices = @transform_3, window_bounds = array<i64: 128, 128>}, {pipeline_mode = #tpu.pipeline_mode<synchronous>, transform_indices = @transform_4, window_bounds = array<i64: 1, 128>}, {transform_indices = @transform_5, window_bounds = array<i64: 1024, 128>}]} {
    %get3A = arith.constant 0 : index
    %get3A_0 = arith.constant 0 : index
    %get3A_1 = vector.load %arg1[%get3A, %get3A_0] : memref<1024x6xf32, #tpu.memory_space<vmem>>, vector<1024x6xf32>
    %get3A_2 = arith.constant 0 : index
    %get3A_3 = arith.constant 0 : index
    %get3A_4 = vector.load %arg2[%get3A_2, %get3A_3] : memref<6x128xf32, #tpu.memory_space<vmem>>, vector<6x128xf32>
    %dot_general3A = arith.constant dense<0.000000e+00> : vector<1024x128xf32>
    %dot_general3A_5 = tpu.matmul %get3A_1, %get3A_4, %dot_general3A {dimension_numbers = #tpu.dot_dimension_numbers<[1], [0], [0], [1], [0, 0, 1, 1], [], []>, transpose_lhs_hint = false} : vector<1024x6xf32>, vector<6x128xf32>, vector<1024x128xf32> -> vector<1024x128xf32>
    %get3A_6 = arith.constant 0 : index
    %get3A_7 = arith.constant 0 : index
    %get3A_8 = vector.load %arg3[%get3A_6, %get3A_7] : memref<1x128xf32, #tpu.memory_space<vmem>>, vector<1x128xf32>
    %add3A = vector.broadcast %get3A_8 : vector<1x128xf32> to vector<1024x128xf32>
    %add3A_9 = arith.addf %dot_general3A_5, %add3A : vector<1024x128xf32>
    %max3A = arith.constant 0.000000e+00 : f32
    %max3A_10 = vector.broadcast %max3A : f32 to vector<1024x128xf32>
    %max3A_11 = arith.maximumf %add3A_9, %max3A_10 : vector<1024x128xf32>
    %get3A_12 = arith.constant 0 : index
    %get3A_13 = arith.constant 0 : index
    %get3A_14 = vector.load %arg4[%get3A_12, %get3A_13] : memref<128x128xf32, #tpu.memory_space<vmem>>, vector<128x128xf32>
    %dot_general3A_15 = arith.constant dense<0.000000e+00> : vector<1024x128xf32>
    %dot_general3A_16 = tpu.matmul %max3A_11, %get3A_14, %dot_general3A_15 {dimension_numbers = #tpu.dot_dimension_numbers<[1], [0], [0], [1], [0, 0, 1, 1], [], []>, transpose_lhs_hint = false} : vector<1024x128xf32>, vector<128x128xf32>, vector<1024x128xf32> -> vector<1024x128xf32>
    %get3A_17 = arith.constant 0 : index
    %get3A_18 = arith.constant 0 : index
    %get3A_19 = vector.load %arg5[%get3A_17, %get3A_18] : memref<1x128xf32, #tpu.memory_space<vmem>>, vector<1x128xf32>
    %add3A_20 = vector.broadcast %get3A_19 : vector<1x128xf32> to vector<1024x128xf32>
    %add3A_21 = arith.addf %dot_general3A_16, %add3A_20 : vector<1024x128xf32>
    %max3A_22 = arith.constant 0.000000e+00 : f32
    %max3A_23 = vector.broadcast %max3A_22 : f32 to vector<1024x128xf32>
    %max3A_24 = arith.maximumf %add3A_21, %max3A_23 : vector<1024x128xf32>
    %swap3A = arith.constant 0 : index
    %swap3A_25 = arith.constant 0 : index
    %swap3A_26 = vector.load %arg6[%swap3A, %swap3A_25] : memref<1024x128xf32, #tpu.memory_space<vmem>>, vector<1024x128xf32>
    tpu.vector_store %arg6[%swap3A, %swap3A_25], %max3A_24 {strides = array<i32>} : memref<1024x128xf32, #tpu.memory_space<vmem>>, vector<1024x128xf32>,
    return
  }
  func.func @transform_0(%arg0: i32) -> (i32, i32) {
    %c0_i32 = arith.constant 0 : i32
    %c0_i32_0 = arith.constant 0 : i32
    return %arg0, %c0_i32 : i32, i32
  }
  func.func @transform_1(%arg0: i32) -> (i32, i32) {
    %c0_i32 = arith.constant 0 : i32
    %c0_i32_0 = arith.constant 0 : i32
    %c0_i32_1 = arith.constant 0 : i32
    return %c0_i32, %c0_i32_0 : i32, i32
  }
  func.func @transform_2(%arg0: i32) -> (i32, i32) {
    %c0_i32 = arith.constant 0 : i32
    %c0_i32_0 = arith.constant 0 : i32
    %c0_i32_1 = arith.constant 0 : i32
    return %c0_i32, %c0_i32_0 : i32, i32
  }
  func.func @transform_3(%arg0: i32) -> (i32, i32) {
    %c0_i32 = arith.constant 0 : i32
    %c0_i32_0 = arith.constant 0 : i32
    %c0_i32_1 = arith.constant 0 : i32
    return %c0_i32, %c0_i32_0 : i32, i32
  }
  func.func @transform_4(%arg0: i32) -> (i32, i32) {
    %c0_i32 = arith.constant 0 : i32
    %c0_i32_0 = arith.constant 0 : i32
    %c0_i32_1 = arith.constant 0 : i32
    return %c0_i32, %c0_i32_0 : i32, i32
  }
  func.func @transform_5(%arg0: i32) -> (i32, i32) {
    %c0_i32 = arith.constant 0 : i32
    %c0_i32_0 = arith.constant 0 : i32
    return %arg0, %c0_i32 : i32, i32
  }
}

module attributes {stable_mosaic.version = 14 : i64} {
  func.func @_edge_body(%arg0: i32, %arg1: memref<1024x128xf32, #tpu.memory_space<vmem>>, %arg2: memref<1024x3xf32, #tpu.memory_space<vmem>>, %arg3: memref<1024x1xi32, #tpu.memory_space<vmem>>, %arg4: memref<1024x1xi32, #tpu.memory_space<vmem>>, %arg5: memref<128x128xf32, #tpu.memory_space<vmem>>, %arg6: memref<3x128xf32, #tpu.memory_space<vmem>>, %arg7: memref<1x128xf32, #tpu.memory_space<vmem>>, %arg8: memref<128x128xf32, #tpu.memory_space<vmem>>, %arg9: memref<1x128xf32, #tpu.memory_space<vmem>>, %arg10: memref<128x64xf32, #tpu.memory_space<vmem>>, %arg11: memref<3x64xf32, #tpu.memory_space<vmem>>, %arg12: memref<1x64xf32, #tpu.memory_space<vmem>>, %arg13: memref<64x1xf32, #tpu.memory_space<vmem>>, %arg14: memref<1x1xf32, #tpu.memory_space<vmem>>, %arg15: memref<1024x144xf32, #tpu.memory_space<vmem>>) attributes {dimension_semantics = [#tpu.dimension_semantics<arbitrary>], iteration_bounds = array<i64: 625>, scalar_prefetch = 0 : i64, scratch_operands = 0 : i64, tpu.core_type = #tpu.core_type<tc>, window_params = [{transform_indices = @transform_0, window_bounds = array<i64: 1024, 128>}, {transform_indices = @transform_1, window_bounds = array<i64: 1024, 3>}, {transform_indices = @transform_2, window_bounds = array<i64: 1024, 1>}, {transform_indices = @transform_3, window_bounds = array<i64: 1024, 1>}, {pipeline_mode = #tpu.pipeline_mode<synchronous>, transform_indices = @transform_4, window_bounds = array<i64: 128, 128>}, {pipeline_mode = #tpu.pipeline_mode<synchronous>, transform_indices = @transform_5, window_bounds = array<i64: 3, 128>}, {pipeline_mode = #tpu.pipeline_mode<synchronous>, transform_indices = @transform_6, window_bounds = array<i64: 1, 128>}, {pipeline_mode = #tpu.pipeline_mode<synchronous>, transform_indices = @transform_7, window_bounds = array<i64: 128, 128>}, {pipeline_mode = #tpu.pipeline_mode<synchronous>, transform_indices = @transform_8, window_bounds = array<i64: 1, 128>}, {pipeline_mode = #tpu.pipeline_mode<synchronous>, transform_indices = @transform_9, window_bounds = array<i64: 128, 64>}, {pipeline_mode = #tpu.pipeline_mode<synchronous>, transform_indices = @transform_10, window_bounds = array<i64: 3, 64>}, {pipeline_mode = #tpu.pipeline_mode<synchronous>, transform_indices = @transform_11, window_bounds = array<i64: 1, 64>}, {pipeline_mode = #tpu.pipeline_mode<synchronous>, transform_indices = @transform_12, window_bounds = array<i64: 64, 1>}, {pipeline_mode = #tpu.pipeline_mode<synchronous>, transform_indices = @transform_13, window_bounds = array<i64: 1, 1>}, {transform_indices = @transform_14, window_bounds = array<i64: 1024, 144>}]} {
    %get3A = arith.constant 0 : index
    %get3A_0 = arith.constant 0 : index
    %get3A_1 = vector.load %arg1[%get3A, %get3A_0] : memref<1024x128xf32, #tpu.memory_space<vmem>>, vector<1024x128xf32>
    %get3A_2 = arith.constant 0 : index
    %get3A_3 = arith.constant 0 : index
    %get3A_4 = vector.load %arg2[%get3A_2, %get3A_3] : memref<1024x3xf32, #tpu.memory_space<vmem>>, vector<1024x3xf32>
    %get3A_5 = arith.constant 0 : index
    %get3A_6 = arith.constant 0 : index
    %get3A_7 = vector.load %arg5[%get3A_5, %get3A_6] : memref<128x128xf32, #tpu.memory_space<vmem>>, vector<128x128xf32>
    %dot_general3A = arith.constant dense<0.000000e+00> : vector<1024x128xf32>
    %dot_general3A_8 = tpu.matmul %get3A_1, %get3A_7, %dot_general3A {dimension_numbers = #tpu.dot_dimension_numbers<[1], [0], [0], [1], [0, 0, 1, 1], [], []>, transpose_lhs_hint = false} : vector<1024x128xf32>, vector<128x128xf32>, vector<1024x128xf32> -> vector<1024x128xf32>
    %get3A_9 = arith.constant 0 : index
    %get3A_10 = arith.constant 0 : index
    %get3A_11 = vector.load %arg6[%get3A_9, %get3A_10] : memref<3x128xf32, #tpu.memory_space<vmem>>, vector<3x128xf32>
    %dot_general3A_12 = arith.constant dense<0.000000e+00> : vector<1024x128xf32>
    %dot_general3A_13 = tpu.matmul %get3A_4, %get3A_11, %dot_general3A_12 {dimension_numbers = #tpu.dot_dimension_numbers<[1], [0], [0], [1], [0, 0, 1, 1], [], []>, transpose_lhs_hint = false} : vector<1024x3xf32>, vector<3x128xf32>, vector<1024x128xf32> -> vector<1024x128xf32>
    %add3A = arith.addf %dot_general3A_8, %dot_general3A_13 : vector<1024x128xf32>
    %get3A_14 = arith.constant 0 : index
    %get3A_15 = arith.constant 0 : index
    %get3A_16 = vector.load %arg7[%get3A_14, %get3A_15] : memref<1x128xf32, #tpu.memory_space<vmem>>, vector<1x128xf32>
    %add3A_17 = vector.broadcast %get3A_16 : vector<1x128xf32> to vector<1024x128xf32>
    %add3A_18 = arith.addf %add3A, %add3A_17 : vector<1024x128xf32>
    %max3A = arith.constant 0.000000e+00 : f32
    %max3A_19 = vector.broadcast %max3A : f32 to vector<1024x128xf32>
    %max3A_20 = arith.maximumf %add3A_18, %max3A_19 : vector<1024x128xf32>
    %get3A_21 = arith.constant 0 : index
    %get3A_22 = arith.constant 0 : index
    %get3A_23 = vector.load %arg8[%get3A_21, %get3A_22] : memref<128x128xf32, #tpu.memory_space<vmem>>, vector<128x128xf32>
    %dot_general3A_24 = arith.constant dense<0.000000e+00> : vector<1024x128xf32>
    %dot_general3A_25 = tpu.matmul %max3A_20, %get3A_23, %dot_general3A_24 {dimension_numbers = #tpu.dot_dimension_numbers<[1], [0], [0], [1], [0, 0, 1, 1], [], []>, transpose_lhs_hint = false} : vector<1024x128xf32>, vector<128x128xf32>, vector<1024x128xf32> -> vector<1024x128xf32>
    %get3A_26 = arith.constant 0 : index
    %get3A_27 = arith.constant 0 : index
    %get3A_28 = vector.load %arg9[%get3A_26, %get3A_27] : memref<1x128xf32, #tpu.memory_space<vmem>>, vector<1x128xf32>
    %add3A_29 = vector.broadcast %get3A_28 : vector<1x128xf32> to vector<1024x128xf32>
    %add3A_30 = arith.addf %dot_general3A_25, %add3A_29 : vector<1024x128xf32>
    %get3A_31 = arith.constant 0 : index
    %get3A_32 = arith.constant 0 : index
    %get3A_33 = vector.load %arg10[%get3A_31, %get3A_32] : memref<128x64xf32, #tpu.memory_space<vmem>>, vector<128x64xf32>
    %dot_general3A_34 = arith.constant dense<0.000000e+00> : vector<1024x64xf32>
    %dot_general3A_35 = tpu.matmul %get3A_1, %get3A_33, %dot_general3A_34 {dimension_numbers = #tpu.dot_dimension_numbers<[1], [0], [0], [1], [0, 0, 1, 1], [], []>, transpose_lhs_hint = false} : vector<1024x128xf32>, vector<128x64xf32>, vector<1024x64xf32> -> vector<1024x64xf32>
    %get3A_36 = arith.constant 0 : index
    %get3A_37 = arith.constant 0 : index
    %get3A_38 = vector.load %arg11[%get3A_36, %get3A_37] : memref<3x64xf32, #tpu.memory_space<vmem>>, vector<3x64xf32>
    %dot_general3A_39 = arith.constant dense<0.000000e+00> : vector<1024x64xf32>
    %dot_general3A_40 = tpu.matmul %get3A_4, %get3A_38, %dot_general3A_39 {dimension_numbers = #tpu.dot_dimension_numbers<[1], [0], [0], [1], [0, 0, 1, 1], [], []>, transpose_lhs_hint = false} : vector<1024x3xf32>, vector<3x64xf32>, vector<1024x64xf32> -> vector<1024x64xf32>
    %add3A_41 = arith.addf %dot_general3A_35, %dot_general3A_40 : vector<1024x64xf32>
    %get3A_42 = arith.constant 0 : index
    %get3A_43 = arith.constant 0 : index
    %get3A_44 = vector.load %arg12[%get3A_42, %get3A_43] : memref<1x64xf32, #tpu.memory_space<vmem>>, vector<1x64xf32>
    %add3A_45 = vector.broadcast %get3A_44 : vector<1x64xf32> to vector<1024x64xf32>
    %add3A_46 = arith.addf %add3A_41, %add3A_45 : vector<1024x64xf32>
    %max3A_47 = arith.constant 0.000000e+00 : f32
    %max3A_48 = vector.broadcast %max3A_47 : f32 to vector<1024x64xf32>
    %max3A_49 = arith.maximumf %add3A_46, %max3A_48 : vector<1024x64xf32>
    %get3A_50 = arith.constant 0 : index
    %get3A_51 = arith.constant 0 : index
    %get3A_52 = vector.load %arg13[%get3A_50, %get3A_51] : memref<64x1xf32, #tpu.memory_space<vmem>>, vector<64x1xf32>
    %dot_general3A_53 = arith.constant dense<0.000000e+00> : vector<1024x1xf32>
    %dot_general3A_54 = tpu.matmul %max3A_49, %get3A_52, %dot_general3A_53 {dimension_numbers = #tpu.dot_dimension_numbers<[1], [0], [0], [1], [0, 0, 1, 1], [], []>, transpose_lhs_hint = false} : vector<1024x64xf32>, vector<64x1xf32>, vector<1024x1xf32> -> vector<1024x1xf32>
    %get3A_55 = arith.constant 0 : index
    %get3A_56 = arith.constant 0 : index
    %get3A_57 = vector.load %arg14[%get3A_55, %get3A_56] : memref<1x1xf32, #tpu.memory_space<vmem>>, vector<1x1xf32>
    %add3A_58 = vector.broadcast %get3A_57 : vector<1x1xf32> to vector<1024x1xf32>
    %add3A_59 = arith.addf %dot_general3A_54, %add3A_58 : vector<1024x1xf32>
    %get3A_60 = arith.constant 0 : index
    %get3A_61 = arith.constant 0 : index
    %get3A_62 = vector.load %arg3[%get3A_60, %get3A_61] : memref<1024x1xi32, #tpu.memory_space<vmem>>, vector<1024x1xi32>
    %eq3A = arith.constant 0 : i32
    %eq3A_63 = vector.broadcast %eq3A : i32 to vector<1024x1xi32>
    %eq3A_64 = arith.cmpi eq, %get3A_62, %eq3A_63 : vector<1024x1xi32>
    %get3A_65 = arith.constant 0 : index
    %get3A_66 = arith.constant 0 : index
    %get3A_67 = vector.load %arg4[%get3A_65, %get3A_66] : memref<1024x1xi32, #tpu.memory_space<vmem>>, vector<1024x1xi32>
    %eq3A_68 = arith.constant 1 : i32
    %eq3A_69 = vector.broadcast %eq3A_68 : i32 to vector<1024x1xi32>
    %eq3A_70 = arith.cmpi eq, %get3A_67, %eq3A_69 : vector<1024x1xi32>
    %and3A = arith.andi %eq3A_64, %eq3A_70 : vector<1024x1xi1>
    %exp3A = math.exp %add3A_59 : vector<1024x1xf32>
    %jit3A = arith.constant 0.000000e+00 : f32
    %broadcast_in_dim3A = vector.broadcast %jit3A : f32 to vector<1024x1xf32>
    %select_n3A = arith.select %and3A, %exp3A, %broadcast_in_dim3A : vector<1024x1xi1>, vector<1024x1xf32>
    %broadcast_in_dim3A_71 = arith.constant 0.000000e+00 : f32
    %broadcast_in_dim3A_72 = vector.broadcast %broadcast_in_dim3A_71 : f32 to vector<1024x15xf32>
    %mul3A = vector.broadcast %select_n3A : vector<1024x1xf32> to vector<1024x128xf32>
    %mul3A_73 = arith.mulf %add3A_30, %mul3A : vector<1024x128xf32>
    %concatenate3A = tpu.concatenate %mul3A_73, %select_n3A, %broadcast_in_dim3A_72 in 1 : vector<1024x128xf32>, vector<1024x1xf32>, vector<1024x15xf32> -> vector<1024x144xf32>
    %swap3A = arith.constant 0 : index
    %swap3A_74 = arith.constant 0 : index
    %swap3A_75 = vector.load %arg15[%swap3A, %swap3A_74] : memref<1024x144xf32, #tpu.memory_space<vmem>>, vector<1024x144xf32>
    tpu.vector_store %arg15[%swap3A, %swap3A_74], %concatenate3A {strides = array<i32>} : memref<1024x144xf32, #tpu.memory_space<vmem>>, vector<1024x144xf32>,
    return
  }
  func.func @transform_0(%arg0: i32) -> (i32, i32) {
    %c0_i32 = arith.constant 0 : i32
    %c0_i32_0 = arith.constant 0 : i32
    return %arg0, %c0_i32 : i32, i32
  }
  func.func @transform_1(%arg0: i32) -> (i32, i32) {
    %c0_i32 = arith.constant 0 : i32
    %c0_i32_0 = arith.constant 0 : i32
    return %arg0, %c0_i32 : i32, i32
  }
  func.func @transform_2(%arg0: i32) -> (i32, i32) {
    %c0_i32 = arith.constant 0 : i32
    %c0_i32_0 = arith.constant 0 : i32
    return %arg0, %c0_i32 : i32, i32
  }
  func.func @transform_3(%arg0: i32) -> (i32, i32) {
    %c0_i32 = arith.constant 0 : i32
    %c0_i32_0 = arith.constant 0 : i32
    return %arg0, %c0_i32 : i32, i32
  }
  func.func @transform_4(%arg0: i32) -> (i32, i32) {
    %c0_i32 = arith.constant 0 : i32
    %c0_i32_0 = arith.constant 0 : i32
    %c0_i32_1 = arith.constant 0 : i32
    return %c0_i32, %c0_i32_0 : i32, i32
  }
  func.func @transform_5(%arg0: i32) -> (i32, i32) {
    %c0_i32 = arith.constant 0 : i32
    %c0_i32_0 = arith.constant 0 : i32
    %c0_i32_1 = arith.constant 0 : i32
    return %c0_i32, %c0_i32_0 : i32, i32
  }
  func.func @transform_6(%arg0: i32) -> (i32, i32) {
    %c0_i32 = arith.constant 0 : i32
    %c0_i32_0 = arith.constant 0 : i32
    %c0_i32_1 = arith.constant 0 : i32
    return %c0_i32, %c0_i32_0 : i32, i32
  }
  func.func @transform_7(%arg0: i32) -> (i32, i32) {
    %c0_i32 = arith.constant 0 : i32
    %c0_i32_0 = arith.constant 0 : i32
    %c0_i32_1 = arith.constant 0 : i32
    return %c0_i32, %c0_i32_0 : i32, i32
  }
  func.func @transform_8(%arg0: i32) -> (i32, i32) {
    %c0_i32 = arith.constant 0 : i32
    %c0_i32_0 = arith.constant 0 : i32
    %c0_i32_1 = arith.constant 0 : i32
    return %c0_i32, %c0_i32_0 : i32, i32
  }
  func.func @transform_9(%arg0: i32) -> (i32, i32) {
    %c0_i32 = arith.constant 0 : i32
    %c0_i32_0 = arith.constant 0 : i32
    %c0_i32_1 = arith.constant 0 : i32
    return %c0_i32, %c0_i32_0 : i32, i32
  }
  func.func @transform_10(%arg0: i32) -> (i32, i32) {
    %c0_i32 = arith.constant 0 : i32
    %c0_i32_0 = arith.constant 0 : i32
    %c0_i32_1 = arith.constant 0 : i32
    return %c0_i32, %c0_i32_0 : i32, i32
  }
  func.func @transform_11(%arg0: i32) -> (i32, i32) {
    %c0_i32 = arith.constant 0 : i32
    %c0_i32_0 = arith.constant 0 : i32
    %c0_i32_1 = arith.constant 0 : i32
    return %c0_i32, %c0_i32_0 : i32, i32
  }
  func.func @transform_12(%arg0: i32) -> (i32, i32) {
    %c0_i32 = arith.constant 0 : i32
    %c0_i32_0 = arith.constant 0 : i32
    %c0_i32_1 = arith.constant 0 : i32
    return %c0_i32, %c0_i32_0 : i32, i32
  }
  func.func @transform_13(%arg0: i32) -> (i32, i32) {
    %c0_i32 = arith.constant 0 : i32
    %c0_i32_0 = arith.constant 0 : i32
    %c0_i32_1 = arith.constant 0 : i32
    return %c0_i32, %c0_i32_0 : i32, i32
  }
  func.func @transform_14(%arg0: i32) -> (i32, i32) {
    %c0_i32 = arith.constant 0 : i32
    %c0_i32_0 = arith.constant 0 : i32
    return %arg0, %c0_i32 : i32, i32
  }
}

module attributes {stable_mosaic.version = 14 : i64} {
  func.func @_combine_body(%arg0: i32, %arg1: memref<128x128xf32, #tpu.memory_space<vmem>>, %arg2: memref<128x144xf32, #tpu.memory_space<vmem>>, %arg3: memref<1x128xf32, #tpu.memory_space<vmem>>, %arg4: memref<1x128xf32, #tpu.memory_space<vmem>>, %arg5: memref<128x128xf32, #tpu.memory_space<vmem>>) attributes {dimension_semantics = [#tpu.dimension_semantics<arbitrary>], iteration_bounds = array<i64: 80>, scalar_prefetch = 0 : i64, scratch_operands = 0 : i64, tpu.core_type = #tpu.core_type<tc>, window_params = [{transform_indices = @transform_0, window_bounds = array<i64: 128, 128>}, {transform_indices = @transform_1, window_bounds = array<i64: 128, 144>}, {pipeline_mode = #tpu.pipeline_mode<synchronous>, transform_indices = @transform_2, window_bounds = array<i64: 1, 128>}, {pipeline_mode = #tpu.pipeline_mode<synchronous>, transform_indices = @transform_3, window_bounds = array<i64: 1, 128>}, {transform_indices = @transform_4, window_bounds = array<i64: 128, 128>}]} {
    %get3A = arith.constant 0 : index
    %get3A_0 = arith.constant 0 : index
    %get3A_1 = vector.load %arg2[%get3A, %get3A_0] : memref<128x144xf32, #tpu.memory_space<vmem>>, vector<128x144xf32>
    %slice3A = vector.extract_strided_slice %get3A_1 {offsets = [0, 0], sizes = [128, 128], strides = [1, 1]} : vector<128x144xf32> to vector<128x128xf32>
    %slice3A_2 = vector.extract_strided_slice %get3A_1 {offsets = [0, 128], sizes = [128, 1], strides = [1, 1]} : vector<128x144xf32> to vector<128x1xf32>
    %add3A = arith.constant 1.000000e-30 : f32
    %add3A_3 = vector.broadcast %add3A : f32 to vector<128x1xf32>
    %add3A_4 = arith.addf %slice3A_2, %add3A_3 : vector<128x1xf32>
    %div3A = vector.broadcast %add3A_4 : vector<128x1xf32> to vector<128x128xf32>
    %div3A_5 = arith.divf %slice3A, %div3A : vector<128x128xf32>
    %get3A_6 = arith.constant 0 : index
    %get3A_7 = arith.constant 0 : index
    %get3A_8 = vector.load %arg1[%get3A_6, %get3A_7] : memref<128x128xf32, #tpu.memory_space<vmem>>, vector<128x128xf32>
    %add3A_9 = arith.addf %get3A_8, %div3A_5 : vector<128x128xf32>
    %reduce_sum3A = arith.constant dense<0.000000e+00> : vector<128xf32>
    %reduce_sum3A_10 = vector.multi_reduction <add>, %add3A_9, %reduce_sum3A [1] : vector<128x128xf32> to vector<128xf32>
    %broadcast_in_dim3A = vector.shape_cast %reduce_sum3A_10 : vector<128xf32> to vector<128x1xf32>
    %div3A_11 = arith.constant 1.280000e+02 : f32
    %div3A_12 = vector.broadcast %div3A_11 : f32 to vector<128x1xf32>
    %div3A_13 = arith.divf %broadcast_in_dim3A, %div3A_12 : vector<128x1xf32>
    %sub3A = vector.broadcast %div3A_13 : vector<128x1xf32> to vector<128x128xf32>
    %sub3A_14 = arith.subf %add3A_9, %sub3A : vector<128x128xf32>
    %integer_pow3A = arith.mulf %sub3A_14, %sub3A_14 : vector<128x128xf32>
    %reduce_sum3A_15 = arith.constant dense<0.000000e+00> : vector<128xf32>
    %reduce_sum3A_16 = vector.multi_reduction <add>, %integer_pow3A, %reduce_sum3A_15 [1] : vector<128x128xf32> to vector<128xf32>
    %broadcast_in_dim3A_17 = vector.shape_cast %reduce_sum3A_16 : vector<128xf32> to vector<128x1xf32>
    %div3A_18 = arith.constant 1.280000e+02 : f32
    %div3A_19 = vector.broadcast %div3A_18 : f32 to vector<128x1xf32>
    %div3A_20 = arith.divf %broadcast_in_dim3A_17, %div3A_19 : vector<128x1xf32>
    %sub3A_21 = vector.broadcast %div3A_13 : vector<128x1xf32> to vector<128x128xf32>
    %sub3A_22 = arith.subf %add3A_9, %sub3A_21 : vector<128x128xf32>
    %add3A_23 = arith.constant 9.99999974E-6 : f32
    %add3A_24 = vector.broadcast %add3A_23 : f32 to vector<128x1xf32>
    %add3A_25 = arith.addf %div3A_20, %add3A_24 : vector<128x1xf32>
    %rsqrt3A = math.rsqrt %add3A_25 : vector<128x1xf32>
    %mul3A = vector.broadcast %rsqrt3A : vector<128x1xf32> to vector<128x128xf32>
    %mul3A_26 = arith.mulf %sub3A_22, %mul3A : vector<128x128xf32>
    %get3A_27 = arith.constant 0 : index
    %get3A_28 = arith.constant 0 : index
    %get3A_29 = vector.load %arg3[%get3A_27, %get3A_28] : memref<1x128xf32, #tpu.memory_space<vmem>>, vector<1x128xf32>
    %mul3A_30 = vector.broadcast %get3A_29 : vector<1x128xf32> to vector<128x128xf32>
    %mul3A_31 = arith.mulf %mul3A_26, %mul3A_30 : vector<128x128xf32>
    %get3A_32 = arith.constant 0 : index
    %get3A_33 = arith.constant 0 : index
    %get3A_34 = vector.load %arg4[%get3A_32, %get3A_33] : memref<1x128xf32, #tpu.memory_space<vmem>>, vector<1x128xf32>
    %add3A_35 = vector.broadcast %get3A_34 : vector<1x128xf32> to vector<128x128xf32>
    %add3A_36 = arith.addf %mul3A_31, %add3A_35 : vector<128x128xf32>
    %max3A = arith.constant 0.000000e+00 : f32
    %max3A_37 = vector.broadcast %max3A : f32 to vector<128x128xf32>
    %max3A_38 = arith.maximumf %add3A_36, %max3A_37 : vector<128x128xf32>
    %add3A_39 = arith.addf %max3A_38, %get3A_8 : vector<128x128xf32>
    %swap3A = arith.constant 0 : index
    %swap3A_40 = arith.constant 0 : index
    %swap3A_41 = vector.load %arg5[%swap3A, %swap3A_40] : memref<128x128xf32, #tpu.memory_space<vmem>>, vector<128x128xf32>
    tpu.vector_store %arg5[%swap3A, %swap3A_40], %add3A_39 {strides = array<i32>} : memref<128x128xf32, #tpu.memory_space<vmem>>, vector<128x128xf32>,
    return
  }
  func.func @transform_0(%arg0: i32) -> (i32, i32) {
    %c0_i32 = arith.constant 0 : i32
    %c0_i32_0 = arith.constant 0 : i32
    return %arg0, %c0_i32 : i32, i32
  }
  func.func @transform_1(%arg0: i32) -> (i32, i32) {
    %c0_i32 = arith.constant 0 : i32
    %c0_i32_0 = arith.constant 0 : i32
    return %arg0, %c0_i32 : i32, i32
  }
  func.func @transform_2(%arg0: i32) -> (i32, i32) {
    %c0_i32 = arith.constant 0 : i32
    %c0_i32_0 = arith.constant 0 : i32
    %c0_i32_1 = arith.constant 0 : i32
    return %c0_i32, %c0_i32_0 : i32, i32
  }
  func.func @transform_3(%arg0: i32) -> (i32, i32) {
    %c0_i32 = arith.constant 0 : i32
    %c0_i32_0 = arith.constant 0 : i32
    %c0_i32_1 = arith.constant 0 : i32
    return %c0_i32, %c0_i32_0 : i32, i32
  }
  func.func @transform_4(%arg0: i32) -> (i32, i32) {
    %c0_i32 = arith.constant 0 : i32
    %c0_i32_0 = arith.constant 0 : i32
    return %arg0, %c0_i32 : i32, i32
  }
}

module attributes {stable_mosaic.version = 14 : i64} {
  func.func @_head_body(%arg0: memref<1024x128xf32, #tpu.memory_space<vmem>>, %arg1: memref<128x64xf32, #tpu.memory_space<vmem>>, %arg2: memref<1x64xf32, #tpu.memory_space<vmem>>, %arg3: memref<64x1xf32, #tpu.memory_space<vmem>>, %arg4: memref<1x1xf32, #tpu.memory_space<vmem>>, %arg5: memref<1024x1xf32, #tpu.memory_space<vmem>>) attributes {dimension_semantics = [], scalar_prefetch = 0 : i64, scratch_operands = 0 : i64, tpu.core_type = #tpu.core_type<tc>} {
    %get3A = arith.constant 0 : index
    %get3A_0 = arith.constant 0 : index
    %get3A_1 = vector.load %arg0[%get3A, %get3A_0] : memref<1024x128xf32, #tpu.memory_space<vmem>>, vector<1024x128xf32>
    %get3A_2 = arith.constant 0 : index
    %get3A_3 = arith.constant 0 : index
    %get3A_4 = vector.load %arg1[%get3A_2, %get3A_3] : memref<128x64xf32, #tpu.memory_space<vmem>>, vector<128x64xf32>
    %dot_general3A = arith.constant dense<0.000000e+00> : vector<1024x64xf32>
    %dot_general3A_5 = tpu.matmul %get3A_1, %get3A_4, %dot_general3A {dimension_numbers = #tpu.dot_dimension_numbers<[1], [0], [0], [1], [0, 0, 1, 1], [], []>, transpose_lhs_hint = false} : vector<1024x128xf32>, vector<128x64xf32>, vector<1024x64xf32> -> vector<1024x64xf32>
    %get3A_6 = arith.constant 0 : index
    %get3A_7 = arith.constant 0 : index
    %get3A_8 = vector.load %arg2[%get3A_6, %get3A_7] : memref<1x64xf32, #tpu.memory_space<vmem>>, vector<1x64xf32>
    %add3A = vector.broadcast %get3A_8 : vector<1x64xf32> to vector<1024x64xf32>
    %add3A_9 = arith.addf %dot_general3A_5, %add3A : vector<1024x64xf32>
    %max3A = arith.constant 0.000000e+00 : f32
    %max3A_10 = vector.broadcast %max3A : f32 to vector<1024x64xf32>
    %max3A_11 = arith.maximumf %add3A_9, %max3A_10 : vector<1024x64xf32>
    %get3A_12 = arith.constant 0 : index
    %get3A_13 = arith.constant 0 : index
    %get3A_14 = vector.load %arg3[%get3A_12, %get3A_13] : memref<64x1xf32, #tpu.memory_space<vmem>>, vector<64x1xf32>
    %dot_general3A_15 = arith.constant dense<0.000000e+00> : vector<1024x1xf32>
    %dot_general3A_16 = tpu.matmul %max3A_11, %get3A_14, %dot_general3A_15 {dimension_numbers = #tpu.dot_dimension_numbers<[1], [0], [0], [1], [0, 0, 1, 1], [], []>, transpose_lhs_hint = false} : vector<1024x64xf32>, vector<64x1xf32>, vector<1024x1xf32> -> vector<1024x1xf32>
    %get3A_17 = arith.constant 0 : index
    %get3A_18 = arith.constant 0 : index
    %get3A_19 = vector.load %arg4[%get3A_17, %get3A_18] : memref<1x1xf32, #tpu.memory_space<vmem>>, vector<1x1xf32>
    %add3A_20 = vector.broadcast %get3A_19 : vector<1x1xf32> to vector<1024x1xf32>
    %add3A_21 = arith.addf %dot_general3A_16, %add3A_20 : vector<1024x1xf32>
    %swap3A = arith.constant 0 : index
    %swap3A_22 = arith.constant 0 : index
    %swap3A_23 = vector.load %arg5[%swap3A, %swap3A_22] : memref<1024x1xf32, #tpu.memory_space<vmem>>, vector<1024x1xf32>
    tpu.vector_store %arg5[%swap3A, %swap3A_22], %add3A_21 {strides = array<i32>} : memref<1024x1xf32, #tpu.memory_space<vmem>>, vector<1024x1xf32>,
    return
  }
}

</mosaic_0001>

<sc_bundles>
// kernel: kernel.18.cloned.1.call-start
scs
__scs_entry_jumppad:
0x0: {  	(pc) =	sbr.rel $0x88, $3  }
0x1: {  	(tag) =	ssettag $0x0;
	lr =	simm.s32 $0x1  }
0x2: {  	[smem:$0x3F8A] =	sst lr;
	_ =	strace $0xD0000000  }
0x3: {  	_ = 	snop  }
0x4: {  	_ = 	snop  }
0x5: {  	_ = 	snop  }
0x6: {  	_ = 	snop  }
0x7: {  	_ = 	snop  }
__scs_overlays_trampoline_lowered:
0x8: {  	[smem:$0x3F99] =	sst s0  }
0x9: {  	[smem:$0x3F9A] =	sst s1  }
0xa: {  	[smem:$0x3F9B] =	sst s2  }
0xb: {  	[smem:$0x3F9C] =	sst s3  }
0xc: {  	[smem:$0x3F9D] =	sst s4  }
0xd: {  	[smem:$0x3F9E] =	sst s5  }
0xe: {  	[smem:$0x3F9F] =	sst s6  }
0xf: {  	[smem:$0x3FA0] =	sst s7  }
0x10: {  	[smem:$0x3FA1] =	sst s8  }
0x11: {  	[smem:$0x3FA2] =	sst s9;
	s0 =	simm.s32 @!p0 $0x0  }
0x12: {  	s1 =	sld [smem:$0x3F88];
	s0 =	simm.s32 @p0 $0x1  }
0x13: {  	[smem:$0x3FA3] =	sst s0;
	s0 =	simm.s32 @!p1 $0x0  }
0x14: {  	s2 =	sld [smem:$0x3F87];
	s0 =	simm.s32 @p1 $0x1  }
0x15: {  	[smem:$0x3FA4] =	sst s0;
	s0 =	simm.s32 @!p2 $0x0  }
0x16: {  	s3 =	sld [smem:$0x3FDB];
	s0 =	simm.s32 @p2 $0x1  }
0x17: {  	s4 =	simm.s32 $0x1BF5;
	[smem:$0x3FA6] =	sst s0  }
0x18: {  	s0 =	sld [smem:$0x3F89];
	_ =	swait.ge [sflag:s4], $0x0  }
0x19: {  	s7 =	sld [smem:$0x3F8A]  }
0x1a: {  	s8 =	sadd.s32 $0xFFFFE003, lr  }
0x1b: {  	s9 =	sadd.s32 $0xFFFFFEF7, lr;
	s5 =	simm.s32 $0xFFFFFFFF;
	p2 =	slt.u32 s8, $0xFFFFF086  }
0x1c: {  	p1 =	slt.u32 s9, $0xF7A;
	s5 =	simm.s32 @!p2 $0x0  }
0x1d: {  	s5 =	simm.s32 @p1 $0x1;
	p0 =	seq.s32 s7, s2  }
0x1e: {  	s7 =	smul.u32 @!p0 $0xF7A, s2;
	p2 =	seq.s32 @!p0 s5, $0x0  }
0x1f: {  	s9 =	smul.u32 $0xF7A, s1;
	s8 =	simm.s32 @!p0 $0x1BF5;
	p2 =	por !p2, p0  }
0x20: {  	[sflag:s8] =	ssyncset.s32 @!p0 $0xFFFFF086;
	s6 =	sadd.s32 @!p0 s3, s7;
	s7 =	simm.s32 @!p0 $0x108  }
0x21: {  	s3 =	sadd.s32 s3, s9;
	s6 =	sadd.s32 @!p0 $0x88, s6;
	s7 =	simm.s32 @p2 $0x1082  }
0x22: {  	[simem:s7], [sflag:s8] =	dma.local @!p0 [hbm:s6], $0xF7A  }
0x23: {  	s9 =	sor.u32 $0xD0000000, s2;
	s6 =	simm.s32 $0x108;
	_ =	swait.ge @!p0 [sflag:s8], $0x0  }
0x24: {  	s3 =	sadd.s32 $0x88, s3;
	s6 =	simm.s32 @!p1 $0x1082;
	[sflag:s4] =	ssyncset.s32 $0xFFFFF086  }
0x25: {  	[simem:s6], [sflag:s4] =	dma.local [hbm:s3], $0xF7A  }
0x26: {  	[smem:$0x3F8A] =	sst s1;
	(tag) =	ssettag s2;
	_ =	strace s9  }
0x27: {  	s1 =	sld [smem:$0x3F9A]  }
0x28: {  	s2 =	sld [smem:$0x3F9B]  }
0x29: {  	s4 =	sld [smem:$0x3F9D]  }
0x2a: {  	p0 =	seq.s32 s5, $0x0;
	s5 =	sld [smem:$0x3F9E]  }
0x2b: {  	s6 =	sld [smem:$0x3F9F]  }
0x2c: {  	s7 =	sld [smem:$0x3FA0]  }
0x2d: {  	s3 =	simm.s32 $0x108;
	s8 =	sld [smem:$0x3FA1]  }
0x2e: {  	s3 =	simm.s32 @!p0 $0x1082;
	s9 =	sld [smem:$0x3FA2]  }
0x2f: {  	lr =	sadd.s32 s0, s3;
	s0 =	sld [smem:$0x3F99]  }
0x30: {  	s3 =	sld [smem:$0x3F9C]  }
0x31: {  	[smem:$0x3FA5] =	sst s10  }
0x32: {  	s10 =	sld [smem:$0x3FA3];
	_ =	sdelay $0x3  }
0x33: {  	p0 =	seq.s32 s10, $0x1;
	s10 =	sld [smem:$0x3FA5];
	_ =	sdelay $0x3  }
0x34: {  	[smem:$0x3FA5] =	sst s10  }
0x35: {  	s10 =	sld [smem:$0x3FA4];
	_ =	sdelay $0x3  }
0x36: {  	p1 =	seq.s32 s10, $0x1;
	s10 =	sld [smem:$0x3FA5];
	_ =	sdelay $0x3  }
0x37: {  	[smem:$0x3FA5] =	sst s10  }
0x38: {  	s10 =	sld [smem:$0x3FA6]  }
0x39: {  	_ = 	snop;
	(pc) =	sbr.ind lr, $3  }
0x3a: {  	_ = 	snop  }
0x3b: {  	_ = 	snop  }
0x3c: {  	p2 =	seq.s32 s10, $0x1;
	s10 =	sld [smem:$0x3FA5]  }
0x3d: {  	_ =	shalt  }
0x3e: {  	_ =	shalt  }
0x3f: {  	_ =	shalt  }
0x40: {  	_ =	shalt  }
0x41: {  	_ =	shalt  }
0x42: {  	_ =	shalt  }
0x43: {  	_ =	shalt  }
0x44: {  	_ =	shalt  }
0x45: {  	_ =	shalt  }
0x46: {  	_ =	shalt  }
0x47: {  	_ =	shalt  }
0x48: {  	_ =	shalt  }
0x49: {  	_ =	shalt  }
0x4a: {  	_ =	shalt  }
0x4b: {  	_ =	shalt  }
0x4c: {  	_ =	shalt  }
0x4d: {  	_ =	shalt  }
0x4e: {  	_ =	shalt  }
0x4f: {  	_ =	shalt  }
0x50: {  	_ =	shalt  }
0x51: {  	_ =	shalt  }
0x52: {  	_ =	shalt  }
0x53: {  	_ =	shalt  }
0x54: {  	_ =	shalt  }
0x55: {  	_ =	shalt  }
0x56: {  	_ =	shalt  }
0x57: {  	_ =	shalt  }
0x58: {  	_ =	shalt  }
0x59: {  	_ =	shalt  }
0x5a: {  	_ =	shalt  }
0x5b: {  	_ =	shalt  }
0x5c: {  	_ =	shalt  }
0x5d: {  	_ =	shalt  }
0x5e: {  	_ =	shalt  }
0x5f: {  	_ =	shalt  }
0x60: {  	_ =	shalt  }
0x61: {  	_ =	shalt  }
0x62: {  	_ =	shalt  }
0x63: {  	_ =	shalt  }
0x64: {  	_ =	shalt  }
0x65: {  	_ =	shalt  }
0x66: {  	_ =	shalt  }
0x67: {  	_ =	shalt  }
0x68: {  	_ =	shalt  }
0x69: {  	_ =	shalt  }
0x6a: {  	_ =	shalt  }
0x6b: {  	_ =	shalt  }
0x6c: {  	_ =	shalt  }
0x6d: {  	_ =	shalt  }
0x6e: {  	_ =	shalt  }
0x6f: {  	_ =	shalt  }
0x70: {  	_ =	shalt  }
0x71: {  	_ =	shalt  }
0x72: {  	_ =	shalt  }
0x73: {  	_ =	shalt  }
0x74: {  	_ =	shalt  }
0x75: {  	_ =	shalt  }
0x76: {  	_ =	shalt  }
0x77: {  	_ =	shalt  }
0x78: {  	_ =	shalt  }
0x79: {  	_ =	shalt  }
0x7a: {  	_ =	shalt  }
0x7b: {  	_ =	shalt  }
0x7c: {  	_ =	shalt  }
0x7d: {  	_ =	shalt  }
0x7e: {  	_ =	shalt  }
0x7f: {  	_ =	shalt  }
0x80: {  	_ =	shalt  }
0x81: {  	_ =	shalt  }
0x82: {  	_ =	shalt  }
0x83: {  	_ =	shalt  }
0x84: {  	_ =	shalt  }
0x85: {  	_ =	shalt  }
0x86: {  	_ =	shalt  }
0x87: {  	_ =	shalt  }
.Lfunc_end0:
.L_simem_size_0:
called_computation_lowered:
.L_overlay_start_0:
0x88: {  	s2 =	sld [smem:$0x3FD9]  }
0x89: {  	s3 =	sld [smem:$0x3FFE];
	_ =	sdelay $0x1  }
0x8a: {  	s1 =	srdreg.scid  }
0x8b: {  	s0 =	sand.u32 $0x1, s1  }
0x8c: {  	s17 =	sshll.u32 s0, $0xA;
	s2 =	sadd.s32 s3, s2  }
0x8d: {  	s2 =	sadd.s32 s2, s17  }
0x8e: {  	[smem:$0x3FB1] =	sst s2  }
0x8f: {  	_ = 	snop  }
0x90: {  	s2 =	sld [smem:$0x3FC6];
	(tm) =	ssettm $0x1  }
0x91: {  	s18 =	sld [smem:$0x3FFB];
	_ =	sdelay $0x3  }
0x92: {  	_ =	strace s18  }
0x93: {  	s3 =	sld [smem:$0x3FFC];
	_ =	sdelay $0x3  }
0x94: {  	_ =	strace s3  }
0x95: {  	s3 =	sld [smem:$0x3FFD];
	_ =	sdelay $0x3  }
0x96: {  	_ =	strace s3  }
0x97: {  	_ =	strace $0x8FFFFFFF  }
0x98: {  	s19 =	sld [smem:$0x3FDB];
	_ =	sdelay $0x1  }
0x99: {  	s4 =	simm.s32 $_scs_section_size  }
0x9a: {  	s5 =	simm.s32 $_size__tile_overlayer_lowered;
	s6 =	simm.s32 $_tile_overlayer_lowered  }
0x9b: {  	s22 =	simm.s32 $0x1BFF;
	s21 =	sshll.u32 s6, $0x1;
	s3 =	sadd.s32 s4, s19  }
0x9c: {  	s7 =	simm.s32 $0x0;
	s20 =	sshll.u32 s5, $0x1;
	s5 =	sadd.s32 s21, s3  }
0x9d: {  	[timem:s7], [sflag:s22] =	dma.local [hbm:s5], s20  }
0x9e: {  	_ =	swait.ge [sflag:s22], s20  }
0x9f: {  	s4 =	ssub.s32 $0x0, s20;
	[sflag:s22] =	ssyncset.done $0x0  }
0xa0: {  	[sflag:s22] =	ssyncadd.s32 s4;
	_ =	sdelay $0x1  }
0xa1: {  	s23 =	simm.s32 $0x1B8B  }
0xa2: {  	_ =	swait.ge [sflag:s23], $0x1  }
0xa3: {  	[sflag:s23] =	ssyncset.done $0x0  }
0xa4: {  	s25 =	simm.s32 $0x1B8E;
	s24 =	sld [smem:$0x3FFE];
	[sflag:s23] =	ssyncadd.s32 $0xFFFFFFFF  }
0xa5: {  	s26 =	simm.s32 $execute0_lowered;
	[smem:$0x3FD2] =	sst s25  }
0xa6: {  	s5 =	sshll.u32 s26, $0x1;
	_ =	strace $0x80000046;
	[dreg:$0x1] =	wrdreg $0xFFFFFFFF  }
0xa7: {  	s28 =	simm.s32 $_size_execute0_lowered;
	s3 =	sadd.s32 s3, s5;
	[dreg:$0x0] =	wrdreg $0x0  }
0xa8: {  	s5 =	sshll.u32 s28, $0x1;
	[dreg:$0x2] =	wrdreg s3  }
0xa9: {  	[dreg:$0x3] =	wrdreg s5  }
0xaa: {  	[dreg:$0x4] =	wrdreg $0xC0  }
0xab: {  	_ =	task [dreg:s7], $0x5FFFF  }
0xac: {  	[dreg:$0x1] =	wrdreg $0xFFFFFFFF  }
0xad: {  	[dreg:$0x0] =	wrdreg $0x60  }
0xae: {  	[dreg:$0x2] =	wrdreg s2  }
0xaf: {  	[dreg:$0x3] =	wrdreg s24  }
0xb0: {  	[dreg:$0x4] =	wrdreg $0x9  }
0xb1: {  	_ =	task.clear_ibuf [dreg:s7], $0x5FFFF;
	_ =	strace $0x90000046  }
0xb2: {  	s29 =	simm.s32 $0x9;
	_ =	strace $0x80000048  }
0xb3: {  	_ =	swait.ge [sflag:s29], $0x1  }
0xb4: {  	[sflag:s29] =	ssyncadd.s32 $0xFFFFFFFF  }
0xb5: {  	_ =	strace $0x90000048  }
0xb6: {  	_ =	sfence  }
0xb7: {  	s30 =	sld [smem:$0x0];
	_ =	sdelay $0x2  }
0xb8: {  	s31 =	sshll.u32 s1, $0xD;
	s1 =	sshrl.u32 s1, $0x2  }
0xb9: {  	s3 =	sand.u32 $0x4000, s31;
	s1 =	sadd.s32 s1, s30  }
0xba: {  	s0 =	sor.u32 s3, s0;
	s1 =	sshll.u32 s1, $0x11  }
0xbb: {  	s0 =	sor.u32 s1, s0  }
0xbc: {  	s0 =	sadd.s32 $0x8F2B, s0  }
0xbd: {  	[sflag:s0] =	ssyncadd.remote.s32 $0x1  }
0xbe: {  	_ =	sfence.sel $0xFFFF  }
0xbf: {  	[dreg:$0x0] =	wrdreg $0xFFFFFFFF;
	(pc) =	sbr.abs _section_cstart, $3  }
0xc0: {  	[dreg:$0x1] =	wrdreg $0xFFFFFFFF  }
0xc1: {  	_ =	task.clear_ibuf [dreg:s7], $0x2FFFF;
	_ =	strace $0x9FFFFFFF  }
0xc2: {  	(tm) =	ssettm $0x7FFFFFFF  }
0xc3: {  	_ =	shalt  }
tec
execute0_lowered:
.L_overlay_start_1:
0x0: {  	(tag) =	ssettag $0x1  }
0x1: {  	s1 =	srdreg.scid;
	s0 =	stileid.u32  }
0x2: {  	s2 =	rddreg [dreg:$0x0];
	s4 =	sand.u32 $0x1, s1;
	s5 =	smul.u32 $0x9C40, s0  }
0x3: {  	s6 =	rddreg [dreg:$0x1];
	s3 =	simm.s32 $0x0;
	s7 =	smul.u32 $0x4E20, s4  }
0x4: {  	s9 =	simm.s32 $0x2;
	s10 =	simm.s32 $0x7D0;
	s11 =	simm.s32 $0x1  }
0x5: {  	s12 =	simm.s32 $0x0;
	s4 =	ssub.s32 $0x2, s4;
	s5 =	sadd.s32 s7, s5  }
0x6: {  	s1 =	rddreg [dreg:$0x2];
	s31 =	sshrl.u32 s4, $0x1;
	s5 =	sshrl.u32 s5, $0x3  }
0x7: {  	[smem:$0x7FF] =	sst s3;
	s4 =	ssub.s32 s4, s31;
	s8 =	sadd.s32 s5, s6  }
0x8: {  	_ =	strace $0x80000047;
	s4 =	smax.u32 s4, $0x1;
	s5 =	sadd.s32 $0x6BE00, s8  }
0x9: {  	s6 =	sadd.s32 $0x31000, s8;
	s7 =	sadd.s32 $0x58400, s8;
	s8 =	sadd.s32 $0x44A00, s8  }
.LBB2_1:
0xa: {  	s13 =	sadd.s32 $0x0, s8  }
0xb: {  	[tilespmem:s3], [sflag:$0x2] =	stream.linear.gather [hbm4b:s13+s3], $0x7D0, $0x38;
	[tilespmem:$0xFA0] =	vst v63  }
0xc: {  	_ =	swait.ge [sflag:s9], $0x7D0  }
0xd: {  	[sflag:s9] =	ssyncset.done $0x0  }
0xe: {  	[sflag:s9] =	ssyncadd.s32 $0xFFFFF830  }
0xf: {  	[tilespmem:s10], [sflag:$0x1] =	stream.indirect.gather [hbm4b:s2+s10], $0x1, s3, s10, $0xb8;
	[tilespmem:$0xFA0] =	vst v63  }
0x10: {  	_ =	swait.ge [sflag:s11], $0x7D0  }
0x11: {  	[sflag:s11] =	ssyncset.done $0x0  }
0x12: {  	s29 =	sadd.s32 $0x0, s7;
	[sflag:s11] =	ssyncadd.s32 $0xFFFFF830  }
0x13: {  	[hbm4b:s29+s3] =	stream.linear.scatter [tilespmem:s10], [sflag:$0x2], $0x7D0, $0x38;
	[tilespmem:$0xFA0] =	vst v63  }
0x14: {  	_ =	swait.ge [sflag:s9], $0x7D0  }
0x15: {  	[sflag:s9] =	ssyncset.done $0x0  }
0x16: {  	s30 =	sadd.s32 $0x0, s6;
	[sflag:s9] =	ssyncadd.s32 $0xFFFFF830  }
0x17: {  	[tilespmem:s3], [sflag:$0x2] =	stream.linear.gather [hbm4b:s30+s3], $0x7D0, $0x38;
	[tilespmem:$0xFA0] =	vst v63  }
0x18: {  	_ =	swait.ge [sflag:s9], $0x7D0  }
0x19: {  	[sflag:s9] =	ssyncset.done $0x0  }
0x1a: {  	[sflag:s9] =	ssyncadd.s32 $0xFFFFF830  }
0x1b: {  	[tilespmem:s10], [sflag:$0x1] =	stream.indirect.gather [hbm4b:s2+s10], $0x1, s3, s10, $0xb8;
	[tilespmem:$0xFA0] =	vst v63  }
0x1c: {  	_ =	swait.ge [sflag:s11], $0x7D0  }
0x1d: {  	[sflag:s11] =	ssyncset.done $0x0  }
0x1e: {  	s31 =	sadd.s32 $0x0, s5;
	[sflag:s11] =	ssyncadd.s32 $0xFFFFF830  }
0x1f: {  	[hbm4b:s31+s3] =	stream.linear.scatter [tilespmem:s10], [sflag:$0x2], $0x7D0, $0x38;
	[tilespmem:$0xFA0] =	vst v63  }
0x20: {  	_ =	swait.ge [sflag:s9], $0x7D0  }
0x21: {  	s14 =	simm.s32 $0x1F4;
	s13 =	simm.s32 $0xFA;
	[sflag:s9] =	ssyncset.done $0x0  }
.LBB2_2:
0x22: {  	s15 =	sadd.s32 s13, s8  }
0x23: {  	[sflag:s9] =	ssyncadd.s32 $0xFFFFF830;
	s16 =	smov.u32 s14;
	s17 =	sadd.s32 $0xFA, s14  }
0x24: {  	[tilespmem:s3], [sflag:$0x2] =	stream.linear.gather [hbm4b:s15+s3], $0x7D0, $0x38;
	[tilespmem:$0xFA0] =	vst v63  }
0x25: {  	p0 =	sne.s32 s14, $0x8CA;
	_ =	swait.ge [sflag:s9], $0x7D0  }
0x26: {  	[sflag:s9] =	ssyncset.done $0x0  }
0x27: {  	[sflag:s9] =	ssyncadd.s32 $0xFFFFF830  }
0x28: {  	[tilespmem:s10], [sflag:$0x1] =	stream.indirect.gather [hbm4b:s2+s10], $0x1, s3, s10, $0xb8;
	[tilespmem:$0xFA0] =	vst v63  }
0x29: {  	_ =	swait.ge [sflag:s11], $0x7D0  }
0x2a: {  	[sflag:s11] =	ssyncset.done $0x0  }
0x2b: {  	s14 =	sadd.s32 s13, s7;
	[sflag:s11] =	ssyncadd.s32 $0xFFFFF830  }
0x2c: {  	[hbm4b:s14+s3] =	stream.linear.scatter [tilespmem:s10], [sflag:$0x2], $0x7D0, $0x38;
	[tilespmem:$0xFA0] =	vst v63  }
0x2d: {  	_ =	swait.ge [sflag:s9], $0x7D0  }
0x2e: {  	[sflag:s9] =	ssyncset.done $0x0  }
0x2f: {  	s14 =	sadd.s32 s13, s6;
	[sflag:s9] =	ssyncadd.s32 $0xFFFFF830  }
0x30: {  	[tilespmem:s3], [sflag:$0x2] =	stream.linear.gather [hbm4b:s14+s3], $0x7D0, $0x38;
	[tilespmem:$0xFA0] =	vst v63  }
0x31: {  	_ =	swait.ge [sflag:s9], $0x7D0  }
0x32: {  	[sflag:s9] =	ssyncset.done $0x0  }
0x33: {  	[sflag:s9] =	ssyncadd.s32 $0xFFFFF830  }
0x34: {  	[tilespmem:s10], [sflag:$0x1] =	stream.indirect.gather [hbm4b:s2+s10], $0x1, s3, s10, $0xb8;
	[tilespmem:$0xFA0] =	vst v63  }
0x35: {  	_ =	swait.ge [sflag:s11], $0x7D0  }
.Ltmp0:
0x36: {  	[sflag:s11] =	ssyncset.done $0x0;
	(pc) =	sbr.rel @p0 .LBB2_2-.Ltmp0, $4  }
0x37: {  	s14 =	sadd.s32 s13, s5;
	s13 =	smov.u32 s16;
	[sflag:s11] =	ssyncadd.s32 $0xFFFFF830  }
0x38: {  	[hbm4b:s14+s3] =	stream.linear.scatter [tilespmem:s10], [sflag:$0x2], $0x7D0, $0x38;
	[tilespmem:$0xFA0] =	vst v63  }
0x39: {  	_ =	swait.ge [sflag:s9], $0x7D0  }
0x3a: {  	s14 =	smov.u32 s17;
	[sflag:s9] =	ssyncset.done $0x0  }
0x3b: {  	s14 =	sadd.s32 s13, s8;
	[sflag:s9] =	ssyncadd.s32 $0xFFFFF830  }
0x3c: {  	[tilespmem:s3], [sflag:$0x2] =	stream.linear.gather [hbm4b:s14+s3], $0x7D0, $0x38;
	[tilespmem:$0xFA0] =	vst v63  }
0x3d: {  	_ =	swait.ge [sflag:s9], $0x7D0  }
0x3e: {  	[sflag:s9] =	ssyncset.done $0x0  }
0x3f: {  	[sflag:s9] =	ssyncadd.s32 $0xFFFFF830  }
0x40: {  	[tilespmem:s10], [sflag:$0x1] =	stream.indirect.gather [hbm4b:s2+s10], $0x1, s3, s10, $0xb8;
	[tilespmem:$0xFA0] =	vst v63  }
0x41: {  	_ =	swait.ge [sflag:s11], $0x7D0  }
0x42: {  	[sflag:s11] =	ssyncset.done $0x0  }
0x43: {  	s29 =	sadd.s32 s13, s7;
	[sflag:s11] =	ssyncadd.s32 $0xFFFFF830  }
0x44: {  	[hbm4b:s29+s3] =	stream.linear.scatter [tilespmem:s10], [sflag:$0x2], $0x7D0, $0x38;
	[tilespmem:$0xFA0] =	vst v63  }
0x45: {  	_ =	swait.ge [sflag:s9], $0x7D0  }
0x46: {  	[sflag:s9] =	ssyncset.done $0x0  }
0x47: {  	s30 =	sadd.s32 s13, s6;
	[sflag:s9] =	ssyncadd.s32 $0xFFFFF830  }
0x48: {  	[tilespmem:s3], [sflag:$0x2] =	stream.linear.gather [hbm4b:s30+s3], $0x7D0, $0x38;
	[tilespmem:$0xFA0] =	vst v63  }
0x49: {  	_ =	swait.ge [sflag:s9], $0x7D0  }
0x4a: {  	[sflag:s9] =	ssyncset.done $0x0  }
0x4b: {  	[sflag:s9] =	ssyncadd.s32 $0xFFFFF830  }
0x4c: {  	[tilespmem:s10], [sflag:$0x1] =	stream.indirect.gather [hbm4b:s2+s10], $0x1, s3, s10, $0xb8;
	[tilespmem:$0xFA0] =	vst v63  }
0x4d: {  	s12 =	sadd.s32 $0x1, s12;
	_ =	swait.ge [sflag:s11], $0x7D0  }
0x4e: {  	p0 =	sne.s32 s12, s4;
	[sflag:s11] =	ssyncset.done $0x0  }
.Ltmp1:
0x4f: {  	s31 =	sadd.s32 s13, s5;
	[sflag:s11] =	ssyncadd.s32 $0xFFFFF830;
	(pc) =	sbr.rel @p0 .LBB2_1-.Ltmp1, $4  }
0x50: {  	[hbm4b:s31+s3] =	stream.linear.scatter [tilespmem:s10], [sflag:$0x2], $0x7D0, $0x38;
	[tilespmem:$0xFA0] =	vst v63  }
0x51: {  	_ =	swait.ge [sflag:s9], $0x7D0  }
0x52: {  	[sflag:s9] =	ssyncset.done $0x0  }
0x53: {  	[sflag:s9] =	ssyncadd.s32 $0xFFFFF830  }
0x54: {  	_ =	sfence.sel $0x180000  }
0x55: {  	[bflag:$0x0] =	sbarrier.arrive $0xFFFF  }
0x56: {  	p0 =	sne.s32 s0, $0x0;
	_ =	strace $0x90000047  }
0x57: {  	s0 =	sadd.s32 @!p0 $0x100000, s1;
	[bflag:$0x2] =	sbarrier.arrive $0xFFFF  }
0x58: {  	[sflag:s0] =	ssyncadd.tile.s32 @!p0 $0x1;
	_ =	shalt  }
.Lfunc_end2:
_tile_overlayer_lowered:
.L_overlay_start_2:
0x59: {  	(tag) =	ssettag $0x2  }
0x5a: {  	s0 =	rddreg [dreg:$0x0];
	s2 =	stileid.u32  }
0x5b: {  	s1 =	rddreg [dreg:$0x1];
	p0 =	sne.s32 s2, $0x0  }
0x5c: {  	s3 =	rddreg [dreg:$0x2];
	[bflag:$0x3] =	sbarrier.arrive $0xFFFF;
	s2 =	simm.s32 @!p0 $0x1C02  }
0x5d: {  	[timem:s3], [sflag:s2] =	dma.local @!p0 [hbm:s0], s1  }
0x5e: {  	s0 =	simm.s32 @!p0 $0x2  }
0x5f: {  	_ =	swait.ge @!p0 [sflag:s0], s1  }
0x60: {  	s1 =	ssub.s32 @!p0 $0x0, s1;
	[sflag:s0] =	ssyncset.done @!p0 $0x0  }
0x61: {  	[sflag:s0] =	ssyncadd.s32 @!p0 s1  }
0x62: {  	[bflag:$0x3] =	sbarrier.arrive $0xFFFF  }
0x63: {  	_ =	shalt  }

// kernel: kernel.21.cloned.1.call-start
scs
__scs_entry_jumppad:
0x0: {  	(pc) =	sbr.rel $0x88, $3  }
0x1: {  	(tag) =	ssettag $0x0;
	lr =	simm.s32 $0x1  }
0x2: {  	[smem:$0x3F8A] =	sst lr;
	_ =	strace $0xD0000000  }
0x3: {  	_ = 	snop  }
0x4: {  	_ = 	snop  }
0x5: {  	_ = 	snop  }
0x6: {  	_ = 	snop  }
0x7: {  	_ = 	snop  }
__scs_overlays_trampoline_lowered:
0x8: {  	[smem:$0x3F99] =	sst s0  }
0x9: {  	[smem:$0x3F9A] =	sst s1  }
0xa: {  	[smem:$0x3F9B] =	sst s2  }
0xb: {  	[smem:$0x3F9C] =	sst s3  }
0xc: {  	[smem:$0x3F9D] =	sst s4  }
0xd: {  	[smem:$0x3F9E] =	sst s5  }
0xe: {  	[smem:$0x3F9F] =	sst s6  }
0xf: {  	[smem:$0x3FA0] =	sst s7  }
0x10: {  	[smem:$0x3FA1] =	sst s8  }
0x11: {  	[smem:$0x3FA2] =	sst s9;
	s0 =	simm.s32 @!p0 $0x0  }
0x12: {  	s1 =	sld [smem:$0x3F88];
	s0 =	simm.s32 @p0 $0x1  }
0x13: {  	[smem:$0x3FA3] =	sst s0;
	s0 =	simm.s32 @!p1 $0x0  }
0x14: {  	s2 =	sld [smem:$0x3F87];
	s0 =	simm.s32 @p1 $0x1  }
0x15: {  	[smem:$0x3FA4] =	sst s0;
	s0 =	simm.s32 @!p2 $0x0  }
0x16: {  	s3 =	sld [smem:$0x3FDB];
	s0 =	simm.s32 @p2 $0x1  }
0x17: {  	s4 =	simm.s32 $0x1BF5;
	[smem:$0x3FA6] =	sst s0  }
0x18: {  	s0 =	sld [smem:$0x3F89];
	_ =	swait.ge [sflag:s4], $0x0  }
0x19: {  	s7 =	sld [smem:$0x3F8A]  }
0x1a: {  	s8 =	sadd.s32 $0xFFFFE003, lr  }
0x1b: {  	s9 =	sadd.s32 $0xFFFFFEF7, lr;
	s5 =	simm.s32 $0xFFFFFFFF;
	p2 =	slt.u32 s8, $0xFFFFF086  }
0x1c: {  	p1 =	slt.u32 s9, $0xF7A;
	s5 =	simm.s32 @!p2 $0x0  }
0x1d: {  	s5 =	simm.s32 @p1 $0x1;
	p0 =	seq.s32 s7, s2  }
0x1e: {  	s7 =	smul.u32 @!p0 $0xF7A, s2;
	p2 =	seq.s32 @!p0 s5, $0x0  }
0x1f: {  	s9 =	smul.u32 $0xF7A, s1;
	s8 =	simm.s32 @!p0 $0x1BF5;
	p2 =	por !p2, p0  }
0x20: {  	[sflag:s8] =	ssyncset.s32 @!p0 $0xFFFFF086;
	s6 =	sadd.s32 @!p0 s3, s7;
	s7 =	simm.s32 @!p0 $0x108  }
0x21: {  	s3 =	sadd.s32 s3, s9;
	s6 =	sadd.s32 @!p0 $0x88, s6;
	s7 =	simm.s32 @p2 $0x1082  }
0x22: {  	[simem:s7], [sflag:s8] =	dma.local @!p0 [hbm:s6], $0xF7A  }
0x23: {  	s9 =	sor.u32 $0xD0000000, s2;
	s6 =	simm.s32 $0x108;
	_ =	swait.ge @!p0 [sflag:s8], $0x0  }
0x24: {  	s3 =	sadd.s32 $0x88, s3;
	s6 =	simm.s32 @!p1 $0x1082;
	[sflag:s4] =	ssyncset.s32 $0xFFFFF086  }
0x25: {  	[simem:s6], [sflag:s4] =	dma.local [hbm:s3], $0xF7A  }
0x26: {  	[smem:$0x3F8A] =	sst s1;
	(tag) =	ssettag s2;
	_ =	strace s9  }
0x27: {  	s1 =	sld [smem:$0x3F9A]  }
0x28: {  	s2 =	sld [smem:$0x3F9B]  }
0x29: {  	s4 =	sld [smem:$0x3F9D]  }
0x2a: {  	p0 =	seq.s32 s5, $0x0;
	s5 =	sld [smem:$0x3F9E]  }
0x2b: {  	s6 =	sld [smem:$0x3F9F]  }
0x2c: {  	s7 =	sld [smem:$0x3FA0]  }
0x2d: {  	s3 =	simm.s32 $0x108;
	s8 =	sld [smem:$0x3FA1]  }
0x2e: {  	s3 =	simm.s32 @!p0 $0x1082;
	s9 =	sld [smem:$0x3FA2]  }
0x2f: {  	lr =	sadd.s32 s0, s3;
	s0 =	sld [smem:$0x3F99]  }
0x30: {  	s3 =	sld [smem:$0x3F9C]  }
0x31: {  	[smem:$0x3FA5] =	sst s10  }
0x32: {  	s10 =	sld [smem:$0x3FA3];
	_ =	sdelay $0x3  }
0x33: {  	p0 =	seq.s32 s10, $0x1;
	s10 =	sld [smem:$0x3FA5];
	_ =	sdelay $0x3  }
0x34: {  	[smem:$0x3FA5] =	sst s10  }
0x35: {  	s10 =	sld [smem:$0x3FA4];
	_ =	sdelay $0x3  }
0x36: {  	p1 =	seq.s32 s10, $0x1;
	s10 =	sld [smem:$0x3FA5];
	_ =	sdelay $0x3  }
0x37: {  	[smem:$0x3FA5] =	sst s10  }
0x38: {  	s10 =	sld [smem:$0x3FA6]  }
0x39: {  	_ = 	snop;
	(pc) =	sbr.ind lr, $3  }
0x3a: {  	_ = 	snop  }
0x3b: {  	_ = 	snop  }
0x3c: {  	p2 =	seq.s32 s10, $0x1;
	s10 =	sld [smem:$0x3FA5]  }
0x3d: {  	_ =	shalt  }
0x3e: {  	_ =	shalt  }
0x3f: {  	_ =	shalt  }
0x40: {  	_ =	shalt  }
0x41: {  	_ =	shalt  }
0x42: {  	_ =	shalt  }
0x43: {  	_ =	shalt  }
0x44: {  	_ =	shalt  }
0x45: {  	_ =	shalt  }
0x46: {  	_ =	shalt  }
0x47: {  	_ =	shalt  }
0x48: {  	_ =	shalt  }
0x49: {  	_ =	shalt  }
0x4a: {  	_ =	shalt  }
0x4b: {  	_ =	shalt  }
0x4c: {  	_ =	shalt  }
0x4d: {  	_ =	shalt  }
0x4e: {  	_ =	shalt  }
0x4f: {  	_ =	shalt  }
0x50: {  	_ =	shalt  }
0x51: {  	_ =	shalt  }
0x52: {  	_ =	shalt  }
0x53: {  	_ =	shalt  }
0x54: {  	_ =	shalt  }
0x55: {  	_ =	shalt  }
0x56: {  	_ =	shalt  }
0x57: {  	_ =	shalt  }
0x58: {  	_ =	shalt  }
0x59: {  	_ =	shalt  }
0x5a: {  	_ =	shalt  }
0x5b: {  	_ =	shalt  }
0x5c: {  	_ =	shalt  }
0x5d: {  	_ =	shalt  }
0x5e: {  	_ =	shalt  }
0x5f: {  	_ =	shalt  }
0x60: {  	_ =	shalt  }
0x61: {  	_ =	shalt  }
0x62: {  	_ =	shalt  }
0x63: {  	_ =	shalt  }
0x64: {  	_ =	shalt  }
0x65: {  	_ =	shalt  }
0x66: {  	_ =	shalt  }
0x67: {  	_ =	shalt  }
0x68: {  	_ =	shalt  }
0x69: {  	_ =	shalt  }
0x6a: {  	_ =	shalt  }
0x6b: {  	_ =	shalt  }
0x6c: {  	_ =	shalt  }
0x6d: {  	_ =	shalt  }
0x6e: {  	_ =	shalt  }
0x6f: {  	_ =	shalt  }
0x70: {  	_ =	shalt  }
0x71: {  	_ =	shalt  }
0x72: {  	_ =	shalt  }
0x73: {  	_ =	shalt  }
0x74: {  	_ =	shalt  }
0x75: {  	_ =	shalt  }
0x76: {  	_ =	shalt  }
0x77: {  	_ =	shalt  }
0x78: {  	_ =	shalt  }
0x79: {  	_ =	shalt  }
0x7a: {  	_ =	shalt  }
0x7b: {  	_ =	shalt  }
0x7c: {  	_ =	shalt  }
0x7d: {  	_ =	shalt  }
0x7e: {  	_ =	shalt  }
0x7f: {  	_ =	shalt  }
0x80: {  	_ =	shalt  }
0x81: {  	_ =	shalt  }
0x82: {  	_ =	shalt  }
0x83: {  	_ =	shalt  }
0x84: {  	_ =	shalt  }
0x85: {  	_ =	shalt  }
0x86: {  	_ =	shalt  }
0x87: {  	_ =	shalt  }
.Lfunc_end0:
.L_simem_size_0:
called_computation.1_lowered:
.L_overlay_start_0:
0x88: {  	s2 =	sld [smem:$0x3FD9]  }
0x89: {  	s3 =	sld [smem:$0x3FFE];
	_ =	sdelay $0x1  }
0x8a: {  	s1 =	srdreg.scid  }
0x8b: {  	s0 =	sand.u32 $0x1, s1  }
0x8c: {  	s17 =	sshll.u32 s0, $0xA;
	s2 =	sadd.s32 s3, s2  }
0x8d: {  	s2 =	sadd.s32 s2, s17  }
0x8e: {  	[smem:$0x3FB1] =	sst s2  }
0x8f: {  	_ = 	snop  }
0x90: {  	(tm) =	ssettm $0x1  }
0x91: {  	s18 =	sld [smem:$0x3FFB];
	_ =	sdelay $0x3  }
0x92: {  	_ =	strace s18  }
0x93: {  	s2 =	sld [smem:$0x3FFC];
	_ =	sdelay $0x3  }
0x94: {  	_ =	strace s2  }
0x95: {  	s2 =	sld [smem:$0x3FFD];
	_ =	sdelay $0x3  }
0x96: {  	_ =	strace s2  }
0x97: {  	_ =	strace $0x8FFFFFFF  }
0x98: {  	s19 =	sld [smem:$0x3FDB];
	_ =	sdelay $0x1  }
0x99: {  	s20 =	simm.s32 $_scs_section_size  }
0x9a: {  	s4 =	simm.s32 $_size__tile_overlayer_lowered;
	s5 =	simm.s32 $_tile_overlayer_lowered  }
0x9b: {  	s6 =	simm.s32 $0x1BFF;
	s21 =	sshll.u32 s5, $0x1;
	s3 =	sadd.s32 s20, s19  }
0x9c: {  	s22 =	simm.s32 $0x0;
	s4 =	sshll.u32 s4, $0x1;
	s5 =	sadd.s32 s21, s3  }
0x9d: {  	[timem:s22], [sflag:s6] =	dma.local [hbm:s5], s4  }
0x9e: {  	_ =	swait.ge [sflag:s6], s4  }
0x9f: {  	s4 =	ssub.s32 $0x0, s4;
	[sflag:s6] =	ssyncset.done $0x0  }
0xa0: {  	[sflag:s6] =	ssyncadd.s32 s4;
	_ =	sdelay $0x1  }
0xa1: {  	s23 =	simm.s32 $0x1B8B  }
0xa2: {  	_ =	swait.ge [sflag:s23], $0x1  }
0xa3: {  	[sflag:s23] =	ssyncset.done $0x0  }
0xa4: {  	[sflag:s23] =	ssyncadd.s32 $0xFFFFFFFF  }
0xa5: {  	s4 =	sld [smem:$0x0]  }
0xa6: {  	s5 =	sand.u32 $0xFFFFFFFE, s1  }
0xa7: {  	p0 =	sne.s32 s1, s5  }
0xa8: {  	s5 =	sshll.u32 @p0 s5, $0xE  }
0xa9: {  	s5 =	sadd.s32 @p0 $0x11B8D, s5;
	s6 =	sshll.u32 @p0 s4, $0x11  }
0xaa: {  	s5 =	sor.u32 @p0 s6, s5  }
0xab: {  	[sflag:s5] =	ssyncadd.remote.s32 @p0 $0x1;
	_ =	sdelay $0x1  }
0xac: {  	s5 =	simm.s32 @p0 $0x1B8D  }
0xad: {  	_ =	swait.eq @p0 [sflag:s5], $0x1  }
0xae: {  	[sflag:s5] =	ssyncadd.s32 @p0 $0xFFFFFFFF  }
0xaf: {  	s6 =	sshll.u32 @!p0 s1, $0xE  }
0xb0: {  	s6 =	sor.u32 @!p0 $0x4000, s6;
	s5 =	simm.s32 @!p0 $0x1B8D  }
0xb1: {  	s4 =	sshll.u32 @!p0 s4, $0x11;
	s6 =	sadd.s32 @!p0 $0x11B8D, s6;
	_ =	swait.eq @!p0 [sflag:s5], $0x1  }
0xb2: {  	s4 =	sor.u32 @!p0 s4, s6;
	[sflag:s5] =	ssyncadd.s32 @!p0 $0xFFFFFFFF  }
0xb3: {  	s25 =	simm.s32 $0x1B8E;
	s24 =	sld [smem:$0x3FFE];
	[sflag:s4] =	ssyncadd.remote.s32 @!p0 $0x1  }
0xb4: {  	s26 =	simm.s32 $execute0_lowered;
	[smem:$0x3FD2] =	sst s25  }
0xb5: {  	s5 =	sshll.u32 s26, $0x1;
	_ =	strace $0x80000049;
	[dreg:$0x1] =	wrdreg $0xFFFFFFFF  }
0xb6: {  	s28 =	simm.s32 $_size_execute0_lowered;
	s3 =	sadd.s32 s3, s5;
	[dreg:$0x0] =	wrdreg $0x0  }
0xb7: {  	s5 =	sshll.u32 s28, $0x1;
	[dreg:$0x2] =	wrdreg s3  }
0xb8: {  	[dreg:$0x3] =	wrdreg s5  }
0xb9: {  	[dreg:$0x4] =	wrdreg $0xC0  }
0xba: {  	_ =	task [dreg:s22], $0x5FFFF  }
0xbb: {  	[dreg:$0x1] =	wrdreg $0xFFFFFFFF  }
0xbc: {  	[dreg:$0x0] =	wrdreg $0x60  }
0xbd: {  	[dreg:$0x2] =	wrdreg s24  }
0xbe: {  	[dreg:$0x3] =	wrdreg $0xA  }
0xbf: {  	_ =	task.clear_ibuf [dreg:s22], $0x4FFFF;
	_ =	strace $0x90000049  }
0xc0: {  	s29 =	simm.s32 $0xA;
	_ =	strace $0x8000004B  }
0xc1: {  	_ =	swait.ge [sflag:s29], $0x1  }
0xc2: {  	[sflag:s29] =	ssyncadd.s32 $0xFFFFFFFF  }
0xc3: {  	_ =	strace $0x9000004B  }
0xc4: {  	_ =	sfence  }
0xc5: {  	s30 =	sld [smem:$0x0];
	_ =	sdelay $0x2  }
0xc6: {  	s31 =	sshll.u32 s1, $0xD;
	s1 =	sshrl.u32 s1, $0x2  }
0xc7: {  	s4 =	sand.u32 $0x4000, s31;
	s1 =	sadd.s32 s1, s30  }
0xc8: {  	s0 =	sor.u32 s4, s0;
	s1 =	sshll.u32 s1, $0x11  }
0xc9: {  	s0 =	sor.u32 s1, s0  }
0xca: {  	s0 =	sadd.s32 $0x8F2B, s0  }
0xcb: {  	[sflag:s0] =	ssyncadd.remote.s32 $0x1  }
0xcc: {  	_ =	sfence.sel $0xFFFF  }
0xcd: {  	[dreg:$0x0] =	wrdreg $0xFFFFFFFF;
	(pc) =	sbr.abs _section_cstart, $3  }
0xce: {  	[dreg:$0x1] =	wrdreg $0xFFFFFFFF  }
0xcf: {  	_ =	task.clear_ibuf [dreg:s22], $0x2FFFF;
	_ =	strace $0x9FFFFFFF  }
0xd0: {  	(tm) =	ssettm $0x7FFFFFFF  }
0xd1: {  	_ =	shalt  }
tec
execute0_lowered:
.L_overlay_start_1:
0x0: {  	(tag) =	ssettag $0x1  }
0x1: {  	s4 =	rddreg [dreg:$0x0]  }
0x2: {  	s0 =	rddreg [dreg:$0x1];
	s2 =	simm.s32 $0x0;
	s1 =	stileid.u32  }
0x3: {  	s3 =	srdreg.scid;
	s10 =	simm.s32 $0x0;
	s6 =	smul.u32 $0x9C40, s1  }
0x4: {  	[smem:$0x7FF] =	sst s2;
	s5 =	sand.u32 $0x1, s3;
	s8 =	smul.u32 $0x9C400, s1  }
0x5: {  	s3 =	sadd.s32 $0x7F800, s4;
	s7 =	smul.u32 $0x4E20, s5;
	s9 =	ssub.s32 $0x2, s5  }
0x6: {  	_ =	strace $0x8000004A;
	s5 =	smul.u32 $0x4E200, s5;
	s31 =	sshrl.u32 s9, $0x1  }
0x7: {  	s8 =	sadd.s32 s8, s4;
	s6 =	sadd.s32 s7, s6;
	s7 =	ssub.s32 s9, s31  }
0x8: {  	s5 =	sadd.s32 s5, s8;
	s8 =	simm.s32 $0x320;
	s6 =	sshrl.u32 s6, $0x3  }
0x9: {  	s9 =	simm.s32 $0x1;
	s5 =	sadd.s32 $0xA7800, s5;
	s6 =	sadd.s32 s6, s4  }
0xa: {  	s4 =	smax.u32 s7, $0x1;
	s7 =	simm.s32 $0x2;
	s6 =	sadd.s32 $0x44A00, s6  }
.LBB2_1:
0xb: {  	s11 =	sadd.s32 $0x0, s6  }
0xc: {  	[tilespmem:s2], [sflag:$0x2] =	stream.linear.gather [hbm4b:s11+s2], $0x320, $0x38;
	[tilespmem:$0x19320] =	vst v63  }
0xd: {  	_ =	swait.ge [sflag:s7], $0x320  }
0xe: {  	[sflag:s7] =	ssyncset.done $0x0  }
0xf: {  	[sflag:s7] =	ssyncadd.s32 $0xFFFFFCE0  }
0x10: {  	[tilespmem:s8], [sflag:$0x1] =	stream.indirect.gather [hbm4b:s3+s8], $0x80, s2, s8, $0xb8;
	[tilespmem:$0x19320] =	vst v63  }
0x11: {  	_ =	swait.ge [sflag:s9], $0x19000  }
0x12: {  	[sflag:s9] =	ssyncset.done $0x0  }
0x13: {  	[sflag:s9] =	ssyncadd.s32 $0xFFFE7000  }
0x14: {  	[hbm4b:s5+s2] =	stream.linear.scatter [tilespmem:s8], [sflag:$0x2], $0x19000, $0x38;
	[tilespmem:$0x19320] =	vst v63  }
0x15: {  	s12 =	simm.s32 $0x64;
	_ =	swait.ge [sflag:s7], $0x19000  }
0x16: {  	s13 =	simm.s32 $0xC8;
	s11 =	sadd.s32 $0x3200, s5;
	[sflag:s7] =	ssyncset.done $0x0  }
.LBB2_2:
0x17: {  	s14 =	sadd.s32 s12, s6  }
0x18: {  	[sflag:s7] =	ssyncadd.s32 $0xFFFE7000;
	s12 =	smov.u32 s13;
	s15 =	sadd.s32 $0x64, s13  }
0x19: {  	[tilespmem:s2], [sflag:$0x2] =	stream.linear.gather [hbm4b:s14+s2], $0x320, $0x38;
	[tilespmem:$0x19320] =	vst v63  }
0x1a: {  	p0 =	sne.s32 s13, $0x960;
	_ =	swait.ge [sflag:s7], $0x320  }
0x1b: {  	[sflag:s7] =	ssyncset.done $0x0  }
0x1c: {  	[sflag:s7] =	ssyncadd.s32 $0xFFFFFCE0  }
0x1d: {  	[tilespmem:s8], [sflag:$0x1] =	stream.indirect.gather [hbm4b:s3+s8], $0x80, s2, s8, $0xb8;
	[tilespmem:$0x19320] =	vst v63  }
0x1e: {  	_ =	swait.ge [sflag:s9], $0x19000  }
.Ltmp0:
0x1f: {  	[sflag:s9] =	ssyncset.done $0x0;
	(pc) =	sbr.rel @p0 .LBB2_2-.Ltmp0, $4  }
0x20: {  	[sflag:s9] =	ssyncadd.s32 $0xFFFE7000  }
0x21: {  	[hbm4b:s11+s2] =	stream.linear.scatter [tilespmem:s8], [sflag:$0x2], $0x19000, $0x38;
	[tilespmem:$0x19320] =	vst v63  }
0x22: {  	_ =	swait.ge [sflag:s7], $0x19000  }
0x23: {  	s13 =	smov.u32 s15;
	s11 =	sadd.s32 $0x3200, s11;
	[sflag:s7] =	ssyncset.done $0x0  }
0x24: {  	s12 =	sadd.s32 s12, s6;
	[sflag:s7] =	ssyncadd.s32 $0xFFFE7000  }
0x25: {  	[tilespmem:s2], [sflag:$0x2] =	stream.linear.gather [hbm4b:s12+s2], $0x320, $0x38;
	[tilespmem:$0x19320] =	vst v63  }
0x26: {  	_ =	swait.ge [sflag:s7], $0x320  }
0x27: {  	[sflag:s7] =	ssyncset.done $0x0  }
0x28: {  	[sflag:s7] =	ssyncadd.s32 $0xFFFFFCE0  }
0x29: {  	[tilespmem:s8], [sflag:$0x1] =	stream.indirect.gather [hbm4b:s3+s8], $0x80, s2, s8, $0xb8;
	[tilespmem:$0x19320] =	vst v63  }
0x2a: {  	s10 =	sadd.s32 $0x1, s10;
	_ =	swait.ge [sflag:s9], $0x19000  }
0x2b: {  	p0 =	sne.s32 s10, s4;
	[sflag:s9] =	ssyncset.done $0x0  }
.Ltmp1:
0x2c: {  	[sflag:s9] =	ssyncadd.s32 $0xFFFE7000;
	(pc) =	sbr.rel @p0 .LBB2_1-.Ltmp1, $4  }
0x2d: {  	[hbm4b:s11+s2] =	stream.linear.scatter [tilespmem:s8], [sflag:$0x2], $0x19000, $0x38;
	[tilespmem:$0x19320] =	vst v63  }
0x2e: {  	_ =	swait.ge [sflag:s7], $0x19000  }
0x2f: {  	[sflag:s7] =	ssyncset.done $0x0  }
0x30: {  	[sflag:s7] =	ssyncadd.s32 $0xFFFE7000  }
0x31: {  	_ =	sfence.sel $0x180000  }
0x32: {  	[bflag:$0x0] =	sbarrier.arrive $0xFFFF  }
0x33: {  	p0 =	sne.s32 s1, $0x0;
	_ =	strace $0x9000004A  }
0x34: {  	s0 =	sadd.s32 @!p0 $0x100000, s0;
	[bflag:$0x2] =	sbarrier.arrive $0xFFFF  }
0x35: {  	[sflag:s0] =	ssyncadd.tile.s32 @!p0 $0x1;
	_ =	shalt  }
.Lfunc_end2:
_tile_overlayer_lowered:
.L_overlay_start_2:
0x36: {  	(tag) =	ssettag $0x2  }
0x37: {  	s0 =	rddreg [dreg:$0x0];
	s2 =	stileid.u32  }
0x38: {  	s1 =	rddreg [dreg:$0x1];
	p0 =	sne.s32 s2, $0x0  }
0x39: {  	s3 =	rddreg [dreg:$0x2];
	[bflag:$0x3] =	sbarrier.arrive $0xFFFF;
	s2 =	simm.s32 @!p0 $0x1C02  }
0x3a: {  	[timem:s3], [sflag:s2] =	dma.local @!p0 [hbm:s0], s1  }
0x3b: {  	s0 =	simm.s32 @!p0 $0x2  }
0x3c: {  	_ =	swait.ge @!p0 [sflag:s0], s1  }
0x3d: {  	s1 =	ssub.s32 @!p0 $0x0, s1;
	[sflag:s0] =	ssyncset.done @!p0 $0x0  }
0x3e: {  	[sflag:s0] =	ssyncadd.s32 @!p0 s1  }
0x3f: {  	[bflag:$0x3] =	sbarrier.arrive $0xFFFF  }
0x40: {  	_ =	shalt  }

// kernel: kernel.24.cloned.1.call-start
scs
__scs_entry_jumppad:
0x0: {  	(pc) =	sbr.rel $0x88, $3  }
0x1: {  	(tag) =	ssettag $0x0;
	lr =	simm.s32 $0x1  }
0x2: {  	[smem:$0x3F8A] =	sst lr;
	_ =	strace $0xD0000000  }
0x3: {  	_ = 	snop  }
0x4: {  	_ = 	snop  }
0x5: {  	_ = 	snop  }
0x6: {  	_ = 	snop  }
0x7: {  	_ = 	snop  }
__scs_overlays_trampoline_lowered:
0x8: {  	[smem:$0x3F99] =	sst s0  }
0x9: {  	[smem:$0x3F9A] =	sst s1  }
0xa: {  	[smem:$0x3F9B] =	sst s2  }
0xb: {  	[smem:$0x3F9C] =	sst s3  }
0xc: {  	[smem:$0x3F9D] =	sst s4  }
0xd: {  	[smem:$0x3F9E] =	sst s5  }
0xe: {  	[smem:$0x3F9F] =	sst s6  }
0xf: {  	[smem:$0x3FA0] =	sst s7  }
0x10: {  	[smem:$0x3FA1] =	sst s8  }
0x11: {  	[smem:$0x3FA2] =	sst s9;
	s0 =	simm.s32 @!p0 $0x0  }
0x12: {  	s1 =	sld [smem:$0x3F88];
	s0 =	simm.s32 @p0 $0x1  }
0x13: {  	[smem:$0x3FA3] =	sst s0;
	s0 =	simm.s32 @!p1 $0x0  }
0x14: {  	s2 =	sld [smem:$0x3F87];
	s0 =	simm.s32 @p1 $0x1  }
0x15: {  	[smem:$0x3FA4] =	sst s0;
	s0 =	simm.s32 @!p2 $0x0  }
0x16: {  	s3 =	sld [smem:$0x3FDB];
	s0 =	simm.s32 @p2 $0x1  }
0x17: {  	s4 =	simm.s32 $0x1BF5;
	[smem:$0x3FA6] =	sst s0  }
0x18: {  	s0 =	sld [smem:$0x3F89];
	_ =	swait.ge [sflag:s4], $0x0  }
0x19: {  	s7 =	sld [smem:$0x3F8A]  }
0x1a: {  	s8 =	sadd.s32 $0xFFFFE003, lr  }
0x1b: {  	s9 =	sadd.s32 $0xFFFFFEF7, lr;
	s5 =	simm.s32 $0xFFFFFFFF;
	p2 =	slt.u32 s8, $0xFFFFF086  }
0x1c: {  	p1 =	slt.u32 s9, $0xF7A;
	s5 =	simm.s32 @!p2 $0x0  }
0x1d: {  	s5 =	simm.s32 @p1 $0x1;
	p0 =	seq.s32 s7, s2  }
0x1e: {  	s7 =	smul.u32 @!p0 $0xF7A, s2;
	p2 =	seq.s32 @!p0 s5, $0x0  }
0x1f: {  	s9 =	smul.u32 $0xF7A, s1;
	s8 =	simm.s32 @!p0 $0x1BF5;
	p2 =	por !p2, p0  }
0x20: {  	[sflag:s8] =	ssyncset.s32 @!p0 $0xFFFFF086;
	s6 =	sadd.s32 @!p0 s3, s7;
	s7 =	simm.s32 @!p0 $0x108  }
0x21: {  	s3 =	sadd.s32 s3, s9;
	s6 =	sadd.s32 @!p0 $0x88, s6;
	s7 =	simm.s32 @p2 $0x1082  }
0x22: {  	[simem:s7], [sflag:s8] =	dma.local @!p0 [hbm:s6], $0xF7A  }
0x23: {  	s9 =	sor.u32 $0xD0000000, s2;
	s6 =	simm.s32 $0x108;
	_ =	swait.ge @!p0 [sflag:s8], $0x0  }
0x24: {  	s3 =	sadd.s32 $0x88, s3;
	s6 =	simm.s32 @!p1 $0x1082;
	[sflag:s4] =	ssyncset.s32 $0xFFFFF086  }
0x25: {  	[simem:s6], [sflag:s4] =	dma.local [hbm:s3], $0xF7A  }
0x26: {  	[smem:$0x3F8A] =	sst s1;
	(tag) =	ssettag s2;
	_ =	strace s9  }
0x27: {  	s1 =	sld [smem:$0x3F9A]  }
0x28: {  	s2 =	sld [smem:$0x3F9B]  }
0x29: {  	s4 =	sld [smem:$0x3F9D]  }
0x2a: {  	p0 =	seq.s32 s5, $0x0;
	s5 =	sld [smem:$0x3F9E]  }
0x2b: {  	s6 =	sld [smem:$0x3F9F]  }
0x2c: {  	s7 =	sld [smem:$0x3FA0]  }
0x2d: {  	s3 =	simm.s32 $0x108;
	s8 =	sld [smem:$0x3FA1]  }
0x2e: {  	s3 =	simm.s32 @!p0 $0x1082;
	s9 =	sld [smem:$0x3FA2]  }
0x2f: {  	lr =	sadd.s32 s0, s3;
	s0 =	sld [smem:$0x3F99]  }
0x30: {  	s3 =	sld [smem:$0x3F9C]  }
0x31: {  	[smem:$0x3FA5] =	sst s10  }
0x32: {  	s10 =	sld [smem:$0x3FA3];
	_ =	sdelay $0x3  }
0x33: {  	p0 =	seq.s32 s10, $0x1;
	s10 =	sld [smem:$0x3FA5];
	_ =	sdelay $0x3  }
0x34: {  	[smem:$0x3FA5] =	sst s10  }
0x35: {  	s10 =	sld [smem:$0x3FA4];
	_ =	sdelay $0x3  }
0x36: {  	p1 =	seq.s32 s10, $0x1;
	s10 =	sld [smem:$0x3FA5];
	_ =	sdelay $0x3  }
0x37: {  	[smem:$0x3FA5] =	sst s10  }
0x38: {  	s10 =	sld [smem:$0x3FA6]  }
0x39: {  	_ = 	snop;
	(pc) =	sbr.ind lr, $3  }
0x3a: {  	_ = 	snop  }
0x3b: {  	_ = 	snop  }
0x3c: {  	p2 =	seq.s32 s10, $0x1;
	s10 =	sld [smem:$0x3FA5]  }
0x3d: {  	_ =	shalt  }
0x3e: {  	_ =	shalt  }
0x3f: {  	_ =	shalt  }
0x40: {  	_ =	shalt  }
0x41: {  	_ =	shalt  }
0x42: {  	_ =	shalt  }
0x43: {  	_ =	shalt  }
0x44: {  	_ =	shalt  }
0x45: {  	_ =	shalt  }
0x46: {  	_ =	shalt  }
0x47: {  	_ =	shalt  }
0x48: {  	_ =	shalt  }
0x49: {  	_ =	shalt  }
0x4a: {  	_ =	shalt  }
0x4b: {  	_ =	shalt  }
0x4c: {  	_ =	shalt  }
0x4d: {  	_ =	shalt  }
0x4e: {  	_ =	shalt  }
0x4f: {  	_ =	shalt  }
0x50: {  	_ =	shalt  }
0x51: {  	_ =	shalt  }
0x52: {  	_ =	shalt  }
0x53: {  	_ =	shalt  }
0x54: {  	_ =	shalt  }
0x55: {  	_ =	shalt  }
0x56: {  	_ =	shalt  }
0x57: {  	_ =	shalt  }
0x58: {  	_ =	shalt  }
0x59: {  	_ =	shalt  }
0x5a: {  	_ =	shalt  }
0x5b: {  	_ =	shalt  }
0x5c: {  	_ =	shalt  }
0x5d: {  	_ =	shalt  }
0x5e: {  	_ =	shalt  }
0x5f: {  	_ =	shalt  }
0x60: {  	_ =	shalt  }
0x61: {  	_ =	shalt  }
0x62: {  	_ =	shalt  }
0x63: {  	_ =	shalt  }
0x64: {  	_ =	shalt  }
0x65: {  	_ =	shalt  }
0x66: {  	_ =	shalt  }
0x67: {  	_ =	shalt  }
0x68: {  	_ =	shalt  }
0x69: {  	_ =	shalt  }
0x6a: {  	_ =	shalt  }
0x6b: {  	_ =	shalt  }
0x6c: {  	_ =	shalt  }
0x6d: {  	_ =	shalt  }
0x6e: {  	_ =	shalt  }
0x6f: {  	_ =	shalt  }
0x70: {  	_ =	shalt  }
0x71: {  	_ =	shalt  }
0x72: {  	_ =	shalt  }
0x73: {  	_ =	shalt  }
0x74: {  	_ =	shalt  }
0x75: {  	_ =	shalt  }
0x76: {  	_ =	shalt  }
0x77: {  	_ =	shalt  }
0x78: {  	_ =	shalt  }
0x79: {  	_ =	shalt  }
0x7a: {  	_ =	shalt  }
0x7b: {  	_ =	shalt  }
0x7c: {  	_ =	shalt  }
0x7d: {  	_ =	shalt  }
0x7e: {  	_ =	shalt  }
0x7f: {  	_ =	shalt  }
0x80: {  	_ =	shalt  }
0x81: {  	_ =	shalt  }
0x82: {  	_ =	shalt  }
0x83: {  	_ =	shalt  }
0x84: {  	_ =	shalt  }
0x85: {  	_ =	shalt  }
0x86: {  	_ =	shalt  }
0x87: {  	_ =	shalt  }
.Lfunc_end0:
.L_simem_size_0:
called_computation.2_lowered:
.L_overlay_start_0:
0x88: {  	s2 =	sld [smem:$0x3FD9]  }
0x89: {  	s3 =	sld [smem:$0x3FFE];
	_ =	sdelay $0x1  }
0x8a: {  	s1 =	srdreg.scid  }
0x8b: {  	s0 =	sand.u32 $0x1, s1  }
0x8c: {  	s16 =	sshll.u32 s0, $0xA;
	s2 =	sadd.s32 s3, s2  }
0x8d: {  	s2 =	sadd.s32 s2, s16  }
0x8e: {  	[smem:$0x3FB1] =	sst s2  }
0x8f: {  	_ = 	snop  }
0x90: {  	(tm) =	ssettm $0x1  }
0x91: {  	s17 =	sld [smem:$0x3FFB];
	_ =	sdelay $0x3  }
0x92: {  	_ =	strace s17  }
0x93: {  	s2 =	sld [smem:$0x3FFC];
	_ =	sdelay $0x3  }
0x94: {  	_ =	strace s2  }
0x95: {  	s2 =	sld [smem:$0x3FFD];
	_ =	sdelay $0x3  }
0x96: {  	_ =	strace s2  }
0x97: {  	_ =	strace $0x8FFFFFFF  }
0x98: {  	s18 =	sld [smem:$0x3FDB];
	_ =	sdelay $0x1  }
0x99: {  	s19 =	simm.s32 $_scs_section_size  }
0x9a: {  	s4 =	simm.s32 $_size__tile_overlayer_lowered;
	s5 =	simm.s32 $_tile_overlayer_lowered  }
0x9b: {  	s22 =	simm.s32 $0x1BFF;
	s21 =	sshll.u32 s5, $0x1;
	s2 =	sadd.s32 s19, s18  }
0x9c: {  	s6 =	simm.s32 $0x0;
	s20 =	sshll.u32 s4, $0x1;
	s4 =	sadd.s32 s21, s2  }
0x9d: {  	[timem:s6], [sflag:s22] =	dma.local [hbm:s4], s20  }
0x9e: {  	_ =	swait.ge [sflag:s22], s20  }
0x9f: {  	s3 =	ssub.s32 $0x0, s20;
	[sflag:s22] =	ssyncset.done $0x0  }
0xa0: {  	[sflag:s22] =	ssyncadd.s32 s3;
	_ =	sdelay $0x1  }
0xa1: {  	s23 =	simm.s32 $0x1B8B  }
0xa2: {  	_ =	swait.ge [sflag:s23], $0x1  }
0xa3: {  	[sflag:s23] =	ssyncset.done $0x0  }
0xa4: {  	s25 =	simm.s32 $0x1B8E;
	s24 =	sld [smem:$0x3FFE];
	[sflag:s23] =	ssyncadd.s32 $0xFFFFFFFF  }
0xa5: {  	s26 =	simm.s32 $execute0_lowered;
	[smem:$0x3FD2] =	sst s25  }
0xa6: {  	s4 =	sshll.u32 s26, $0x1;
	_ =	strace $0x8000004C;
	[dreg:$0x1] =	wrdreg $0xFFFFFFFF  }
0xa7: {  	s28 =	simm.s32 $_size_execute0_lowered;
	s2 =	sadd.s32 s2, s4;
	[dreg:$0x0] =	wrdreg $0x0  }
0xa8: {  	s4 =	sshll.u32 s28, $0x1;
	[dreg:$0x2] =	wrdreg s2  }
0xa9: {  	[dreg:$0x3] =	wrdreg s4  }
0xaa: {  	[dreg:$0x4] =	wrdreg $0xC0  }
0xab: {  	_ =	task [dreg:s6], $0x5FFFF  }
0xac: {  	[dreg:$0x1] =	wrdreg $0xFFFFFFFF  }
0xad: {  	[dreg:$0x0] =	wrdreg $0x60  }
0xae: {  	[dreg:$0x2] =	wrdreg s24  }
0xaf: {  	[dreg:$0x3] =	wrdreg $0x113000  }
0xb0: {  	[dreg:$0x4] =	wrdreg $0x9  }
0xb1: {  	_ =	task.clear_ibuf [dreg:s6], $0x5FFFF;
	_ =	strace $0x9000004C  }
0xb2: {  	s29 =	simm.s32 $0x9;
	_ =	strace $0x8000004E  }
0xb3: {  	_ =	swait.ge [sflag:s29], $0x1  }
0xb4: {  	[sflag:s29] =	ssyncadd.s32 $0xFFFFFFFF  }
0xb5: {  	_ =	strace $0x9000004E  }
0xb6: {  	_ =	sfence  }
0xb7: {  	s30 =	sld [smem:$0x0];
	_ =	sdelay $0x2  }
0xb8: {  	s31 =	sshll.u32 s1, $0xD;
	s1 =	sshrl.u32 s1, $0x2  }
0xb9: {  	s3 =	sand.u32 $0x4000, s31;
	s1 =	sadd.s32 s1, s30  }
0xba: {  	s0 =	sor.u32 s3, s0;
	s1 =	sshll.u32 s1, $0x11  }
0xbb: {  	s0 =	sor.u32 s1, s0  }
0xbc: {  	s0 =	sadd.s32 $0x8F2B, s0  }
0xbd: {  	[sflag:s0] =	ssyncadd.remote.s32 $0x1  }
0xbe: {  	_ =	sfence.sel $0xFFFF  }
0xbf: {  	[dreg:$0x0] =	wrdreg $0xFFFFFFFF;
	(pc) =	sbr.abs _section_cstart, $3  }
0xc0: {  	[dreg:$0x1] =	wrdreg $0xFFFFFFFF  }
0xc1: {  	_ =	task.clear_ibuf [dreg:s6], $0x2FFFF;
	_ =	strace $0x9FFFFFFF  }
0xc2: {  	(tm) =	ssettm $0x7FFFFFFF  }
0xc3: {  	_ =	shalt  }
tec
execute0_lowered:
.L_overlay_start_1:
0x0: {  	(tag) =	ssettag $0x1  }
0x1: {  	s0 =	stileid.u32;
	s6 =	rddreg [dreg:$0x0]  }
0x2: {  	s1 =	srdreg.scid;
	s2 =	rddreg [dreg:$0x1];
	s3 =	simm.s32 $0x0  }
0x3: {  	s13 =	simm.s32 $0x3;
	s14 =	simm.s32 $0xA280;
	s4 =	smul.u32 $0xAFC80, s0  }
0x4: {  	s15 =	simm.s32 $0xDAC0;
	s16 =	simm.s32 $0x1;
	s8 =	smul.u32 $0xA280, s0  }
0x5: {  	s17 =	simm.s32 $0x64;
	s18 =	simm.s32 $0x2;
	s9 =	smul.u32 $0xB490, s0  }
0x6: {  	s19 =	simm.s32 $0xA1B0;
	s20 =	simm.s32 $0xA218;
	s10 =	smul.u32 $0x1680, s0  }
0x7: {  	s5 =	sand.u32 $0x1, s1;
	s1 =	rddreg [dreg:$0x2];
	s31 =	smul.u32 $0x2D000, s0  }
0x8: {  	s22 =	simm.s32 $0x0;
	[smem:$0x7FF] =	sst s3;
	s7 =	smul.u32 $0xA2800, s5  }
0x9: {  	s30 =	sshll.u32 s0, $0x6;
	s25 =	smul.u32 $0x16800, s5;
	_ =	strace $0x8000004D  }
0xa: {  	s26 =	ssub.s32 $0x2, s5;
	s11 =	sadd.s32 s4, s6;
	s28 =	sshrl.u32 s9, $0x3  }
0xb: {  	s29 =	sshrl.u32 s26, $0x1;
	s12 =	sadd.s32 s9, s2;
	s9 =	sshrl.u32 s31, $0x2  }
0xc: {  	s7 =	sadd.s32 s8, s7;
	s8 =	sadd.s32 s10, s25;
	s5 =	sadd.s32 s28, s6  }
0xd: {  	s10 =	ssub.s32 s26, s29;
	s21 =	sadd.s32 s9, s2;
	s12 =	sshrl.u32 s12, $0x3  }
0xe: {  	s7 =	sshrl.u32 s7, $0x3;
	s8 =	sadd.s32 s8, s6;
	s4 =	sadd.s32 $0x58400, s5  }
0xf: {  	s5 =	sor.u32 $0x1C03, s30;
	s9 =	smax.u32 s10, $0x1;
	s7 =	sadd.s32 s7, s6  }
0x10: {  	s10 =	sadd.s32 $0x3C1B578, s11;
	s21 =	sshrl.u32 s21, $0x3;
	s6 =	sadd.s32 $0x1433600, s7  }
0x11: {  	s8 =	sadd.s32 $0xE400, s8;
	s7 =	sadd.s32 $0x3B6C000, s11;
	s11 =	sadd.s32 $0x3B6CE10, s11  }
.LBB2_1:
0x12: {  	[spmem:s12], [sflag:s5] =	dma.local [hbm:s4], $0x1692  }
0x13: {  	_ =	swait.ge [sflag:s13], $0x1692  }
0x14: {  	[sflag:s13] =	ssyncset.done $0x0  }
0x15: {  	[sflag:s13] =	ssyncadd.s32 $0xFFFFE96E  }
0x16: {  	[bflag:$0x0] =	sbarrier.arrive $0xFFFF  }
0x17: {  	[tilespmem:s3], [sflag:$0x3] =	stream.linear.gather [hbm4b:s6+s3], $0xA280, $0x38;
	[tilespmem:$0x1C790] =	vst v63  }
0x18: {  	_ =	swait.ge [sflag:s13], $0xA280  }
0x19: {  	[sflag:s13] =	ssyncset.done $0x0  }
0x1a: {  	[sflag:s13] =	ssyncadd.s32 $0xFFFF5D80  }
0x1b: {  	[tilespmem:s14], [sflag:$0x1] =	stream.linear.gather [hbm4b:s7+s3], $0x3840, $0x38;
	[tilespmem:$0x1C790] =	vst v63  }
0x1c: {  	s23 =	sadd.s32 $0xFFFFF8F8, s11  }
0x1d: {  	[tilespmem:s15], [sflag:$0x2] =	stream.linear.gather [hbm4b:s23+s3], $0x3840, $0x38;
	[tilespmem:$0x1C790] =	vst v63  }
0x1e: {  	_ =	swait.ge [sflag:s16], $0x3840  }
0x1f: {  	[sflag:s16] =	ssyncset.done $0x0  }
0x20: {  	s30 =	simm.s32 $0x0;
	[sflag:s16] =	ssyncadd.s32 $0xFFFFC7C0  }
0x21: {  	[spmem:s2] =	stream.indirect.scatter.add.f32 [tilespmem:s14], [sflag:$0x3], $0x90, s30, s17, $0xb8;
	[tilespmem:$0x1C790] =	vst v63  }
0x22: {  	_ =	swait.ge [sflag:s13], $0x3840  }
0x23: {  	[sflag:s13] =	ssyncset.done $0x0  }
0x24: {  	[sflag:s13] =	ssyncadd.s32 $0xFFFFC7C0  }
0x25: {  	[tilespmem:s14], [sflag:$0x1] =	stream.linear.gather [hbm4b:s11+s3], $0x3840, $0x38;
	[tilespmem:$0x1C790] =	vst v63  }
0x26: {  	_ =	swait.ge [sflag:s18], $0x3840  }
0x27: {  	[sflag:s18] =	ssyncset.done $0x0  }
0x28: {  	s31 =	simm.s32 $0x68;
	[sflag:s18] =	ssyncadd.s32 $0xFFFFC7C0  }
0x29: {  	[spmem:s2] =	stream.indirect.scatter.add.f32 [tilespmem:s15], [sflag:$0x3], $0x90, s31, s17, $0xb8;
	[tilespmem:$0x1C790] =	vst v63  }
0x2a: {  	s24 =	simm.s32 $0x340;
	_ =	swait.ge [sflag:s13], $0x3840  }
0x2b: {  	s25 =	simm.s32 $0x680;
	s23 =	sadd.s32 $0xE10, s11;
	[sflag:s13] =	ssyncset.done $0x0  }
.LBB2_2:
0x2c: {  	p0 =	sne.s32 s25, $0x28380;
	s26 =	sadd.s32 $0xFFFFF8F8, s23;
	[sflag:s13] =	ssyncadd.s32 $0xFFFFC7C0  }
0x2d: {  	[tilespmem:s15], [sflag:$0x2] =	stream.linear.gather [hbm4b:s26+s3], $0x3840, $0x38;
	[tilespmem:$0x1C790] =	vst v63  }
0x2e: {  	s26 =	smov.u32 s25;
	s25 =	sadd.s32 $0x340, s25;
	_ =	swait.ge [sflag:s16], $0x3840  }
0x2f: {  	[sflag:s16] =	ssyncset.done $0x0  }
0x30: {  	s28 =	sshra.s32 s24, $0x2;
	s24 =	smov.u32 s26;
	[sflag:s16] =	ssyncadd.s32 $0xFFFFC7C0  }
0x31: {  	[spmem:s2] =	stream.indirect.scatter.add.f32 [tilespmem:s14], [sflag:$0x3], $0x90, s28, s17, $0xb8;
	[tilespmem:$0x1C790] =	vst v63  }
0x32: {  	_ =	swait.ge [sflag:s13], $0x3840  }
0x33: {  	[sflag:s13] =	ssyncset.done $0x0  }
0x34: {  	[sflag:s13] =	ssyncadd.s32 $0xFFFFC7C0  }
0x35: {  	[tilespmem:s14], [sflag:$0x1] =	stream.linear.gather [hbm4b:s23+s3], $0x3840, $0x38;
	[tilespmem:$0x1C790] =	vst v63  }
0x36: {  	_ =	swait.ge [sflag:s18], $0x3840  }
.Ltmp0:
0x37: {  	[sflag:s18] =	ssyncset.done $0x0;
	(pc) =	sbr.rel @p0 .LBB2_2-.Ltmp0, $4  }
0x38: {  	s26 =	sadd.s32 $0x68, s28;
	[sflag:s18] =	ssyncadd.s32 $0xFFFFC7C0  }
0x39: {  	[spmem:s2] =	stream.indirect.scatter.add.f32 [tilespmem:s15], [sflag:$0x3], $0x90, s26, s17, $0xb8;
	[tilespmem:$0x1C790] =	vst v63  }
0x3a: {  	_ =	swait.ge [sflag:s13], $0x3840  }
0x3b: {  	s23 =	sadd.s32 $0xE10, s23;
	[sflag:s13] =	ssyncset.done $0x0  }
0x3c: {  	s25 =	sadd.s32 $0xFFFFF8F8, s23;
	[sflag:s13] =	ssyncadd.s32 $0xFFFFC7C0  }
0x3d: {  	[tilespmem:s15], [sflag:$0x2] =	stream.linear.gather [hbm4b:s25+s3], $0x3840, $0x38;
	[tilespmem:$0x1C790] =	vst v63  }
0x3e: {  	_ =	swait.ge [sflag:s16], $0x3840  }
0x3f: {  	[sflag:s16] =	ssyncset.done $0x0  }
0x40: {  	s24 =	sshra.s32 s24, $0x2;
	[sflag:s16] =	ssyncadd.s32 $0xFFFFC7C0  }
0x41: {  	[spmem:s2] =	stream.indirect.scatter.add.f32 [tilespmem:s14], [sflag:$0x3], $0x90, s24, s17, $0xb8;
	[tilespmem:$0x1C790] =	vst v63  }
0x42: {  	_ =	swait.ge [sflag:s13], $0x3840  }
0x43: {  	[sflag:s13] =	ssyncset.done $0x0  }
0x44: {  	[sflag:s13] =	ssyncadd.s32 $0xFFFFC7C0  }
0x45: {  	[tilespmem:s14], [sflag:$0x1] =	stream.linear.gather [hbm4b:s23+s3], $0x3840, $0x38;
	[tilespmem:$0x1C790] =	vst v63  }
0x46: {  	_ =	swait.ge [sflag:s18], $0x3840  }
0x47: {  	[sflag:s18] =	ssyncset.done $0x0  }
0x48: {  	s31 =	sadd.s32 $0x68, s24;
	[sflag:s18] =	ssyncadd.s32 $0xFFFFC7C0  }
0x49: {  	[spmem:s2] =	stream.indirect.scatter.add.f32 [tilespmem:s15], [sflag:$0x3], $0x90, s31, s17, $0xb8;
	[tilespmem:$0x1C790] =	vst v63  }
0x4a: {  	_ =	swait.ge [sflag:s13], $0x3840  }
0x4b: {  	[sflag:s13] =	ssyncset.done $0x0  }
0x4c: {  	[sflag:s13] =	ssyncadd.s32 $0xFFFFC7C0  }
0x4d: {  	[tilespmem:s15], [sflag:$0x2] =	stream.linear.gather [hbm4b:s10+s3], $0x3840, $0x38;
	[tilespmem:$0x1C790] =	vst v63  }
0x4e: {  	_ =	swait.ge [sflag:s16], $0x3840  }
0x4f: {  	[sflag:s16] =	ssyncset.done $0x0  }
0x50: {  	[sflag:s16] =	ssyncadd.s32 $0xFFFFC7C0  }
0x51: {  	[spmem:s2] =	stream.indirect.scatter.add.f32 [tilespmem:s14], [sflag:$0x3], $0x90, s19, s17, $0xb8;
	[tilespmem:$0x1C790] =	vst v63  }
0x52: {  	_ =	swait.ge [sflag:s13], $0x3840  }
0x53: {  	[sflag:s13] =	ssyncset.done $0x0  }
0x54: {  	[sflag:s13] =	ssyncadd.s32 $0xFFFFC7C0  }
0x55: {  	[tilespmem:s14], [sflag:$0x1] =	stream.linear.gather [hbm4b:s10+s3], $0x3840, $0x38;
	[tilespmem:$0x1C790] =	vst v63  }
0x56: {  	_ =	swait.ge [sflag:s18], $0x3840  }
0x57: {  	[sflag:s18] =	ssyncset.done $0x0  }
0x58: {  	[sflag:s18] =	ssyncadd.s32 $0xFFFFC7C0  }
0x59: {  	[spmem:s2] =	stream.indirect.scatter.add.f32 [tilespmem:s15], [sflag:$0x3], $0x90, s20, s17, $0xb8;
	[tilespmem:$0x1C790] =	vst v63  }
0x5a: {  	_ =	swait.ge [sflag:s13], $0x3840  }
0x5b: {  	[sflag:s13] =	ssyncset.done $0x0  }
0x5c: {  	[sflag:s13] =	ssyncadd.s32 $0xFFFFC7C0  }
0x5d: {  	_ =	swait.ge [sflag:s16], $0x3840  }
0x5e: {  	s22 =	sadd.s32 $0x1, s22;
	[sflag:s16] =	ssyncset.done $0x0  }
0x5f: {  	p0 =	sne.s32 s22, s9;
	[sflag:s16] =	ssyncadd.s32 $0xFFFFC7C0  }
.Ltmp1:
0x60: {  	[bflag:$0x0] =	sbarrier.arrive $0xFFFF;
	(pc) =	sbr.rel @p0 .LBB2_1-.Ltmp1, $4  }
0x61: {  	[hbm:s8], [sflag:s5] =	dma.local [spmem:s21], $0x1680  }
0x62: {  	_ =	swait.ge [sflag:s13], $0x1680  }
0x63: {  	[sflag:s13] =	ssyncset.done $0x0  }
0x64: {  	[sflag:s13] =	ssyncadd.s32 $0xFFFFE980  }
0x65: {  	_ =	sfence.sel $0x180000  }
0x66: {  	[bflag:$0x0] =	sbarrier.arrive $0xFFFF  }
0x67: {  	p0 =	sne.s32 s0, $0x0;
	_ =	strace $0x9000004D  }
0x68: {  	s0 =	sadd.s32 @!p0 $0x100000, s1;
	[bflag:$0x2] =	sbarrier.arrive $0xFFFF  }
0x69: {  	[sflag:s0] =	ssyncadd.tile.s32 @!p0 $0x1;
	_ =	shalt  }
.Lfunc_end2:
_tile_overlayer_lowered:
.L_overlay_start_2:
0x6a: {  	(tag) =	ssettag $0x2  }
0x6b: {  	s0 =	rddreg [dreg:$0x0];
	s2 =	stileid.u32  }
0x6c: {  	s1 =	rddreg [dreg:$0x1];
	p0 =	sne.s32 s2, $0x0  }
0x6d: {  	s3 =	rddreg [dreg:$0x2];
	[bflag:$0x3] =	sbarrier.arrive $0xFFFF;
	s2 =	simm.s32 @!p0 $0x1C03  }
0x6e: {  	[timem:s3], [sflag:s2] =	dma.local @!p0 [hbm:s0], s1  }
0x6f: {  	s0 =	simm.s32 @!p0 $0x3  }
0x70: {  	_ =	swait.ge @!p0 [sflag:s0], s1  }
0x71: {  	s1 =	ssub.s32 @!p0 $0x0, s1;
	[sflag:s0] =	ssyncset.done @!p0 $0x0  }
0x72: {  	[sflag:s0] =	ssyncadd.s32 @!p0 s1  }
0x73: {  	[bflag:$0x3] =	sbarrier.arrive $0xFFFF  }
0x74: {  	_ =	shalt  }

// kernel: kernel.27.cloned.1.call-start
scs
__scs_entry_jumppad:
0x0: {  	(pc) =	sbr.rel $0x88, $3  }
0x1: {  	(tag) =	ssettag $0x0;
	lr =	simm.s32 $0x1  }
0x2: {  	[smem:$0x3F8A] =	sst lr;
	_ =	strace $0xD0000000  }
0x3: {  	_ = 	snop  }
0x4: {  	_ = 	snop  }
0x5: {  	_ = 	snop  }
0x6: {  	_ = 	snop  }
0x7: {  	_ = 	snop  }
__scs_overlays_trampoline_lowered:
0x8: {  	[smem:$0x3F99] =	sst s0  }
0x9: {  	[smem:$0x3F9A] =	sst s1  }
0xa: {  	[smem:$0x3F9B] =	sst s2  }
0xb: {  	[smem:$0x3F9C] =	sst s3  }
0xc: {  	[smem:$0x3F9D] =	sst s4  }
0xd: {  	[smem:$0x3F9E] =	sst s5  }
0xe: {  	[smem:$0x3F9F] =	sst s6  }
0xf: {  	[smem:$0x3FA0] =	sst s7  }
0x10: {  	[smem:$0x3FA1] =	sst s8  }
0x11: {  	[smem:$0x3FA2] =	sst s9;
	s0 =	simm.s32 @!p0 $0x0  }
0x12: {  	s1 =	sld [smem:$0x3F88];
	s0 =	simm.s32 @p0 $0x1  }
0x13: {  	[smem:$0x3FA3] =	sst s0;
	s0 =	simm.s32 @!p1 $0x0  }
0x14: {  	s2 =	sld [smem:$0x3F87];
	s0 =	simm.s32 @p1 $0x1  }
0x15: {  	[smem:$0x3FA4] =	sst s0;
	s0 =	simm.s32 @!p2 $0x0  }
0x16: {  	s3 =	sld [smem:$0x3FDB];
	s0 =	simm.s32 @p2 $0x1  }
0x17: {  	s4 =	simm.s32 $0x1BF5;
	[smem:$0x3FA6] =	sst s0  }
0x18: {  	s0 =	sld [smem:$0x3F89];
	_ =	swait.ge [sflag:s4], $0x0  }
0x19: {  	s7 =	sld [smem:$0x3F8A]  }
0x1a: {  	s8 =	sadd.s32 $0xFFFFE003, lr  }
0x1b: {  	s9 =	sadd.s32 $0xFFFFFEF7, lr;
	s5 =	simm.s32 $0xFFFFFFFF;
	p2 =	slt.u32 s8, $0xFFFFF086  }
0x1c: {  	p1 =	slt.u32 s9, $0xF7A;
	s5 =	simm.s32 @!p2 $0x0  }
0x1d: {  	s5 =	simm.s32 @p1 $0x1;
	p0 =	seq.s32 s7, s2  }
0x1e: {  	s7 =	smul.u32 @!p0 $0xF7A, s2;
	p2 =	seq.s32 @!p0 s5, $0x0  }
0x1f: {  	s9 =	smul.u32 $0xF7A, s1;
	s8 =	simm.s32 @!p0 $0x1BF5;
	p2 =	por !p2, p0  }
0x20: {  	[sflag:s8] =	ssyncset.s32 @!p0 $0xFFFFF086;
	s6 =	sadd.s32 @!p0 s3, s7;
	s7 =	simm.s32 @!p0 $0x108  }
0x21: {  	s3 =	sadd.s32 s3, s9;
	s6 =	sadd.s32 @!p0 $0x88, s6;
	s7 =	simm.s32 @p2 $0x1082  }
0x22: {  	[simem:s7], [sflag:s8] =	dma.local @!p0 [hbm:s6], $0xF7A  }
0x23: {  	s9 =	sor.u32 $0xD0000000, s2;
	s6 =	simm.s32 $0x108;
	_ =	swait.ge @!p0 [sflag:s8], $0x0  }
0x24: {  	s3 =	sadd.s32 $0x88, s3;
	s6 =	simm.s32 @!p1 $0x1082;
	[sflag:s4] =	ssyncset.s32 $0xFFFFF086  }
0x25: {  	[simem:s6], [sflag:s4] =	dma.local [hbm:s3], $0xF7A  }
0x26: {  	[smem:$0x3F8A] =	sst s1;
	(tag) =	ssettag s2;
	_ =	strace s9  }
0x27: {  	s1 =	sld [smem:$0x3F9A]  }
0x28: {  	s2 =	sld [smem:$0x3F9B]  }
0x29: {  	s4 =	sld [smem:$0x3F9D]  }
0x2a: {  	p0 =	seq.s32 s5, $0x0;
	s5 =	sld [smem:$0x3F9E]  }
0x2b: {  	s6 =	sld [smem:$0x3F9F]  }
0x2c: {  	s7 =	sld [smem:$0x3FA0]  }
0x2d: {  	s3 =	simm.s32 $0x108;
	s8 =	sld [smem:$0x3FA1]  }
0x2e: {  	s3 =	simm.s32 @!p0 $0x1082;
	s9 =	sld [smem:$0x3FA2]  }
0x2f: {  	lr =	sadd.s32 s0, s3;
	s0 =	sld [smem:$0x3F99]  }
0x30: {  	s3 =	sld [smem:$0x3F9C]  }
0x31: {  	[smem:$0x3FA5] =	sst s10  }
0x32: {  	s10 =	sld [smem:$0x3FA3];
	_ =	sdelay $0x3  }
0x33: {  	p0 =	seq.s32 s10, $0x1;
	s10 =	sld [smem:$0x3FA5];
	_ =	sdelay $0x3  }
0x34: {  	[smem:$0x3FA5] =	sst s10  }
0x35: {  	s10 =	sld [smem:$0x3FA4];
	_ =	sdelay $0x3  }
0x36: {  	p1 =	seq.s32 s10, $0x1;
	s10 =	sld [smem:$0x3FA5];
	_ =	sdelay $0x3  }
0x37: {  	[smem:$0x3FA5] =	sst s10  }
0x38: {  	s10 =	sld [smem:$0x3FA6]  }
0x39: {  	_ = 	snop;
	(pc) =	sbr.ind lr, $3  }
0x3a: {  	_ = 	snop  }
0x3b: {  	_ = 	snop  }
0x3c: {  	p2 =	seq.s32 s10, $0x1;
	s10 =	sld [smem:$0x3FA5]  }
0x3d: {  	_ =	shalt  }
0x3e: {  	_ =	shalt  }
0x3f: {  	_ =	shalt  }
0x40: {  	_ =	shalt  }
0x41: {  	_ =	shalt  }
0x42: {  	_ =	shalt  }
0x43: {  	_ =	shalt  }
0x44: {  	_ =	shalt  }
0x45: {  	_ =	shalt  }
0x46: {  	_ =	shalt  }
0x47: {  	_ =	shalt  }
0x48: {  	_ =	shalt  }
0x49: {  	_ =	shalt  }
0x4a: {  	_ =	shalt  }
0x4b: {  	_ =	shalt  }
0x4c: {  	_ =	shalt  }
0x4d: {  	_ =	shalt  }
0x4e: {  	_ =	shalt  }
0x4f: {  	_ =	shalt  }
0x50: {  	_ =	shalt  }
0x51: {  	_ =	shalt  }
0x52: {  	_ =	shalt  }
0x53: {  	_ =	shalt  }
0x54: {  	_ =	shalt  }
0x55: {  	_ =	shalt  }
0x56: {  	_ =	shalt  }
0x57: {  	_ =	shalt  }
0x58: {  	_ =	shalt  }
0x59: {  	_ =	shalt  }
0x5a: {  	_ =	shalt  }
0x5b: {  	_ =	shalt  }
0x5c: {  	_ =	shalt  }
0x5d: {  	_ =	shalt  }
0x5e: {  	_ =	shalt  }
0x5f: {  	_ =	shalt  }
0x60: {  	_ =	shalt  }
0x61: {  	_ =	shalt  }
0x62: {  	_ =	shalt  }
0x63: {  	_ =	shalt  }
0x64: {  	_ =	shalt  }
0x65: {  	_ =	shalt  }
0x66: {  	_ =	shalt  }
0x67: {  	_ =	shalt  }
0x68: {  	_ =	shalt  }
0x69: {  	_ =	shalt  }
0x6a: {  	_ =	shalt  }
0x6b: {  	_ =	shalt  }
0x6c: {  	_ =	shalt  }
0x6d: {  	_ =	shalt  }
0x6e: {  	_ =	shalt  }
0x6f: {  	_ =	shalt  }
0x70: {  	_ =	shalt  }
0x71: {  	_ =	shalt  }
0x72: {  	_ =	shalt  }
0x73: {  	_ =	shalt  }
0x74: {  	_ =	shalt  }
0x75: {  	_ =	shalt  }
0x76: {  	_ =	shalt  }
0x77: {  	_ =	shalt  }
0x78: {  	_ =	shalt  }
0x79: {  	_ =	shalt  }
0x7a: {  	_ =	shalt  }
0x7b: {  	_ =	shalt  }
0x7c: {  	_ =	shalt  }
0x7d: {  	_ =	shalt  }
0x7e: {  	_ =	shalt  }
0x7f: {  	_ =	shalt  }
0x80: {  	_ =	shalt  }
0x81: {  	_ =	shalt  }
0x82: {  	_ =	shalt  }
0x83: {  	_ =	shalt  }
0x84: {  	_ =	shalt  }
0x85: {  	_ =	shalt  }
0x86: {  	_ =	shalt  }
0x87: {  	_ =	shalt  }
.Lfunc_end0:
.L_simem_size_0:
called_computation.3_lowered:
.L_overlay_start_0:
0x88: {  	s2 =	sld [smem:$0x3FD9]  }
0x89: {  	s3 =	sld [smem:$0x3FFE];
	_ =	sdelay $0x1  }
0x8a: {  	s1 =	srdreg.scid  }
0x8b: {  	s0 =	sand.u32 $0x1, s1  }
0x8c: {  	s16 =	sshll.u32 s0, $0xA;
	s2 =	sadd.s32 s3, s2  }
0x8d: {  	s2 =	sadd.s32 s2, s16  }
0x8e: {  	[smem:$0x3FB1] =	sst s2  }
0x8f: {  	_ = 	snop  }
0x90: {  	(tm) =	ssettm $0x1  }
0x91: {  	s17 =	sld [smem:$0x3FFB];
	_ =	sdelay $0x3  }
0x92: {  	_ =	strace s17  }
0x93: {  	s2 =	sld [smem:$0x3FFC];
	_ =	sdelay $0x3  }
0x94: {  	_ =	strace s2  }
0x95: {  	s2 =	sld [smem:$0x3FFD];
	_ =	sdelay $0x3  }
0x96: {  	_ =	strace s2  }
0x97: {  	_ =	strace $0x8FFFFFFF  }
0x98: {  	s18 =	sld [smem:$0x3FDB];
	_ =	sdelay $0x1  }
0x99: {  	s19 =	simm.s32 $_scs_section_size  }
0x9a: {  	s4 =	simm.s32 $_size__tile_overlayer_lowered;
	s5 =	simm.s32 $_tile_overlayer_lowered  }
0x9b: {  	s22 =	simm.s32 $0x1BFF;
	s21 =	sshll.u32 s5, $0x1;
	s2 =	sadd.s32 s19, s18  }
0x9c: {  	s6 =	simm.s32 $0x0;
	s20 =	sshll.u32 s4, $0x1;
	s4 =	sadd.s32 s21, s2  }
0x9d: {  	[timem:s6], [sflag:s22] =	dma.local [hbm:s4], s20  }
0x9e: {  	_ =	swait.ge [sflag:s22], s20  }
0x9f: {  	s3 =	ssub.s32 $0x0, s20;
	[sflag:s22] =	ssyncset.done $0x0  }
0xa0: {  	[sflag:s22] =	ssyncadd.s32 s3;
	_ =	sdelay $0x1  }
0xa1: {  	s23 =	simm.s32 $0x1B8B  }
0xa2: {  	_ =	swait.ge [sflag:s23], $0x1  }
0xa3: {  	[sflag:s23] =	ssyncset.done $0x0  }
0xa4: {  	s25 =	simm.s32 $0x1B8E;
	s24 =	sld [smem:$0x3FFE];
	[sflag:s23] =	ssyncadd.s32 $0xFFFFFFFF  }
0xa5: {  	s26 =	simm.s32 $execute0_lowered;
	[smem:$0x3FD2] =	sst s25  }
0xa6: {  	s4 =	sshll.u32 s26, $0x1;
	_ =	strace $0x8000004F;
	[dreg:$0x1] =	wrdreg $0xFFFFFFFF  }
0xa7: {  	s28 =	simm.s32 $_size_execute0_lowered;
	s2 =	sadd.s32 s2, s4;
	[dreg:$0x0] =	wrdreg $0x0  }
0xa8: {  	s4 =	sshll.u32 s28, $0x1;
	[dreg:$0x2] =	wrdreg s2  }
0xa9: {  	[dreg:$0x3] =	wrdreg s4  }
0xaa: {  	[dreg:$0x4] =	wrdreg $0xC0  }
0xab: {  	_ =	task [dreg:s6], $0x5FFFF  }
0xac: {  	[dreg:$0x1] =	wrdreg $0xFFFFFFFF  }
0xad: {  	[dreg:$0x0] =	wrdreg $0x60  }
0xae: {  	[dreg:$0x2] =	wrdreg s24  }
0xaf: {  	[dreg:$0x3] =	wrdreg $0x9  }
0xb0: {  	_ =	task.clear_ibuf [dreg:s6], $0x4FFFF;
	_ =	strace $0x9000004F  }
0xb1: {  	s29 =	simm.s32 $0x9;
	_ =	strace $0x80000051  }
0xb2: {  	_ =	swait.ge [sflag:s29], $0x1  }
0xb3: {  	[sflag:s29] =	ssyncadd.s32 $0xFFFFFFFF  }
0xb4: {  	_ =	strace $0x90000051  }
0xb5: {  	_ =	sfence  }
0xb6: {  	s30 =	sld [smem:$0x0];
	_ =	sdelay $0x2  }
0xb7: {  	s31 =	sshll.u32 s1, $0xD;
	s1 =	sshrl.u32 s1, $0x2  }
0xb8: {  	s3 =	sand.u32 $0x4000, s31;
	s1 =	sadd.s32 s1, s30  }
0xb9: {  	s0 =	sor.u32 s3, s0;
	s1 =	sshll.u32 s1, $0x11  }
0xba: {  	s0 =	sor.u32 s1, s0  }
0xbb: {  	s0 =	sadd.s32 $0x8F2B, s0  }
0xbc: {  	[sflag:s0] =	ssyncadd.remote.s32 $0x1  }
0xbd: {  	_ =	sfence.sel $0xFFFF  }
0xbe: {  	[dreg:$0x0] =	wrdreg $0xFFFFFFFF;
	(pc) =	sbr.abs _section_cstart, $3  }
0xbf: {  	[dreg:$0x1] =	wrdreg $0xFFFFFFFF  }
0xc0: {  	_ =	task.clear_ibuf [dreg:s6], $0x2FFFF;
	_ =	strace $0x9FFFFFFF  }
0xc1: {  	(tm) =	ssettm $0x7FFFFFFF  }
tec
execute0_lowered:
.L_overlay_start_1:
0x0: {  	(tag) =	ssettag $0x1  }
0x1: {  	s4 =	rddreg [dreg:$0x0]  }
0x2: {  	s0 =	rddreg [dreg:$0x1];
	s2 =	simm.s32 $0x0;
	s1 =	stileid.u32  }
0x3: {  	s3 =	srdreg.scid;
	s10 =	simm.s32 $0x0;
	s6 =	smul.u32 $0x9C40, s1  }
0x4: {  	[smem:$0x7FF] =	sst s2;
	s5 =	sand.u32 $0x1, s3;
	s8 =	smul.u32 $0x9C400, s1  }
0x5: {  	s3 =	sadd.s32 $0xE400, s4;
	s7 =	smul.u32 $0x4E20, s5;
	s9 =	ssub.s32 $0x2, s5  }
0x6: {  	_ =	strace $0x80000050;
	s5 =	smul.u32 $0x4E200, s5;
	s31 =	sshrl.u32 s9, $0x1  }
0x7: {  	s8 =	sadd.s32 s8, s4;
	s6 =	sadd.s32 s7, s6;
	s7 =	ssub.s32 s9, s31  }
0x8: {  	s5 =	sadd.s32 s5, s8;
	s8 =	simm.s32 $0x320;
	s6 =	sshrl.u32 s6, $0x3  }
0x9: {  	s9 =	simm.s32 $0x1;
	s5 =	sadd.s32 $0x6EE00, s5;
	s6 =	sadd.s32 s6, s4  }
0xa: {  	s4 =	smax.u32 s7, $0x1;
	s7 =	simm.s32 $0x2;
	s6 =	sadd.s32 $0x44A00, s6  }
.LBB2_1:
0xb: {  	s11 =	sadd.s32 $0x0, s6  }
0xc: {  	[tilespmem:s2], [sflag:$0x2] =	stream.linear.gather [hbm4b:s11+s2], $0x320, $0x38;
	[tilespmem:$0x19320] =	vst v63  }
0xd: {  	_ =	swait.ge [sflag:s7], $0x320  }
0xe: {  	[sflag:s7] =	ssyncset.done $0x0  }
0xf: {  	[sflag:s7] =	ssyncadd.s32 $0xFFFFFCE0  }
0x10: {  	[tilespmem:s8], [sflag:$0x1] =	stream.indirect.gather [hbm4b:s3+s8], $0x80, s2, s8, $0xb8;
	[tilespmem:$0x19320] =	vst v63  }
0x11: {  	_ =	swait.ge [sflag:s9], $0x19000  }
0x12: {  	[sflag:s9] =	ssyncset.done $0x0  }
0x13: {  	[sflag:s9] =	ssyncadd.s32 $0xFFFE7000  }
0x14: {  	[hbm4b:s5+s2] =	stream.linear.scatter [tilespmem:s8], [sflag:$0x2], $0x19000, $0x38;
	[tilespmem:$0x19320] =	vst v63  }
0x15: {  	s12 =	simm.s32 $0x64;
	_ =	swait.ge [sflag:s7], $0x19000  }
0x16: {  	s13 =	simm.s32 $0xC8;
	s11 =	sadd.s32 $0x3200, s5;
	[sflag:s7] =	ssyncset.done $0x0  }
.LBB2_2:
0x17: {  	s14 =	sadd.s32 s12, s6  }
0x18: {  	[sflag:s7] =	ssyncadd.s32 $0xFFFE7000;
	s12 =	smov.u32 s13;
	s15 =	sadd.s32 $0x64, s13  }
0x19: {  	[tilespmem:s2], [sflag:$0x2] =	stream.linear.gather [hbm4b:s14+s2], $0x320, $0x38;
	[tilespmem:$0x19320] =	vst v63  }
0x1a: {  	p0 =	sne.s32 s13, $0x960;
	_ =	swait.ge [sflag:s7], $0x320  }
0x1b: {  	[sflag:s7] =	ssyncset.done $0x0  }
0x1c: {  	[sflag:s7] =	ssyncadd.s32 $0xFFFFFCE0  }
0x1d: {  	[tilespmem:s8], [sflag:$0x1] =	stream.indirect.gather [hbm4b:s3+s8], $0x80, s2, s8, $0xb8;
	[tilespmem:$0x19320] =	vst v63  }
0x1e: {  	_ =	swait.ge [sflag:s9], $0x19000  }
.Ltmp0:
0x1f: {  	[sflag:s9] =	ssyncset.done $0x0;
	(pc) =	sbr.rel @p0 .LBB2_2-.Ltmp0, $4  }
0x20: {  	[sflag:s9] =	ssyncadd.s32 $0xFFFE7000  }
0x21: {  	[hbm4b:s11+s2] =	stream.linear.scatter [tilespmem:s8], [sflag:$0x2], $0x19000, $0x38;
	[tilespmem:$0x19320] =	vst v63  }
0x22: {  	_ =	swait.ge [sflag:s7], $0x19000  }
0x23: {  	s13 =	smov.u32 s15;
	s11 =	sadd.s32 $0x3200, s11;
	[sflag:s7] =	ssyncset.done $0x0  }
0x24: {  	s12 =	sadd.s32 s12, s6;
	[sflag:s7] =	ssyncadd.s32 $0xFFFE7000  }
0x25: {  	[tilespmem:s2], [sflag:$0x2] =	stream.linear.gather [hbm4b:s12+s2], $0x320, $0x38;
	[tilespmem:$0x19320] =	vst v63  }
0x26: {  	_ =	swait.ge [sflag:s7], $0x320  }
0x27: {  	[sflag:s7] =	ssyncset.done $0x0  }
0x28: {  	[sflag:s7] =	ssyncadd.s32 $0xFFFFFCE0  }
0x29: {  	[tilespmem:s8], [sflag:$0x1] =	stream.indirect.gather [hbm4b:s3+s8], $0x80, s2, s8, $0xb8;
	[tilespmem:$0x19320] =	vst v63  }
0x2a: {  	s10 =	sadd.s32 $0x1, s10;
	_ =	swait.ge [sflag:s9], $0x19000  }
0x2b: {  	p0 =	sne.s32 s10, s4;
	[sflag:s9] =	ssyncset.done $0x0  }
.Ltmp1:
0x2c: {  	[sflag:s9] =	ssyncadd.s32 $0xFFFE7000;
	(pc) =	sbr.rel @p0 .LBB2_1-.Ltmp1, $4  }
0x2d: {  	[hbm4b:s11+s2] =	stream.linear.scatter [tilespmem:s8], [sflag:$0x2], $0x19000, $0x38;
	[tilespmem:$0x19320] =	vst v63  }
0x2e: {  	_ =	swait.ge [sflag:s7], $0x19000  }
0x2f: {  	[sflag:s7] =	ssyncset.done $0x0  }
0x30: {  	[sflag:s7] =	ssyncadd.s32 $0xFFFE7000  }
0x31: {  	_ =	sfence.sel $0x180000  }
0x32: {  	[bflag:$0x0] =	sbarrier.arrive $0xFFFF  }
0x33: {  	p0 =	sne.s32 s1, $0x0;
	_ =	strace $0x90000050  }
0x34: {  	s0 =	sadd.s32 @!p0 $0x100000, s0;
	[bflag:$0x2] =	sbarrier.arrive $0xFFFF  }
0x35: {  	[sflag:s0] =	ssyncadd.tile.s32 @!p0 $0x1;
	_ =	shalt  }
.Lfunc_end2:
_tile_overlayer_lowered:
.L_overlay_start_2:
0x36: {  	(tag) =	ssettag $0x2  }
0x37: {  	s0 =	rddreg [dreg:$0x0];
	s2 =	stileid.u32  }
0x38: {  	s1 =	rddreg [dreg:$0x1];
	p0 =	sne.s32 s2, $0x0  }
0x39: {  	s3 =	rddreg [dreg:$0x2];
	[bflag:$0x3] =	sbarrier.arrive $0xFFFF;
	s2 =	simm.s32 @!p0 $0x1C02  }
0x3a: {  	[timem:s3], [sflag:s2] =	dma.local @!p0 [hbm:s0], s1  }
0x3b: {  	s0 =	simm.s32 @!p0 $0x2  }
0x3c: {  	_ =	swait.ge @!p0 [sflag:s0], s1  }
0x3d: {  	s1 =	ssub.s32 @!p0 $0x0, s1;
	[sflag:s0] =	ssyncset.done @!p0 $0x0  }
0x3e: {  	[sflag:s0] =	ssyncadd.s32 @!p0 s1  }
0x3f: {  	[bflag:$0x3] =	sbarrier.arrive $0xFFFF  }
0x40: {  	_ =	shalt  }

// kernel: kernel.30.cloned.1.call-start
scs
__scs_entry_jumppad:
0x0: {  	(pc) =	sbr.rel $0x88, $3  }
0x1: {  	(tag) =	ssettag $0x0;
	lr =	simm.s32 $0x1  }
0x2: {  	[smem:$0x3F8A] =	sst lr;
	_ =	strace $0xD0000000  }
0x3: {  	_ = 	snop  }
0x4: {  	_ = 	snop  }
0x5: {  	_ = 	snop  }
0x6: {  	_ = 	snop  }
0x7: {  	_ = 	snop  }
__scs_overlays_trampoline_lowered:
0x8: {  	[smem:$0x3F99] =	sst s0  }
0x9: {  	[smem:$0x3F9A] =	sst s1  }
0xa: {  	[smem:$0x3F9B] =	sst s2  }
0xb: {  	[smem:$0x3F9C] =	sst s3  }
0xc: {  	[smem:$0x3F9D] =	sst s4  }
0xd: {  	[smem:$0x3F9E] =	sst s5  }
0xe: {  	[smem:$0x3F9F] =	sst s6  }
0xf: {  	[smem:$0x3FA0] =	sst s7  }
0x10: {  	[smem:$0x3FA1] =	sst s8  }
0x11: {  	[smem:$0x3FA2] =	sst s9;
	s0 =	simm.s32 @!p0 $0x0  }
0x12: {  	s1 =	sld [smem:$0x3F88];
	s0 =	simm.s32 @p0 $0x1  }
0x13: {  	[smem:$0x3FA3] =	sst s0;
	s0 =	simm.s32 @!p1 $0x0  }
0x14: {  	s2 =	sld [smem:$0x3F87];
	s0 =	simm.s32 @p1 $0x1  }
0x15: {  	[smem:$0x3FA4] =	sst s0;
	s0 =	simm.s32 @!p2 $0x0  }
0x16: {  	s3 =	sld [smem:$0x3FDB];
	s0 =	simm.s32 @p2 $0x1  }
0x17: {  	s4 =	simm.s32 $0x1BF5;
	[smem:$0x3FA6] =	sst s0  }
0x18: {  	s0 =	sld [smem:$0x3F89];
	_ =	swait.ge [sflag:s4], $0x0  }
0x19: {  	s7 =	sld [smem:$0x3F8A]  }
0x1a: {  	s8 =	sadd.s32 $0xFFFFE003, lr  }
0x1b: {  	s9 =	sadd.s32 $0xFFFFFEF7, lr;
	s5 =	simm.s32 $0xFFFFFFFF;
	p2 =	slt.u32 s8, $0xFFFFF086  }
0x1c: {  	p1 =	slt.u32 s9, $0xF7A;
	s5 =	simm.s32 @!p2 $0x0  }
0x1d: {  	s5 =	simm.s32 @p1 $0x1;
	p0 =	seq.s32 s7, s2  }
0x1e: {  	s7 =	smul.u32 @!p0 $0xF7A, s2;
	p2 =	seq.s32 @!p0 s5, $0x0  }
0x1f: {  	s9 =	smul.u32 $0xF7A, s1;
	s8 =	simm.s32 @!p0 $0x1BF5;
	p2 =	por !p2, p0  }
0x20: {  	[sflag:s8] =	ssyncset.s32 @!p0 $0xFFFFF086;
	s6 =	sadd.s32 @!p0 s3, s7;
	s7 =	simm.s32 @!p0 $0x108  }
0x21: {  	s3 =	sadd.s32 s3, s9;
	s6 =	sadd.s32 @!p0 $0x88, s6;
	s7 =	simm.s32 @p2 $0x1082  }
0x22: {  	[simem:s7], [sflag:s8] =	dma.local @!p0 [hbm:s6], $0xF7A  }
0x23: {  	s9 =	sor.u32 $0xD0000000, s2;
	s6 =	simm.s32 $0x108;
	_ =	swait.ge @!p0 [sflag:s8], $0x0  }
0x24: {  	s3 =	sadd.s32 $0x88, s3;
	s6 =	simm.s32 @!p1 $0x1082;
	[sflag:s4] =	ssyncset.s32 $0xFFFFF086  }
0x25: {  	[simem:s6], [sflag:s4] =	dma.local [hbm:s3], $0xF7A  }
0x26: {  	[smem:$0x3F8A] =	sst s1;
	(tag) =	ssettag s2;
	_ =	strace s9  }
0x27: {  	s1 =	sld [smem:$0x3F9A]  }
0x28: {  	s2 =	sld [smem:$0x3F9B]  }
0x29: {  	s4 =	sld [smem:$0x3F9D]  }
0x2a: {  	p0 =	seq.s32 s5, $0x0;
	s5 =	sld [smem:$0x3F9E]  }
0x2b: {  	s6 =	sld [smem:$0x3F9F]  }
0x2c: {  	s7 =	sld [smem:$0x3FA0]  }
0x2d: {  	s3 =	simm.s32 $0x108;
	s8 =	sld [smem:$0x3FA1]  }
0x2e: {  	s3 =	simm.s32 @!p0 $0x1082;
	s9 =	sld [smem:$0x3FA2]  }
0x2f: {  	lr =	sadd.s32 s0, s3;
	s0 =	sld [smem:$0x3F99]  }
0x30: {  	s3 =	sld [smem:$0x3F9C]  }
0x31: {  	[smem:$0x3FA5] =	sst s10  }
0x32: {  	s10 =	sld [smem:$0x3FA3];
	_ =	sdelay $0x3  }
0x33: {  	p0 =	seq.s32 s10, $0x1;
	s10 =	sld [smem:$0x3FA5];
	_ =	sdelay $0x3  }
0x34: {  	[smem:$0x3FA5] =	sst s10  }
0x35: {  	s10 =	sld [smem:$0x3FA4];
	_ =	sdelay $0x3  }
0x36: {  	p1 =	seq.s32 s10, $0x1;
	s10 =	sld [smem:$0x3FA5];
	_ =	sdelay $0x3  }
0x37: {  	[smem:$0x3FA5] =	sst s10  }
0x38: {  	s10 =	sld [smem:$0x3FA6]  }
0x39: {  	_ = 	snop;
	(pc) =	sbr.ind lr, $3  }
0x3a: {  	_ = 	snop  }
0x3b: {  	_ = 	snop  }
0x3c: {  	p2 =	seq.s32 s10, $0x1;
	s10 =	sld [smem:$0x3FA5]  }
0x3d: {  	_ =	shalt  }
0x3e: {  	_ =	shalt  }
0x3f: {  	_ =	shalt  }
0x40: {  	_ =	shalt  }
0x41: {  	_ =	shalt  }
0x42: {  	_ =	shalt  }
0x43: {  	_ =	shalt  }
0x44: {  	_ =	shalt  }
0x45: {  	_ =	shalt  }
0x46: {  	_ =	shalt  }
0x47: {  	_ =	shalt  }
0x48: {  	_ =	shalt  }
0x49: {  	_ =	shalt  }
0x4a: {  	_ =	shalt  }
0x4b: {  	_ =	shalt  }
0x4c: {  	_ =	shalt  }
0x4d: {  	_ =	shalt  }
0x4e: {  	_ =	shalt  }
0x4f: {  	_ =	shalt  }
0x50: {  	_ =	shalt  }
0x51: {  	_ =	shalt  }
0x52: {  	_ =	shalt  }
0x53: {  	_ =	shalt  }
0x54: {  	_ =	shalt  }
0x55: {  	_ =	shalt  }
0x56: {  	_ =	shalt  }
0x57: {  	_ =	shalt  }
0x58: {  	_ =	shalt  }
0x59: {  	_ =	shalt  }
0x5a: {  	_ =	shalt  }
0x5b: {  	_ =	shalt  }
0x5c: {  	_ =	shalt  }
0x5d: {  	_ =	shalt  }
0x5e: {  	_ =	shalt  }
0x5f: {  	_ =	shalt  }
0x60: {  	_ =	shalt  }
0x61: {  	_ =	shalt  }
0x62: {  	_ =	shalt  }
0x63: {  	_ =	shalt  }
0x64: {  	_ =	shalt  }
0x65: {  	_ =	shalt  }
0x66: {  	_ =	shalt  }
0x67: {  	_ =	shalt  }
0x68: {  	_ =	shalt  }
0x69: {  	_ =	shalt  }
0x6a: {  	_ =	shalt  }
0x6b: {  	_ =	shalt  }
0x6c: {  	_ =	shalt  }
0x6d: {  	_ =	shalt  }
0x6e: {  	_ =	shalt  }
0x6f: {  	_ =	shalt  }
0x70: {  	_ =	shalt  }
0x71: {  	_ =	shalt  }
0x72: {  	_ =	shalt  }
0x73: {  	_ =	shalt  }
0x74: {  	_ =	shalt  }
0x75: {  	_ =	shalt  }
0x76: {  	_ =	shalt  }
0x77: {  	_ =	shalt  }
0x78: {  	_ =	shalt  }
0x79: {  	_ =	shalt  }
0x7a: {  	_ =	shalt  }
0x7b: {  	_ =	shalt  }
0x7c: {  	_ =	shalt  }
0x7d: {  	_ =	shalt  }
0x7e: {  	_ =	shalt  }
0x7f: {  	_ =	shalt  }
0x80: {  	_ =	shalt  }
0x81: {  	_ =	shalt  }
0x82: {  	_ =	shalt  }
0x83: {  	_ =	shalt  }
0x84: {  	_ =	shalt  }
0x85: {  	_ =	shalt  }
0x86: {  	_ =	shalt  }
0x87: {  	_ =	shalt  }
.Lfunc_end0:
.L_simem_size_0:
called_computation.4_lowered:
.L_overlay_start_0:
0x88: {  	s2 =	sld [smem:$0x3FD9]  }
0x89: {  	s3 =	sld [smem:$0x3FFE];
	_ =	sdelay $0x1  }
0x8a: {  	s1 =	srdreg.scid  }
0x8b: {  	s0 =	sand.u32 $0x1, s1  }
0x8c: {  	s16 =	sshll.u32 s0, $0xA;
	s2 =	sadd.s32 s3, s2  }
0x8d: {  	s2 =	sadd.s32 s2, s16  }
0x8e: {  	[smem:$0x3FB1] =	sst s2  }
0x8f: {  	_ = 	snop  }
0x90: {  	(tm) =	ssettm $0x1  }
0x91: {  	s17 =	sld [smem:$0x3FFB];
	_ =	sdelay $0x3  }
0x92: {  	_ =	strace s17  }
0x93: {  	s2 =	sld [smem:$0x3FFC];
	_ =	sdelay $0x3  }
0x94: {  	_ =	strace s2  }
0x95: {  	s2 =	sld [smem:$0x3FFD];
	_ =	sdelay $0x3  }
0x96: {  	_ =	strace s2  }
0x97: {  	_ =	strace $0x8FFFFFFF  }
0x98: {  	s18 =	sld [smem:$0x3FDB];
	_ =	sdelay $0x1  }
0x99: {  	s19 =	simm.s32 $_scs_section_size  }
0x9a: {  	s4 =	simm.s32 $_size__tile_overlayer_lowered;
	s5 =	simm.s32 $_tile_overlayer_lowered  }
0x9b: {  	s22 =	simm.s32 $0x1BFF;
	s21 =	sshll.u32 s5, $0x1;
	s2 =	sadd.s32 s19, s18  }
0x9c: {  	s6 =	simm.s32 $0x0;
	s20 =	sshll.u32 s4, $0x1;
	s4 =	sadd.s32 s21, s2  }
0x9d: {  	[timem:s6], [sflag:s22] =	dma.local [hbm:s4], s20  }
0x9e: {  	_ =	swait.ge [sflag:s22], s20  }
0x9f: {  	s3 =	ssub.s32 $0x0, s20;
	[sflag:s22] =	ssyncset.done $0x0  }
0xa0: {  	[sflag:s22] =	ssyncadd.s32 s3;
	_ =	sdelay $0x1  }
0xa1: {  	s23 =	simm.s32 $0x1B8B  }
0xa2: {  	_ =	swait.ge [sflag:s23], $0x1  }
0xa3: {  	[sflag:s23] =	ssyncset.done $0x0  }
0xa4: {  	s25 =	simm.s32 $0x1B8E;
	s24 =	sld [smem:$0x3FFE];
	[sflag:s23] =	ssyncadd.s32 $0xFFFFFFFF  }
0xa5: {  	s26 =	simm.s32 $execute0_lowered;
	[smem:$0x3FD2] =	sst s25  }
0xa6: {  	s4 =	sshll.u32 s26, $0x1;
	_ =	strace $0x80000052;
	[dreg:$0x1] =	wrdreg $0xFFFFFFFF  }
0xa7: {  	s28 =	simm.s32 $_size_execute0_lowered;
	s2 =	sadd.s32 s2, s4;
	[dreg:$0x0] =	wrdreg $0x0  }
0xa8: {  	s4 =	sshll.u32 s28, $0x1;
	[dreg:$0x2] =	wrdreg s2  }
0xa9: {  	[dreg:$0x3] =	wrdreg s4  }
0xaa: {  	[dreg:$0x4] =	wrdreg $0xC0  }
0xab: {  	_ =	task [dreg:s6], $0x5FFFF  }
0xac: {  	[dreg:$0x1] =	wrdreg $0xFFFFFFFF  }
0xad: {  	[dreg:$0x0] =	wrdreg $0x60  }
0xae: {  	[dreg:$0x2] =	wrdreg s24  }
0xaf: {  	[dreg:$0x3] =	wrdreg $0x113000  }
0xb0: {  	[dreg:$0x4] =	wrdreg $0x9  }
0xb1: {  	_ =	task.clear_ibuf [dreg:s6], $0x5FFFF;
	_ =	strace $0x90000052  }
0xb2: {  	s29 =	simm.s32 $0x9;
	_ =	strace $0x80000054  }
0xb3: {  	_ =	swait.ge [sflag:s29], $0x1  }
0xb4: {  	[sflag:s29] =	ssyncadd.s32 $0xFFFFFFFF  }
0xb5: {  	_ =	strace $0x90000054  }
0xb6: {  	_ =	sfence  }
0xb7: {  	s30 =	sld [smem:$0x0];
	_ =	sdelay $0x2  }
0xb8: {  	s31 =	sshll.u32 s1, $0xD;
	s1 =	sshrl.u32 s1, $0x2  }
0xb9: {  	s3 =	sand.u32 $0x4000, s31;
	s1 =	sadd.s32 s1, s30  }
0xba: {  	s0 =	sor.u32 s3, s0;
	s1 =	sshll.u32 s1, $0x11  }
0xbb: {  	s0 =	sor.u32 s1, s0  }
0xbc: {  	s0 =	sadd.s32 $0x8F2B, s0  }
0xbd: {  	[sflag:s0] =	ssyncadd.remote.s32 $0x1  }
0xbe: {  	_ =	sfence.sel $0xFFFF  }
0xbf: {  	[dreg:$0x0] =	wrdreg $0xFFFFFFFF;
	(pc) =	sbr.abs _section_cstart, $3  }
0xc0: {  	[dreg:$0x1] =	wrdreg $0xFFFFFFFF  }
0xc1: {  	_ =	task.clear_ibuf [dreg:s6], $0x2FFFF;
	_ =	strace $0x9FFFFFFF  }
0xc2: {  	(tm) =	ssettm $0x7FFFFFFF  }
0xc3: {  	_ =	shalt  }
tec
execute0_lowered:
.L_overlay_start_1:
0x0: {  	(tag) =	ssettag $0x1  }
0x1: {  	s0 =	stileid.u32;
	s6 =	rddreg [dreg:$0x0]  }
0x2: {  	s1 =	srdreg.scid;
	s2 =	rddreg [dreg:$0x1];
	s3 =	simm.s32 $0x0  }
0x3: {  	s13 =	simm.s32 $0x3;
	s14 =	simm.s32 $0xA280;
	s4 =	smul.u32 $0xAFC80, s0  }
0x4: {  	s15 =	simm.s32 $0xDAC0;
	s16 =	simm.s32 $0x1;
	s8 =	smul.u32 $0xA280, s0  }
0x5: {  	s17 =	simm.s32 $0x64;
	s18 =	simm.s32 $0x2;
	s9 =	smul.u32 $0xB490, s0  }
0x6: {  	s19 =	simm.s32 $0xA1B0;
	s20 =	simm.s32 $0xA218;
	s10 =	smul.u32 $0x1680, s0  }
0x7: {  	s5 =	sand.u32 $0x1, s1;
	s1 =	rddreg [dreg:$0x2];
	s31 =	smul.u32 $0x2D000, s0  }
0x8: {  	s22 =	simm.s32 $0x0;
	[smem:$0x7FF] =	sst s3;
	s7 =	smul.u32 $0xA2800, s5  }
0x9: {  	s30 =	sshll.u32 s0, $0x6;
	s25 =	smul.u32 $0x16800, s5;
	_ =	strace $0x80000053  }
0xa: {  	s26 =	ssub.s32 $0x2, s5;
	s11 =	sadd.s32 s4, s6;
	s28 =	sshrl.u32 s9, $0x3  }
0xb: {  	s29 =	sshrl.u32 s26, $0x1;
	s12 =	sadd.s32 s9, s2;
	s9 =	sshrl.u32 s31, $0x2  }
0xc: {  	s7 =	sadd.s32 s8, s7;
	s8 =	sadd.s32 s10, s25;
	s5 =	sadd.s32 s28, s6  }
0xd: {  	s10 =	ssub.s32 s26, s29;
	s21 =	sadd.s32 s9, s2;
	s12 =	sshrl.u32 s12, $0x3  }
0xe: {  	s7 =	sshrl.u32 s7, $0x3;
	s8 =	sadd.s32 s8, s6;
	s4 =	sadd.s32 $0x58400, s5  }
0xf: {  	s5 =	sor.u32 $0x1C03, s30;
	s9 =	smax.u32 s10, $0x1;
	s7 =	sadd.s32 s7, s6  }
0x10: {  	s10 =	sadd.s32 $0x3C1B578, s11;
	s21 =	sshrl.u32 s21, $0x3;
	s6 =	sadd.s32 $0x1433600, s7  }
0x11: {  	s8 =	sadd.s32 $0x6EE00, s8;
	s7 =	sadd.s32 $0x3B6C000, s11;
	s11 =	sadd.s32 $0x3B6CE10, s11  }
.LBB2_1:
0x12: {  	[spmem:s12], [sflag:s5] =	dma.local [hbm:s4], $0x1692  }
0x13: {  	_ =	swait.ge [sflag:s13], $0x1692  }
0x14: {  	[sflag:s13] =	ssyncset.done $0x0  }
0x15: {  	[sflag:s13] =	ssyncadd.s32 $0xFFFFE96E  }
0x16: {  	[bflag:$0x0] =	sbarrier.arrive $0xFFFF  }
0x17: {  	[tilespmem:s3], [sflag:$0x3] =	stream.linear.gather [hbm4b:s6+s3], $0xA280, $0x38;
	[tilespmem:$0x1C790] =	vst v63  }
0x18: {  	_ =	swait.ge [sflag:s13], $0xA280  }
0x19: {  	[sflag:s13] =	ssyncset.done $0x0  }
0x1a: {  	[sflag:s13] =	ssyncadd.s32 $0xFFFF5D80  }
0x1b: {  	[tilespmem:s14], [sflag:$0x1] =	stream.linear.gather [hbm4b:s7+s3], $0x3840, $0x38;
	[tilespmem:$0x1C790] =	vst v63  }
0x1c: {  	s23 =	sadd.s32 $0xFFFFF8F8, s11  }
0x1d: {  	[tilespmem:s15], [sflag:$0x2] =	stream.linear.gather [hbm4b:s23+s3], $0x3840, $0x38;
	[tilespmem:$0x1C790] =	vst v63  }
0x1e: {  	_ =	swait.ge [sflag:s16], $0x3840  }
0x1f: {  	[sflag:s16] =	ssyncset.done $0x0  }
0x20: {  	s30 =	simm.s32 $0x0;
	[sflag:s16] =	ssyncadd.s32 $0xFFFFC7C0  }
0x21: {  	[spmem:s2] =	stream.indirect.scatter.add.f32 [tilespmem:s14], [sflag:$0x3], $0x90, s30, s17, $0xb8;
	[tilespmem:$0x1C790] =	vst v63  }
0x22: {  	_ =	swait.ge [sflag:s13], $0x3840  }
0x23: {  	[sflag:s13] =	ssyncset.done $0x0  }
0x24: {  	[sflag:s13] =	ssyncadd.s32 $0xFFFFC7C0  }
0x25: {  	[tilespmem:s14], [sflag:$0x1] =	stream.linear.gather [hbm4b:s11+s3], $0x3840, $0x38;
	[tilespmem:$0x1C790] =	vst v63  }
0x26: {  	_ =	swait.ge [sflag:s18], $0x3840  }
0x27: {  	[sflag:s18] =	ssyncset.done $0x0  }
0x28: {  	s31 =	simm.s32 $0x68;
	[sflag:s18] =	ssyncadd.s32 $0xFFFFC7C0  }
0x29: {  	[spmem:s2] =	stream.indirect.scatter.add.f32 [tilespmem:s15], [sflag:$0x3], $0x90, s31, s17, $0xb8;
	[tilespmem:$0x1C790] =	vst v63  }
0x2a: {  	s24 =	simm.s32 $0x340;
	_ =	swait.ge [sflag:s13], $0x3840  }
0x2b: {  	s25 =	simm.s32 $0x680;
	s23 =	sadd.s32 $0xE10, s11;
	[sflag:s13] =	ssyncset.done $0x0  }
.LBB2_2:
0x2c: {  	p0 =	sne.s32 s25, $0x28380;
	s26 =	sadd.s32 $0xFFFFF8F8, s23;
	[sflag:s13] =	ssyncadd.s32 $0xFFFFC7C0  }
0x2d: {  	[tilespmem:s15], [sflag:$0x2] =	stream.linear.gather [hbm4b:s26+s3], $0x3840, $0x38;
	[tilespmem:$0x1C790] =	vst v63  }
0x2e: {  	s26 =	smov.u32 s25;
	s25 =	sadd.s32 $0x340, s25;
	_ =	swait.ge [sflag:s16], $0x3840  }
0x2f: {  	[sflag:s16] =	ssyncset.done $0x0  }
0x30: {  	s28 =	sshra.s32 s24, $0x2;
	s24 =	smov.u32 s26;
	[sflag:s16] =	ssyncadd.s32 $0xFFFFC7C0  }
0x31: {  	[spmem:s2] =	stream.indirect.scatter.add.f32 [tilespmem:s14], [sflag:$0x3], $0x90, s28, s17, $0xb8;
	[tilespmem:$0x1C790] =	vst v63  }
0x32: {  	_ =	swait.ge [sflag:s13], $0x3840  }
0x33: {  	[sflag:s13] =	ssyncset.done $0x0  }
0x34: {  	[sflag:s13] =	ssyncadd.s32 $0xFFFFC7C0  }
0x35: {  	[tilespmem:s14], [sflag:$0x1] =	stream.linear.gather [hbm4b:s23+s3], $0x3840, $0x38;
	[tilespmem:$0x1C790] =	vst v63  }
0x36: {  	_ =	swait.ge [sflag:s18], $0x3840  }
.Ltmp0:
0x37: {  	[sflag:s18] =	ssyncset.done $0x0;
	(pc) =	sbr.rel @p0 .LBB2_2-.Ltmp0, $4  }
0x38: {  	s26 =	sadd.s32 $0x68, s28;
	[sflag:s18] =	ssyncadd.s32 $0xFFFFC7C0  }
0x39: {  	[spmem:s2] =	stream.indirect.scatter.add.f32 [tilespmem:s15], [sflag:$0x3], $0x90, s26, s17, $0xb8;
	[tilespmem:$0x1C790] =	vst v63  }
0x3a: {  	_ =	swait.ge [sflag:s13], $0x3840  }
0x3b: {  	s23 =	sadd.s32 $0xE10, s23;
	[sflag:s13] =	ssyncset.done $0x0  }
0x3c: {  	s25 =	sadd.s32 $0xFFFFF8F8, s23;
	[sflag:s13] =	ssyncadd.s32 $0xFFFFC7C0  }
0x3d: {  	[tilespmem:s15], [sflag:$0x2] =	stream.linear.gather [hbm4b:s25+s3], $0x3840, $0x38;
	[tilespmem:$0x1C790] =	vst v63  }
0x3e: {  	_ =	swait.ge [sflag:s16], $0x3840  }
0x3f: {  	[sflag:s16] =	ssyncset.done $0x0  }
0x40: {  	s24 =	sshra.s32 s24, $0x2;
	[sflag:s16] =	ssyncadd.s32 $0xFFFFC7C0  }
0x41: {  	[spmem:s2] =	stream.indirect.scatter.add.f32 [tilespmem:s14], [sflag:$0x3], $0x90, s24, s17, $0xb8;
	[tilespmem:$0x1C790] =	vst v63  }
0x42: {  	_ =	swait.ge [sflag:s13], $0x3840  }
0x43: {  	[sflag:s13] =	ssyncset.done $0x0  }
0x44: {  	[sflag:s13] =	ssyncadd.s32 $0xFFFFC7C0  }
0x45: {  	[tilespmem:s14], [sflag:$0x1] =	stream.linear.gather [hbm4b:s23+s3], $0x3840, $0x38;
	[tilespmem:$0x1C790] =	vst v63  }
0x46: {  	_ =	swait.ge [sflag:s18], $0x3840  }
0x47: {  	[sflag:s18] =	ssyncset.done $0x0  }
0x48: {  	s31 =	sadd.s32 $0x68, s24;
	[sflag:s18] =	ssyncadd.s32 $0xFFFFC7C0  }
0x49: {  	[spmem:s2] =	stream.indirect.scatter.add.f32 [tilespmem:s15], [sflag:$0x3], $0x90, s31, s17, $0xb8;
	[tilespmem:$0x1C790] =	vst v63  }
0x4a: {  	_ =	swait.ge [sflag:s13], $0x3840  }
0x4b: {  	[sflag:s13] =	ssyncset.done $0x0  }
0x4c: {  	[sflag:s13] =	ssyncadd.s32 $0xFFFFC7C0  }
0x4d: {  	[tilespmem:s15], [sflag:$0x2] =	stream.linear.gather [hbm4b:s10+s3], $0x3840, $0x38;
	[tilespmem:$0x1C790] =	vst v63  }
0x4e: {  	_ =	swait.ge [sflag:s16], $0x3840  }
0x4f: {  	[sflag:s16] =	ssyncset.done $0x0  }
0x50: {  	[sflag:s16] =	ssyncadd.s32 $0xFFFFC7C0  }
0x51: {  	[spmem:s2] =	stream.indirect.scatter.add.f32 [tilespmem:s14], [sflag:$0x3], $0x90, s19, s17, $0xb8;
	[tilespmem:$0x1C790] =	vst v63  }
0x52: {  	_ =	swait.ge [sflag:s13], $0x3840  }
0x53: {  	[sflag:s13] =	ssyncset.done $0x0  }
0x54: {  	[sflag:s13] =	ssyncadd.s32 $0xFFFFC7C0  }
0x55: {  	[tilespmem:s14], [sflag:$0x1] =	stream.linear.gather [hbm4b:s10+s3], $0x3840, $0x38;
	[tilespmem:$0x1C790] =	vst v63  }
0x56: {  	_ =	swait.ge [sflag:s18], $0x3840  }
0x57: {  	[sflag:s18] =	ssyncset.done $0x0  }
0x58: {  	[sflag:s18] =	ssyncadd.s32 $0xFFFFC7C0  }
0x59: {  	[spmem:s2] =	stream.indirect.scatter.add.f32 [tilespmem:s15], [sflag:$0x3], $0x90, s20, s17, $0xb8;
	[tilespmem:$0x1C790] =	vst v63  }
0x5a: {  	_ =	swait.ge [sflag:s13], $0x3840  }
0x5b: {  	[sflag:s13] =	ssyncset.done $0x0  }
0x5c: {  	[sflag:s13] =	ssyncadd.s32 $0xFFFFC7C0  }
0x5d: {  	_ =	swait.ge [sflag:s16], $0x3840  }
0x5e: {  	s22 =	sadd.s32 $0x1, s22;
	[sflag:s16] =	ssyncset.done $0x0  }
0x5f: {  	p0 =	sne.s32 s22, s9;
	[sflag:s16] =	ssyncadd.s32 $0xFFFFC7C0  }
.Ltmp1:
0x60: {  	[bflag:$0x0] =	sbarrier.arrive $0xFFFF;
	(pc) =	sbr.rel @p0 .LBB2_1-.Ltmp1, $4  }
0x61: {  	[hbm:s8], [sflag:s5] =	dma.local [spmem:s21], $0x1680  }
0x62: {  	_ =	swait.ge [sflag:s13], $0x1680  }
0x63: {  	[sflag:s13] =	ssyncset.done $0x0  }
0x64: {  	[sflag:s13] =	ssyncadd.s32 $0xFFFFE980  }
0x65: {  	_ =	sfence.sel $0x180000  }
0x66: {  	[bflag:$0x0] =	sbarrier.arrive $0xFFFF  }
0x67: {  	p0 =	sne.s32 s0, $0x0;
	_ =	strace $0x90000053  }
0x68: {  	s0 =	sadd.s32 @!p0 $0x100000, s1;
	[bflag:$0x2] =	sbarrier.arrive $0xFFFF  }
0x69: {  	[sflag:s0] =	ssyncadd.tile.s32 @!p0 $0x1;
	_ =	shalt  }
.Lfunc_end2:
_tile_overlayer_lowered:
.L_overlay_start_2:
0x6a: {  	(tag) =	ssettag $0x2  }
0x6b: {  	s0 =	rddreg [dreg:$0x0];
	s2 =	stileid.u32  }
0x6c: {  	s1 =	rddreg [dreg:$0x1];
	p0 =	sne.s32 s2, $0x0  }
0x6d: {  	s3 =	rddreg [dreg:$0x2];
	[bflag:$0x3] =	sbarrier.arrive $0xFFFF;
	s2 =	simm.s32 @!p0 $0x1C03  }
0x6e: {  	[timem:s3], [sflag:s2] =	dma.local @!p0 [hbm:s0], s1  }
0x6f: {  	s0 =	simm.s32 @!p0 $0x3  }
0x70: {  	_ =	swait.ge @!p0 [sflag:s0], s1  }
0x71: {  	s1 =	ssub.s32 @!p0 $0x0, s1;
	[sflag:s0] =	ssyncset.done @!p0 $0x0  }
0x72: {  	[sflag:s0] =	ssyncadd.s32 @!p0 s1  }
0x73: {  	[bflag:$0x3] =	sbarrier.arrive $0xFFFF  }
0x74: {  	_ =	shalt  }

// kernel: kernel.33.cloned.1.call-start
scs
__scs_entry_jumppad:
0x0: {  	(pc) =	sbr.rel $0x88, $3  }
0x1: {  	(tag) =	ssettag $0x0;
	lr =	simm.s32 $0x1  }
0x2: {  	[smem:$0x3F8A] =	sst lr;
	_ =	strace $0xD0000000  }
0x3: {  	_ = 	snop  }
0x4: {  	_ = 	snop  }
0x5: {  	_ = 	snop  }
0x6: {  	_ = 	snop  }
0x7: {  	_ = 	snop  }
__scs_overlays_trampoline_lowered:
0x8: {  	[smem:$0x3F99] =	sst s0  }
0x9: {  	[smem:$0x3F9A] =	sst s1  }
0xa: {  	[smem:$0x3F9B] =	sst s2  }
0xb: {  	[smem:$0x3F9C] =	sst s3  }
0xc: {  	[smem:$0x3F9D] =	sst s4  }
0xd: {  	[smem:$0x3F9E] =	sst s5  }
0xe: {  	[smem:$0x3F9F] =	sst s6  }
0xf: {  	[smem:$0x3FA0] =	sst s7  }
0x10: {  	[smem:$0x3FA1] =	sst s8  }
0x11: {  	[smem:$0x3FA2] =	sst s9;
	s0 =	simm.s32 @!p0 $0x0  }
0x12: {  	s1 =	sld [smem:$0x3F88];
	s0 =	simm.s32 @p0 $0x1  }
0x13: {  	[smem:$0x3FA3] =	sst s0;
	s0 =	simm.s32 @!p1 $0x0  }
0x14: {  	s2 =	sld [smem:$0x3F87];
	s0 =	simm.s32 @p1 $0x1  }
0x15: {  	[smem:$0x3FA4] =	sst s0;
	s0 =	simm.s32 @!p2 $0x0  }
0x16: {  	s3 =	sld [smem:$0x3FDB];
	s0 =	simm.s32 @p2 $0x1  }
0x17: {  	s4 =	simm.s32 $0x1BF5;
	[smem:$0x3FA6] =	sst s0  }
0x18: {  	s0 =	sld [smem:$0x3F89];
	_ =	swait.ge [sflag:s4], $0x0  }
0x19: {  	s7 =	sld [smem:$0x3F8A]  }
0x1a: {  	s8 =	sadd.s32 $0xFFFFE003, lr  }
0x1b: {  	s9 =	sadd.s32 $0xFFFFFEF7, lr;
	s5 =	simm.s32 $0xFFFFFFFF;
	p2 =	slt.u32 s8, $0xFFFFF086  }
0x1c: {  	p1 =	slt.u32 s9, $0xF7A;
	s5 =	simm.s32 @!p2 $0x0  }
0x1d: {  	s5 =	simm.s32 @p1 $0x1;
	p0 =	seq.s32 s7, s2  }
0x1e: {  	s7 =	smul.u32 @!p0 $0xF7A, s2;
	p2 =	seq.s32 @!p0 s5, $0x0  }
0x1f: {  	s9 =	smul.u32 $0xF7A, s1;
	s8 =	simm.s32 @!p0 $0x1BF5;
	p2 =	por !p2, p0  }
0x20: {  	[sflag:s8] =	ssyncset.s32 @!p0 $0xFFFFF086;
	s6 =	sadd.s32 @!p0 s3, s7;
	s7 =	simm.s32 @!p0 $0x108  }
0x21: {  	s3 =	sadd.s32 s3, s9;
	s6 =	sadd.s32 @!p0 $0x88, s6;
	s7 =	simm.s32 @p2 $0x1082  }
0x22: {  	[simem:s7], [sflag:s8] =	dma.local @!p0 [hbm:s6], $0xF7A  }
0x23: {  	s9 =	sor.u32 $0xD0000000, s2;
	s6 =	simm.s32 $0x108;
	_ =	swait.ge @!p0 [sflag:s8], $0x0  }
0x24: {  	s3 =	sadd.s32 $0x88, s3;
	s6 =	simm.s32 @!p1 $0x1082;
	[sflag:s4] =	ssyncset.s32 $0xFFFFF086  }
0x25: {  	[simem:s6], [sflag:s4] =	dma.local [hbm:s3], $0xF7A  }
0x26: {  	[smem:$0x3F8A] =	sst s1;
	(tag) =	ssettag s2;
	_ =	strace s9  }
0x27: {  	s1 =	sld [smem:$0x3F9A]  }
0x28: {  	s2 =	sld [smem:$0x3F9B]  }
0x29: {  	s4 =	sld [smem:$0x3F9D]  }
0x2a: {  	p0 =	seq.s32 s5, $0x0;
	s5 =	sld [smem:$0x3F9E]  }
0x2b: {  	s6 =	sld [smem:$0x3F9F]  }
0x2c: {  	s7 =	sld [smem:$0x3FA0]  }
0x2d: {  	s3 =	simm.s32 $0x108;
	s8 =	sld [smem:$0x3FA1]  }
0x2e: {  	s3 =	simm.s32 @!p0 $0x1082;
	s9 =	sld [smem:$0x3FA2]  }
0x2f: {  	lr =	sadd.s32 s0, s3;
	s0 =	sld [smem:$0x3F99]  }
0x30: {  	s3 =	sld [smem:$0x3F9C]  }
0x31: {  	[smem:$0x3FA5] =	sst s10  }
0x32: {  	s10 =	sld [smem:$0x3FA3];
	_ =	sdelay $0x3  }
0x33: {  	p0 =	seq.s32 s10, $0x1;
	s10 =	sld [smem:$0x3FA5];
	_ =	sdelay $0x3  }
0x34: {  	[smem:$0x3FA5] =	sst s10  }
0x35: {  	s10 =	sld [smem:$0x3FA4];
	_ =	sdelay $0x3  }
0x36: {  	p1 =	seq.s32 s10, $0x1;
	s10 =	sld [smem:$0x3FA5];
	_ =	sdelay $0x3  }
0x37: {  	[smem:$0x3FA5] =	sst s10  }
0x38: {  	s10 =	sld [smem:$0x3FA6]  }
0x39: {  	_ = 	snop;
	(pc) =	sbr.ind lr, $3  }
0x3a: {  	_ = 	snop  }
0x3b: {  	_ = 	snop  }
0x3c: {  	p2 =	seq.s32 s10, $0x1;
	s10 =	sld [smem:$0x3FA5]  }
0x3d: {  	_ =	shalt  }
0x3e: {  	_ =	shalt  }
0x3f: {  	_ =	shalt  }
0x40: {  	_ =	shalt  }
0x41: {  	_ =	shalt  }
0x42: {  	_ =	shalt  }
0x43: {  	_ =	shalt  }
0x44: {  	_ =	shalt  }
0x45: {  	_ =	shalt  }
0x46: {  	_ =	shalt  }
0x47: {  	_ =	shalt  }
0x48: {  	_ =	shalt  }
0x49: {  	_ =	shalt  }
0x4a: {  	_ =	shalt  }
0x4b: {  	_ =	shalt  }
0x4c: {  	_ =	shalt  }
0x4d: {  	_ =	shalt  }
0x4e: {  	_ =	shalt  }
0x4f: {  	_ =	shalt  }
0x50: {  	_ =	shalt  }
0x51: {  	_ =	shalt  }
0x52: {  	_ =	shalt  }
0x53: {  	_ =	shalt  }
0x54: {  	_ =	shalt  }
0x55: {  	_ =	shalt  }
0x56: {  	_ =	shalt  }
0x57: {  	_ =	shalt  }
0x58: {  	_ =	shalt  }
0x59: {  	_ =	shalt  }
0x5a: {  	_ =	shalt  }
0x5b: {  	_ =	shalt  }
0x5c: {  	_ =	shalt  }
0x5d: {  	_ =	shalt  }
0x5e: {  	_ =	shalt  }
0x5f: {  	_ =	shalt  }
0x60: {  	_ =	shalt  }
0x61: {  	_ =	shalt  }
0x62: {  	_ =	shalt  }
0x63: {  	_ =	shalt  }
0x64: {  	_ =	shalt  }
0x65: {  	_ =	shalt  }
0x66: {  	_ =	shalt  }
0x67: {  	_ =	shalt  }
0x68: {  	_ =	shalt  }
0x69: {  	_ =	shalt  }
0x6a: {  	_ =	shalt  }
0x6b: {  	_ =	shalt  }
0x6c: {  	_ =	shalt  }
0x6d: {  	_ =	shalt  }
0x6e: {  	_ =	shalt  }
0x6f: {  	_ =	shalt  }
0x70: {  	_ =	shalt  }
0x71: {  	_ =	shalt  }
0x72: {  	_ =	shalt  }
0x73: {  	_ =	shalt  }
0x74: {  	_ =	shalt  }
0x75: {  	_ =	shalt  }
0x76: {  	_ =	shalt  }
0x77: {  	_ =	shalt  }
0x78: {  	_ =	shalt  }
0x79: {  	_ =	shalt  }
0x7a: {  	_ =	shalt  }
0x7b: {  	_ =	shalt  }
0x7c: {  	_ =	shalt  }
0x7d: {  	_ =	shalt  }
0x7e: {  	_ =	shalt  }
0x7f: {  	_ =	shalt  }
0x80: {  	_ =	shalt  }
0x81: {  	_ =	shalt  }
0x82: {  	_ =	shalt  }
0x83: {  	_ =	shalt  }
0x84: {  	_ =	shalt  }
0x85: {  	_ =	shalt  }
0x86: {  	_ =	shalt  }
0x87: {  	_ =	shalt  }
.Lfunc_end0:
.L_simem_size_0:
called_computation.5_lowered:
.L_overlay_start_0:
0x88: {  	s2 =	sld [smem:$0x3FD9]  }
0x89: {  	s3 =	sld [smem:$0x3FFE];
	_ =	sdelay $0x1  }
0x8a: {  	s1 =	srdreg.scid  }
0x8b: {  	s0 =	sand.u32 $0x1, s1  }
0x8c: {  	s16 =	sshll.u32 s0, $0xA;
	s2 =	sadd.s32 s3, s2  }
0x8d: {  	s2 =	sadd.s32 s2, s16  }
0x8e: {  	[smem:$0x3FB1] =	sst s2  }
0x8f: {  	_ = 	snop  }
0x90: {  	(tm) =	ssettm $0x1  }
0x91: {  	s17 =	sld [smem:$0x3FFB];
	_ =	sdelay $0x3  }
0x92: {  	_ =	strace s17  }
0x93: {  	s2 =	sld [smem:$0x3FFC];
	_ =	sdelay $0x3  }
0x94: {  	_ =	strace s2  }
0x95: {  	s2 =	sld [smem:$0x3FFD];
	_ =	sdelay $0x3  }
0x96: {  	_ =	strace s2  }
0x97: {  	_ =	strace $0x8FFFFFFF  }
0x98: {  	s18 =	sld [smem:$0x3FDB];
	_ =	sdelay $0x1  }
0x99: {  	s19 =	simm.s32 $_scs_section_size  }
0x9a: {  	s4 =	simm.s32 $_size__tile_overlayer_lowered;
	s5 =	simm.s32 $_tile_overlayer_lowered  }
0x9b: {  	s22 =	simm.s32 $0x1BFF;
	s21 =	sshll.u32 s5, $0x1;
	s2 =	sadd.s32 s19, s18  }
0x9c: {  	s6 =	simm.s32 $0x0;
	s20 =	sshll.u32 s4, $0x1;
	s4 =	sadd.s32 s21, s2  }
0x9d: {  	[timem:s6], [sflag:s22] =	dma.local [hbm:s4], s20  }
0x9e: {  	_ =	swait.ge [sflag:s22], s20  }
0x9f: {  	s3 =	ssub.s32 $0x0, s20;
	[sflag:s22] =	ssyncset.done $0x0  }
0xa0: {  	[sflag:s22] =	ssyncadd.s32 s3;
	_ =	sdelay $0x1  }
0xa1: {  	s23 =	simm.s32 $0x1B8B  }
0xa2: {  	_ =	swait.ge [sflag:s23], $0x1  }
0xa3: {  	[sflag:s23] =	ssyncset.done $0x0  }
0xa4: {  	s25 =	simm.s32 $0x1B8E;
	s24 =	sld [smem:$0x3FFE];
	[sflag:s23] =	ssyncadd.s32 $0xFFFFFFFF  }
0xa5: {  	s26 =	simm.s32 $execute0_lowered;
	[smem:$0x3FD2] =	sst s25  }
0xa6: {  	s4 =	sshll.u32 s26, $0x1;
	_ =	strace $0x80000055;
	[dreg:$0x1] =	wrdreg $0xFFFFFFFF  }
0xa7: {  	s28 =	simm.s32 $_size_execute0_lowered;
	s2 =	sadd.s32 s2, s4;
	[dreg:$0x0] =	wrdreg $0x0  }
0xa8: {  	s4 =	sshll.u32 s28, $0x1;
	[dreg:$0x2] =	wrdreg s2  }
0xa9: {  	[dreg:$0x3] =	wrdreg s4  }
0xaa: {  	[dreg:$0x4] =	wrdreg $0xC0  }
0xab: {  	_ =	task [dreg:s6], $0x5FFFF  }
0xac: {  	[dreg:$0x1] =	wrdreg $0xFFFFFFFF  }
0xad: {  	[dreg:$0x0] =	wrdreg $0x60  }
0xae: {  	[dreg:$0x2] =	wrdreg s24  }
0xaf: {  	[dreg:$0x3] =	wrdreg $0x9  }
0xb0: {  	_ =	task.clear_ibuf [dreg:s6], $0x4FFFF;
	_ =	strace $0x90000055  }
0xb1: {  	s29 =	simm.s32 $0x9;
	_ =	strace $0x80000057  }
0xb2: {  	_ =	swait.ge [sflag:s29], $0x1  }
0xb3: {  	[sflag:s29] =	ssyncadd.s32 $0xFFFFFFFF  }
0xb4: {  	_ =	strace $0x90000057  }
0xb5: {  	_ =	sfence  }
0xb6: {  	s30 =	sld [smem:$0x0];
	_ =	sdelay $0x2  }
0xb7: {  	s31 =	sshll.u32 s1, $0xD;
	s1 =	sshrl.u32 s1, $0x2  }
0xb8: {  	s3 =	sand.u32 $0x4000, s31;
	s1 =	sadd.s32 s1, s30  }
0xb9: {  	s0 =	sor.u32 s3, s0;
	s1 =	sshll.u32 s1, $0x11  }
0xba: {  	s0 =	sor.u32 s1, s0  }
0xbb: {  	s0 =	sadd.s32 $0x8F2B, s0  }
0xbc: {  	[sflag:s0] =	ssyncadd.remote.s32 $0x1  }
0xbd: {  	_ =	sfence.sel $0xFFFF  }
0xbe: {  	[dreg:$0x0] =	wrdreg $0xFFFFFFFF;
	(pc) =	sbr.abs _section_cstart, $3  }
0xbf: {  	[dreg:$0x1] =	wrdreg $0xFFFFFFFF  }
0xc0: {  	_ =	task.clear_ibuf [dreg:s6], $0x2FFFF;
	_ =	strace $0x9FFFFFFF  }
0xc1: {  	(tm) =	ssettm $0x7FFFFFFF  }
tec
execute0_lowered:
.L_overlay_start_1:
0x0: {  	(tag) =	ssettag $0x1  }
0x1: {  	s4 =	rddreg [dreg:$0x0]  }
0x2: {  	s0 =	rddreg [dreg:$0x1];
	s2 =	simm.s32 $0x0;
	s1 =	stileid.u32  }
0x3: {  	s3 =	srdreg.scid;
	s10 =	simm.s32 $0x0;
	s6 =	smul.u32 $0x9C40, s1  }
0x4: {  	[smem:$0x7FF] =	sst s2;
	s5 =	sand.u32 $0x1, s3;
	s8 =	smul.u32 $0x9C400, s1  }
0x5: {  	s3 =	sadd.s32 $0xE400, s4;
	s7 =	smul.u32 $0x4E20, s5;
	s9 =	ssub.s32 $0x2, s5  }
0x6: {  	_ =	strace $0x80000056;
	s5 =	smul.u32 $0x4E200, s5;
	s31 =	sshrl.u32 s9, $0x1  }
0x7: {  	s8 =	sadd.s32 s8, s4;
	s6 =	sadd.s32 s7, s6;
	s7 =	ssub.s32 s9, s31  }
0x8: {  	s5 =	sadd.s32 s5, s8;
	s8 =	simm.s32 $0x320;
	s6 =	sshrl.u32 s6, $0x3  }
0x9: {  	s9 =	simm.s32 $0x1;
	s5 =	sadd.s32 $0x6EE00, s5;
	s6 =	sadd.s32 s6, s4  }
0xa: {  	s4 =	smax.u32 s7, $0x1;
	s7 =	simm.s32 $0x2;
	s6 =	sadd.s32 $0x44A00, s6  }
.LBB2_1:
0xb: {  	s11 =	sadd.s32 $0x0, s6  }
0xc: {  	[tilespmem:s2], [sflag:$0x2] =	stream.linear.gather [hbm4b:s11+s2], $0x320, $0x38;
	[tilespmem:$0x19320] =	vst v63  }
0xd: {  	_ =	swait.ge [sflag:s7], $0x320  }
0xe: {  	[sflag:s7] =	ssyncset.done $0x0  }
0xf: {  	[sflag:s7] =	ssyncadd.s32 $0xFFFFFCE0  }
0x10: {  	[tilespmem:s8], [sflag:$0x1] =	stream.indirect.gather [hbm4b:s3+s8], $0x80, s2, s8, $0xb8;
	[tilespmem:$0x19320] =	vst v63  }
0x11: {  	_ =	swait.ge [sflag:s9], $0x19000  }
0x12: {  	[sflag:s9] =	ssyncset.done $0x0  }
0x13: {  	[sflag:s9] =	ssyncadd.s32 $0xFFFE7000  }
0x14: {  	[hbm4b:s5+s2] =	stream.linear.scatter [tilespmem:s8], [sflag:$0x2], $0x19000, $0x38;
	[tilespmem:$0x19320] =	vst v63  }
0x15: {  	s12 =	simm.s32 $0x64;
	_ =	swait.ge [sflag:s7], $0x19000  }
0x16: {  	s13 =	simm.s32 $0xC8;
	s11 =	sadd.s32 $0x3200, s5;
	[sflag:s7] =	ssyncset.done $0x0  }
.LBB2_2:
0x17: {  	s14 =	sadd.s32 s12, s6  }
0x18: {  	[sflag:s7] =	ssyncadd.s32 $0xFFFE7000;
	s12 =	smov.u32 s13;
	s15 =	sadd.s32 $0x64, s13  }
0x19: {  	[tilespmem:s2], [sflag:$0x2] =	stream.linear.gather [hbm4b:s14+s2], $0x320, $0x38;
	[tilespmem:$0x19320] =	vst v63  }
0x1a: {  	p0 =	sne.s32 s13, $0x960;
	_ =	swait.ge [sflag:s7], $0x320  }
0x1b: {  	[sflag:s7] =	ssyncset.done $0x0  }
0x1c: {  	[sflag:s7] =	ssyncadd.s32 $0xFFFFFCE0  }
0x1d: {  	[tilespmem:s8], [sflag:$0x1] =	stream.indirect.gather [hbm4b:s3+s8], $0x80, s2, s8, $0xb8;
	[tilespmem:$0x19320] =	vst v63  }
0x1e: {  	_ =	swait.ge [sflag:s9], $0x19000  }
.Ltmp0:
0x1f: {  	[sflag:s9] =	ssyncset.done $0x0;
	(pc) =	sbr.rel @p0 .LBB2_2-.Ltmp0, $4  }
0x20: {  	[sflag:s9] =	ssyncadd.s32 $0xFFFE7000  }
0x21: {  	[hbm4b:s11+s2] =	stream.linear.scatter [tilespmem:s8], [sflag:$0x2], $0x19000, $0x38;
	[tilespmem:$0x19320] =	vst v63  }
0x22: {  	_ =	swait.ge [sflag:s7], $0x19000  }
0x23: {  	s13 =	smov.u32 s15;
	s11 =	sadd.s32 $0x3200, s11;
	[sflag:s7] =	ssyncset.done $0x0  }
0x24: {  	s12 =	sadd.s32 s12, s6;
	[sflag:s7] =	ssyncadd.s32 $0xFFFE7000  }
0x25: {  	[tilespmem:s2], [sflag:$0x2] =	stream.linear.gather [hbm4b:s12+s2], $0x320, $0x38;
	[tilespmem:$0x19320] =	vst v63  }
0x26: {  	_ =	swait.ge [sflag:s7], $0x320  }
0x27: {  	[sflag:s7] =	ssyncset.done $0x0  }
0x28: {  	[sflag:s7] =	ssyncadd.s32 $0xFFFFFCE0  }
0x29: {  	[tilespmem:s8], [sflag:$0x1] =	stream.indirect.gather [hbm4b:s3+s8], $0x80, s2, s8, $0xb8;
	[tilespmem:$0x19320] =	vst v63  }
0x2a: {  	s10 =	sadd.s32 $0x1, s10;
	_ =	swait.ge [sflag:s9], $0x19000  }
0x2b: {  	p0 =	sne.s32 s10, s4;
	[sflag:s9] =	ssyncset.done $0x0  }
.Ltmp1:
0x2c: {  	[sflag:s9] =	ssyncadd.s32 $0xFFFE7000;
	(pc) =	sbr.rel @p0 .LBB2_1-.Ltmp1, $4  }
0x2d: {  	[hbm4b:s11+s2] =	stream.linear.scatter [tilespmem:s8], [sflag:$0x2], $0x19000, $0x38;
	[tilespmem:$0x19320] =	vst v63  }
0x2e: {  	_ =	swait.ge [sflag:s7], $0x19000  }
0x2f: {  	[sflag:s7] =	ssyncset.done $0x0  }
0x30: {  	[sflag:s7] =	ssyncadd.s32 $0xFFFE7000  }
0x31: {  	_ =	sfence.sel $0x180000  }
0x32: {  	[bflag:$0x0] =	sbarrier.arrive $0xFFFF  }
0x33: {  	p0 =	sne.s32 s1, $0x0;
	_ =	strace $0x90000056  }
0x34: {  	s0 =	sadd.s32 @!p0 $0x100000, s0;
	[bflag:$0x2] =	sbarrier.arrive $0xFFFF  }
0x35: {  	[sflag:s0] =	ssyncadd.tile.s32 @!p0 $0x1;
	_ =	shalt  }
.Lfunc_end2:
_tile_overlayer_lowered:
.L_overlay_start_2:
0x36: {  	(tag) =	ssettag $0x2  }
0x37: {  	s0 =	rddreg [dreg:$0x0];
	s2 =	stileid.u32  }
0x38: {  	s1 =	rddreg [dreg:$0x1];
	p0 =	sne.s32 s2, $0x0  }
0x39: {  	s3 =	rddreg [dreg:$0x2];
	[bflag:$0x3] =	sbarrier.arrive $0xFFFF;
	s2 =	simm.s32 @!p0 $0x1C02  }
0x3a: {  	[timem:s3], [sflag:s2] =	dma.local @!p0 [hbm:s0], s1  }
0x3b: {  	s0 =	simm.s32 @!p0 $0x2  }
0x3c: {  	_ =	swait.ge @!p0 [sflag:s0], s1  }
0x3d: {  	s1 =	ssub.s32 @!p0 $0x0, s1;
	[sflag:s0] =	ssyncset.done @!p0 $0x0  }
0x3e: {  	[sflag:s0] =	ssyncadd.s32 @!p0 s1  }
0x3f: {  	[bflag:$0x3] =	sbarrier.arrive $0xFFFF  }
0x40: {  	_ =	shalt  }

// kernel: kernel.36.cloned.1.call-start
scs
__scs_entry_jumppad:
0x0: {  	(pc) =	sbr.rel $0x88, $3  }
0x1: {  	(tag) =	ssettag $0x0;
	lr =	simm.s32 $0x1  }
0x2: {  	[smem:$0x3F8A] =	sst lr;
	_ =	strace $0xD0000000  }
0x3: {  	_ = 	snop  }
0x4: {  	_ = 	snop  }
0x5: {  	_ = 	snop  }
0x6: {  	_ = 	snop  }
0x7: {  	_ = 	snop  }
__scs_overlays_trampoline_lowered:
0x8: {  	[smem:$0x3F99] =	sst s0  }
0x9: {  	[smem:$0x3F9A] =	sst s1  }
0xa: {  	[smem:$0x3F9B] =	sst s2  }
0xb: {  	[smem:$0x3F9C] =	sst s3  }
0xc: {  	[smem:$0x3F9D] =	sst s4  }
0xd: {  	[smem:$0x3F9E] =	sst s5  }
0xe: {  	[smem:$0x3F9F] =	sst s6  }
0xf: {  	[smem:$0x3FA0] =	sst s7  }
0x10: {  	[smem:$0x3FA1] =	sst s8  }
0x11: {  	[smem:$0x3FA2] =	sst s9;
	s0 =	simm.s32 @!p0 $0x0  }
0x12: {  	s1 =	sld [smem:$0x3F88];
	s0 =	simm.s32 @p0 $0x1  }
0x13: {  	[smem:$0x3FA3] =	sst s0;
	s0 =	simm.s32 @!p1 $0x0  }
0x14: {  	s2 =	sld [smem:$0x3F87];
	s0 =	simm.s32 @p1 $0x1  }
0x15: {  	[smem:$0x3FA4] =	sst s0;
	s0 =	simm.s32 @!p2 $0x0  }
0x16: {  	s3 =	sld [smem:$0x3FDB];
	s0 =	simm.s32 @p2 $0x1  }
0x17: {  	s4 =	simm.s32 $0x1BF5;
	[smem:$0x3FA6] =	sst s0  }
0x18: {  	s0 =	sld [smem:$0x3F89];
	_ =	swait.ge [sflag:s4], $0x0  }
0x19: {  	s7 =	sld [smem:$0x3F8A]  }
0x1a: {  	s8 =	sadd.s32 $0xFFFFE003, lr  }
0x1b: {  	s9 =	sadd.s32 $0xFFFFFEF7, lr;
	s5 =	simm.s32 $0xFFFFFFFF;
	p2 =	slt.u32 s8, $0xFFFFF086  }
0x1c: {  	p1 =	slt.u32 s9, $0xF7A;
	s5 =	simm.s32 @!p2 $0x0  }
0x1d: {  	s5 =	simm.s32 @p1 $0x1;
	p0 =	seq.s32 s7, s2  }
0x1e: {  	s7 =	smul.u32 @!p0 $0xF7A, s2;
	p2 =	seq.s32 @!p0 s5, $0x0  }
0x1f: {  	s9 =	smul.u32 $0xF7A, s1;
	s8 =	simm.s32 @!p0 $0x1BF5;
	p2 =	por !p2, p0  }
0x20: {  	[sflag:s8] =	ssyncset.s32 @!p0 $0xFFFFF086;
	s6 =	sadd.s32 @!p0 s3, s7;
	s7 =	simm.s32 @!p0 $0x108  }
0x21: {  	s3 =	sadd.s32 s3, s9;
	s6 =	sadd.s32 @!p0 $0x88, s6;
	s7 =	simm.s32 @p2 $0x1082  }
0x22: {  	[simem:s7], [sflag:s8] =	dma.local @!p0 [hbm:s6], $0xF7A  }
0x23: {  	s9 =	sor.u32 $0xD0000000, s2;
	s6 =	simm.s32 $0x108;
	_ =	swait.ge @!p0 [sflag:s8], $0x0  }
0x24: {  	s3 =	sadd.s32 $0x88, s3;
	s6 =	simm.s32 @!p1 $0x1082;
	[sflag:s4] =	ssyncset.s32 $0xFFFFF086  }
0x25: {  	[simem:s6], [sflag:s4] =	dma.local [hbm:s3], $0xF7A  }
0x26: {  	[smem:$0x3F8A] =	sst s1;
	(tag) =	ssettag s2;
	_ =	strace s9  }
0x27: {  	s1 =	sld [smem:$0x3F9A]  }
0x28: {  	s2 =	sld [smem:$0x3F9B]  }
0x29: {  	s4 =	sld [smem:$0x3F9D]  }
0x2a: {  	p0 =	seq.s32 s5, $0x0;
	s5 =	sld [smem:$0x3F9E]  }
0x2b: {  	s6 =	sld [smem:$0x3F9F]  }
0x2c: {  	s7 =	sld [smem:$0x3FA0]  }
0x2d: {  	s3 =	simm.s32 $0x108;
	s8 =	sld [smem:$0x3FA1]  }
0x2e: {  	s3 =	simm.s32 @!p0 $0x1082;
	s9 =	sld [smem:$0x3FA2]  }
0x2f: {  	lr =	sadd.s32 s0, s3;
	s0 =	sld [smem:$0x3F99]  }
0x30: {  	s3 =	sld [smem:$0x3F9C]  }
0x31: {  	[smem:$0x3FA5] =	sst s10  }
0x32: {  	s10 =	sld [smem:$0x3FA3];
	_ =	sdelay $0x3  }
0x33: {  	p0 =	seq.s32 s10, $0x1;
	s10 =	sld [smem:$0x3FA5];
	_ =	sdelay $0x3  }
0x34: {  	[smem:$0x3FA5] =	sst s10  }
0x35: {  	s10 =	sld [smem:$0x3FA4];
	_ =	sdelay $0x3  }
0x36: {  	p1 =	seq.s32 s10, $0x1;
	s10 =	sld [smem:$0x3FA5];
	_ =	sdelay $0x3  }
0x37: {  	[smem:$0x3FA5] =	sst s10  }
0x38: {  	s10 =	sld [smem:$0x3FA6]  }
0x39: {  	_ = 	snop;
	(pc) =	sbr.ind lr, $3  }
0x3a: {  	_ = 	snop  }
0x3b: {  	_ = 	snop  }
0x3c: {  	p2 =	seq.s32 s10, $0x1;
	s10 =	sld [smem:$0x3FA5]  }
0x3d: {  	_ =	shalt  }
0x3e: {  	_ =	shalt  }
0x3f: {  	_ =	shalt  }
0x40: {  	_ =	shalt  }
0x41: {  	_ =	shalt  }
0x42: {  	_ =	shalt  }
0x43: {  	_ =	shalt  }
0x44: {  	_ =	shalt  }
0x45: {  	_ =	shalt  }
0x46: {  	_ =	shalt  }
0x47: {  	_ =	shalt  }
0x48: {  	_ =	shalt  }
0x49: {  	_ =	shalt  }
0x4a: {  	_ =	shalt  }
0x4b: {  	_ =	shalt  }
0x4c: {  	_ =	shalt  }
0x4d: {  	_ =	shalt  }
0x4e: {  	_ =	shalt  }
0x4f: {  	_ =	shalt  }
0x50: {  	_ =	shalt  }
0x51: {  	_ =	shalt  }
0x52: {  	_ =	shalt  }
0x53: {  	_ =	shalt  }
0x54: {  	_ =	shalt  }
0x55: {  	_ =	shalt  }
0x56: {  	_ =	shalt  }
0x57: {  	_ =	shalt  }
0x58: {  	_ =	shalt  }
0x59: {  	_ =	shalt  }
0x5a: {  	_ =	shalt  }
0x5b: {  	_ =	shalt  }
0x5c: {  	_ =	shalt  }
0x5d: {  	_ =	shalt  }
0x5e: {  	_ =	shalt  }
0x5f: {  	_ =	shalt  }
0x60: {  	_ =	shalt  }
0x61: {  	_ =	shalt  }
0x62: {  	_ =	shalt  }
0x63: {  	_ =	shalt  }
0x64: {  	_ =	shalt  }
0x65: {  	_ =	shalt  }
0x66: {  	_ =	shalt  }
0x67: {  	_ =	shalt  }
0x68: {  	_ =	shalt  }
0x69: {  	_ =	shalt  }
0x6a: {  	_ =	shalt  }
0x6b: {  	_ =	shalt  }
0x6c: {  	_ =	shalt  }
0x6d: {  	_ =	shalt  }
0x6e: {  	_ =	shalt  }
0x6f: {  	_ =	shalt  }
0x70: {  	_ =	shalt  }
0x71: {  	_ =	shalt  }
0x72: {  	_ =	shalt  }
0x73: {  	_ =	shalt  }
0x74: {  	_ =	shalt  }
0x75: {  	_ =	shalt  }
0x76: {  	_ =	shalt  }
0x77: {  	_ =	shalt  }
0x78: {  	_ =	shalt  }
0x79: {  	_ =	shalt  }
0x7a: {  	_ =	shalt  }
0x7b: {  	_ =	shalt  }
0x7c: {  	_ =	shalt  }
0x7d: {  	_ =	shalt  }
0x7e: {  	_ =	shalt  }
0x7f: {  	_ =	shalt  }
0x80: {  	_ =	shalt  }
0x81: {  	_ =	shalt  }
0x82: {  	_ =	shalt  }
0x83: {  	_ =	shalt  }
0x84: {  	_ =	shalt  }
0x85: {  	_ =	shalt  }
0x86: {  	_ =	shalt  }
0x87: {  	_ =	shalt  }
.Lfunc_end0:
.L_simem_size_0:
called_computation.6_lowered:
.L_overlay_start_0:
0x88: {  	s2 =	sld [smem:$0x3FD9]  }
0x89: {  	s3 =	sld [smem:$0x3FFE];
	_ =	sdelay $0x1  }
0x8a: {  	s1 =	srdreg.scid  }
0x8b: {  	s0 =	sand.u32 $0x1, s1  }
0x8c: {  	s16 =	sshll.u32 s0, $0xA;
	s2 =	sadd.s32 s3, s2  }
0x8d: {  	s2 =	sadd.s32 s2, s16  }
0x8e: {  	[smem:$0x3FB1] =	sst s2  }
0x8f: {  	_ = 	snop  }
0x90: {  	(tm) =	ssettm $0x1  }
0x91: {  	s17 =	sld [smem:$0x3FFB];
	_ =	sdelay $0x3  }
0x92: {  	_ =	strace s17  }
0x93: {  	s2 =	sld [smem:$0x3FFC];
	_ =	sdelay $0x3  }
0x94: {  	_ =	strace s2  }
0x95: {  	s2 =	sld [smem:$0x3FFD];
	_ =	sdelay $0x3  }
0x96: {  	_ =	strace s2  }
0x97: {  	_ =	strace $0x8FFFFFFF  }
0x98: {  	s18 =	sld [smem:$0x3FDB];
	_ =	sdelay $0x1  }
0x99: {  	s19 =	simm.s32 $_scs_section_size  }
0x9a: {  	s4 =	simm.s32 $_size__tile_overlayer_lowered;
	s5 =	simm.s32 $_tile_overlayer_lowered  }
0x9b: {  	s22 =	simm.s32 $0x1BFF;
	s21 =	sshll.u32 s5, $0x1;
	s2 =	sadd.s32 s19, s18  }
0x9c: {  	s6 =	simm.s32 $0x0;
	s20 =	sshll.u32 s4, $0x1;
	s4 =	sadd.s32 s21, s2  }
0x9d: {  	[timem:s6], [sflag:s22] =	dma.local [hbm:s4], s20  }
0x9e: {  	_ =	swait.ge [sflag:s22], s20  }
0x9f: {  	s3 =	ssub.s32 $0x0, s20;
	[sflag:s22] =	ssyncset.done $0x0  }
0xa0: {  	[sflag:s22] =	ssyncadd.s32 s3;
	_ =	sdelay $0x1  }
0xa1: {  	s23 =	simm.s32 $0x1B8B  }
0xa2: {  	_ =	swait.ge [sflag:s23], $0x1  }
0xa3: {  	[sflag:s23] =	ssyncset.done $0x0  }
0xa4: {  	s25 =	simm.s32 $0x1B8E;
	s24 =	sld [smem:$0x3FFE];
	[sflag:s23] =	ssyncadd.s32 $0xFFFFFFFF  }
0xa5: {  	s26 =	simm.s32 $execute0_lowered;
	[smem:$0x3FD2] =	sst s25  }
0xa6: {  	s4 =	sshll.u32 s26, $0x1;
	_ =	strace $0x80000058;
	[dreg:$0x1] =	wrdreg $0xFFFFFFFF  }
0xa7: {  	s28 =	simm.s32 $_size_execute0_lowered;
	s2 =	sadd.s32 s2, s4;
	[dreg:$0x0] =	wrdreg $0x0  }
0xa8: {  	s4 =	sshll.u32 s28, $0x1;
	[dreg:$0x2] =	wrdreg s2  }
0xa9: {  	[dreg:$0x3] =	wrdreg s4  }
0xaa: {  	[dreg:$0x4] =	wrdreg $0xC0  }
0xab: {  	_ =	task [dreg:s6], $0x5FFFF  }
0xac: {  	[dreg:$0x1] =	wrdreg $0xFFFFFFFF  }
0xad: {  	[dreg:$0x0] =	wrdreg $0x60  }
0xae: {  	[dreg:$0x2] =	wrdreg s24  }
0xaf: {  	[dreg:$0x3] =	wrdreg $0x113000  }
0xb0: {  	[dreg:$0x4] =	wrdreg $0x9  }
0xb1: {  	_ =	task.clear_ibuf [dreg:s6], $0x5FFFF;
	_ =	strace $0x90000058  }
0xb2: {  	s29 =	simm.s32 $0x9;
	_ =	strace $0x8000005A  }
0xb3: {  	_ =	swait.ge [sflag:s29], $0x1  }
0xb4: {  	[sflag:s29] =	ssyncadd.s32 $0xFFFFFFFF  }
0xb5: {  	_ =	strace $0x9000005A  }
0xb6: {  	_ =	sfence  }
0xb7: {  	s30 =	sld [smem:$0x0];
	_ =	sdelay $0x2  }
0xb8: {  	s31 =	sshll.u32 s1, $0xD;
	s1 =	sshrl.u32 s1, $0x2  }
0xb9: {  	s3 =	sand.u32 $0x4000, s31;
	s1 =	sadd.s32 s1, s30  }
0xba: {  	s0 =	sor.u32 s3, s0;
	s1 =	sshll.u32 s1, $0x11  }
0xbb: {  	s0 =	sor.u32 s1, s0  }
0xbc: {  	s0 =	sadd.s32 $0x8F2B, s0  }
0xbd: {  	[sflag:s0] =	ssyncadd.remote.s32 $0x1  }
0xbe: {  	_ =	sfence.sel $0xFFFF  }
0xbf: {  	[dreg:$0x0] =	wrdreg $0xFFFFFFFF;
	(pc) =	sbr.abs _section_cstart, $3  }
0xc0: {  	[dreg:$0x1] =	wrdreg $0xFFFFFFFF  }
0xc1: {  	_ =	task.clear_ibuf [dreg:s6], $0x2FFFF;
	_ =	strace $0x9FFFFFFF  }
0xc2: {  	(tm) =	ssettm $0x7FFFFFFF  }
0xc3: {  	_ =	shalt  }
tec
execute0_lowered:
.L_overlay_start_1:
0x0: {  	(tag) =	ssettag $0x1  }
0x1: {  	s0 =	stileid.u32;
	s6 =	rddreg [dreg:$0x0]  }
0x2: {  	s1 =	srdreg.scid;
	s2 =	rddreg [dreg:$0x1];
	s3 =	simm.s32 $0x0  }
0x3: {  	s13 =	simm.s32 $0x3;
	s14 =	simm.s32 $0xA280;
	s4 =	smul.u32 $0xAFC80, s0  }
0x4: {  	s15 =	simm.s32 $0xDAC0;
	s16 =	simm.s32 $0x1;
	s8 =	smul.u32 $0xA280, s0  }
0x5: {  	s17 =	simm.s32 $0x64;
	s18 =	simm.s32 $0x2;
	s9 =	smul.u32 $0xB490, s0  }
0x6: {  	s19 =	simm.s32 $0xA1B0;
	s20 =	simm.s32 $0xA218;
	s10 =	smul.u32 $0x1680, s0  }
0x7: {  	s5 =	sand.u32 $0x1, s1;
	s1 =	rddreg [dreg:$0x2];
	s31 =	smul.u32 $0x2D000, s0  }
0x8: {  	s22 =	simm.s32 $0x0;
	[smem:$0x7FF] =	sst s3;
	s7 =	smul.u32 $0xA2800, s5  }
0x9: {  	s30 =	sshll.u32 s0, $0x6;
	s25 =	smul.u32 $0x16800, s5;
	_ =	strace $0x80000059  }
0xa: {  	s26 =	ssub.s32 $0x2, s5;
	s11 =	sadd.s32 s4, s6;
	s28 =	sshrl.u32 s9, $0x3  }
0xb: {  	s29 =	sshrl.u32 s26, $0x1;
	s12 =	sadd.s32 s9, s2;
	s9 =	sshrl.u32 s31, $0x2  }
0xc: {  	s7 =	sadd.s32 s8, s7;
	s8 =	sadd.s32 s10, s25;
	s5 =	sadd.s32 s28, s6  }
0xd: {  	s10 =	ssub.s32 s26, s29;
	s21 =	sadd.s32 s9, s2;
	s12 =	sshrl.u32 s12, $0x3  }
0xe: {  	s7 =	sshrl.u32 s7, $0x3;
	s8 =	sadd.s32 s8, s6;
	s4 =	sadd.s32 $0x58400, s5  }
0xf: {  	s5 =	sor.u32 $0x1C03, s30;
	s9 =	smax.u32 s10, $0x1;
	s7 =	sadd.s32 s7, s6  }
0x10: {  	s10 =	sadd.s32 $0x150B578, s11;
	s21 =	sshrl.u32 s21, $0x3;
	s6 =	sadd.s32 $0x1433600, s7  }
0x11: {  	s8 =	sadd.s32 $0x6EE00, s8;
	s7 =	sadd.s32 $0x145C000, s11;
	s11 =	sadd.s32 $0x145CE10, s11  }
.LBB2_1:
0x12: {  	[spmem:s12], [sflag:s5] =	dma.local [hbm:s4], $0x1692  }
0x13: {  	_ =	swait.ge [sflag:s13], $0x1692  }
0x14: {  	[sflag:s13] =	ssyncset.done $0x0  }
0x15: {  	[sflag:s13] =	ssyncadd.s32 $0xFFFFE96E  }
0x16: {  	[bflag:$0x0] =	sbarrier.arrive $0xFFFF  }
0x17: {  	[tilespmem:s3], [sflag:$0x3] =	stream.linear.gather [hbm4b:s6+s3], $0xA280, $0x38;
	[tilespmem:$0x1C790] =	vst v63  }
0x18: {  	_ =	swait.ge [sflag:s13], $0xA280  }
0x19: {  	[sflag:s13] =	ssyncset.done $0x0  }
0x1a: {  	[sflag:s13] =	ssyncadd.s32 $0xFFFF5D80  }
0x1b: {  	[tilespmem:s14], [sflag:$0x1] =	stream.linear.gather [hbm4b:s7+s3], $0x3840, $0x38;
	[tilespmem:$0x1C790] =	vst v63  }
0x1c: {  	s23 =	sadd.s32 $0xFFFFF8F8, s11  }
0x1d: {  	[tilespmem:s15], [sflag:$0x2] =	stream.linear.gather [hbm4b:s23+s3], $0x3840, $0x38;
	[tilespmem:$0x1C790] =	vst v63  }
0x1e: {  	_ =	swait.ge [sflag:s16], $0x3840  }
0x1f: {  	[sflag:s16] =	ssyncset.done $0x0  }
0x20: {  	s30 =	simm.s32 $0x0;
	[sflag:s16] =	ssyncadd.s32 $0xFFFFC7C0  }
0x21: {  	[spmem:s2] =	stream.indirect.scatter.add.f32 [tilespmem:s14], [sflag:$0x3], $0x90, s30, s17, $0xb8;
	[tilespmem:$0x1C790] =	vst v63  }
0x22: {  	_ =	swait.ge [sflag:s13], $0x3840  }
0x23: {  	[sflag:s13] =	ssyncset.done $0x0  }
0x24: {  	[sflag:s13] =	ssyncadd.s32 $0xFFFFC7C0  }
0x25: {  	[tilespmem:s14], [sflag:$0x1] =	stream.linear.gather [hbm4b:s11+s3], $0x3840, $0x38;
	[tilespmem:$0x1C790] =	vst v63  }
0x26: {  	_ =	swait.ge [sflag:s18], $0x3840  }
0x27: {  	[sflag:s18] =	ssyncset.done $0x0  }
0x28: {  	s31 =	simm.s32 $0x68;
	[sflag:s18] =	ssyncadd.s32 $0xFFFFC7C0  }
0x29: {  	[spmem:s2] =	stream.indirect.scatter.add.f32 [tilespmem:s15], [sflag:$0x3], $0x90, s31, s17, $0xb8;
	[tilespmem:$0x1C790] =	vst v63  }
0x2a: {  	s24 =	simm.s32 $0x340;
	_ =	swait.ge [sflag:s13], $0x3840  }
0x2b: {  	s25 =	simm.s32 $0x680;
	s23 =	sadd.s32 $0xE10, s11;
	[sflag:s13] =	ssyncset.done $0x0  }
.LBB2_2:
0x2c: {  	p0 =	sne.s32 s25, $0x28380;
	s26 =	sadd.s32 $0xFFFFF8F8, s23;
	[sflag:s13] =	ssyncadd.s32 $0xFFFFC7C0  }
0x2d: {  	[tilespmem:s15], [sflag:$0x2] =	stream.linear.gather [hbm4b:s26+s3], $0x3840, $0x38;
	[tilespmem:$0x1C790] =	vst v63  }
0x2e: {  	s26 =	smov.u32 s25;
	s25 =	sadd.s32 $0x340, s25;
	_ =	swait.ge [sflag:s16], $0x3840  }
0x2f: {  	[sflag:s16] =	ssyncset.done $0x0  }
0x30: {  	s28 =	sshra.s32 s24, $0x2;
	s24 =	smov.u32 s26;
	[sflag:s16] =	ssyncadd.s32 $0xFFFFC7C0  }
0x31: {  	[spmem:s2] =	stream.indirect.scatter.add.f32 [tilespmem:s14], [sflag:$0x3], $0x90, s28, s17, $0xb8;
	[tilespmem:$0x1C790] =	vst v63  }
0x32: {  	_ =	swait.ge [sflag:s13], $0x3840  }
0x33: {  	[sflag:s13] =	ssyncset.done $0x0  }
0x34: {  	[sflag:s13] =	ssyncadd.s32 $0xFFFFC7C0  }
0x35: {  	[tilespmem:s14], [sflag:$0x1] =	stream.linear.gather [hbm4b:s23+s3], $0x3840, $0x38;
	[tilespmem:$0x1C790] =	vst v63  }
0x36: {  	_ =	swait.ge [sflag:s18], $0x3840  }
.Ltmp0:
0x37: {  	[sflag:s18] =	ssyncset.done $0x0;
	(pc) =	sbr.rel @p0 .LBB2_2-.Ltmp0, $4  }
0x38: {  	s26 =	sadd.s32 $0x68, s28;
	[sflag:s18] =	ssyncadd.s32 $0xFFFFC7C0  }
0x39: {  	[spmem:s2] =	stream.indirect.scatter.add.f32 [tilespmem:s15], [sflag:$0x3], $0x90, s26, s17, $0xb8;
	[tilespmem:$0x1C790] =	vst v63  }
0x3a: {  	_ =	swait.ge [sflag:s13], $0x3840  }
0x3b: {  	s23 =	sadd.s32 $0xE10, s23;
	[sflag:s13] =	ssyncset.done $0x0  }
0x3c: {  	s25 =	sadd.s32 $0xFFFFF8F8, s23;
	[sflag:s13] =	ssyncadd.s32 $0xFFFFC7C0  }
0x3d: {  	[tilespmem:s15], [sflag:$0x2] =	stream.linear.gather [hbm4b:s25+s3], $0x3840, $0x38;
	[tilespmem:$0x1C790] =	vst v63  }
0x3e: {  	_ =	swait.ge [sflag:s16], $0x3840  }
0x3f: {  	[sflag:s16] =	ssyncset.done $0x0  }
0x40: {  	s24 =	sshra.s32 s24, $0x2;
	[sflag:s16] =	ssyncadd.s32 $0xFFFFC7C0  }
0x41: {  	[spmem:s2] =	stream.indirect.scatter.add.f32 [tilespmem:s14], [sflag:$0x3], $0x90, s24, s17, $0xb8;
	[tilespmem:$0x1C790] =	vst v63  }
0x42: {  	_ =	swait.ge [sflag:s13], $0x3840  }
0x43: {  	[sflag:s13] =	ssyncset.done $0x0  }
0x44: {  	[sflag:s13] =	ssyncadd.s32 $0xFFFFC7C0  }
0x45: {  	[tilespmem:s14], [sflag:$0x1] =	stream.linear.gather [hbm4b:s23+s3], $0x3840, $0x38;
	[tilespmem:$0x1C790] =	vst v63  }
0x46: {  	_ =	swait.ge [sflag:s18], $0x3840  }
0x47: {  	[sflag:s18] =	ssyncset.done $0x0  }
0x48: {  	s31 =	sadd.s32 $0x68, s24;
	[sflag:s18] =	ssyncadd.s32 $0xFFFFC7C0  }
0x49: {  	[spmem:s2] =	stream.indirect.scatter.add.f32 [tilespmem:s15], [sflag:$0x3], $0x90, s31, s17, $0xb8;
	[tilespmem:$0x1C790] =	vst v63  }
0x4a: {  	_ =	swait.ge [sflag:s13], $0x3840  }
0x4b: {  	[sflag:s13] =	ssyncset.done $0x0  }
0x4c: {  	[sflag:s13] =	ssyncadd.s32 $0xFFFFC7C0  }
0x4d: {  	[tilespmem:s15], [sflag:$0x2] =	stream.linear.gather [hbm4b:s10+s3], $0x3840, $0x38;
	[tilespmem:$0x1C790] =	vst v63  }
0x4e: {  	_ =	swait.ge [sflag:s16], $0x3840  }
0x4f: {  	[sflag:s16] =	ssyncset.done $0x0  }
0x50: {  	[sflag:s16] =	ssyncadd.s32 $0xFFFFC7C0  }
0x51: {  	[spmem:s2] =	stream.indirect.scatter.add.f32 [tilespmem:s14], [sflag:$0x3], $0x90, s19, s17, $0xb8;
	[tilespmem:$0x1C790] =	vst v63  }
0x52: {  	_ =	swait.ge [sflag:s13], $0x3840  }
0x53: {  	[sflag:s13] =	ssyncset.done $0x0  }
0x54: {  	[sflag:s13] =	ssyncadd.s32 $0xFFFFC7C0  }
0x55: {  	[tilespmem:s14], [sflag:$0x1] =	stream.linear.gather [hbm4b:s10+s3], $0x3840, $0x38;
	[tilespmem:$0x1C790] =	vst v63  }
0x56: {  	_ =	swait.ge [sflag:s18], $0x3840  }
0x57: {  	[sflag:s18] =	ssyncset.done $0x0  }
0x58: {  	[sflag:s18] =	ssyncadd.s32 $0xFFFFC7C0  }
0x59: {  	[spmem:s2] =	stream.indirect.scatter.add.f32 [tilespmem:s15], [sflag:$0x3], $0x90, s20, s17, $0xb8;
	[tilespmem:$0x1C790] =	vst v63  }
0x5a: {  	_ =	swait.ge [sflag:s13], $0x3840  }
0x5b: {  	[sflag:s13] =	ssyncset.done $0x0  }
0x5c: {  	[sflag:s13] =	ssyncadd.s32 $0xFFFFC7C0  }
0x5d: {  	_ =	swait.ge [sflag:s16], $0x3840  }
0x5e: {  	s22 =	sadd.s32 $0x1, s22;
	[sflag:s16] =	ssyncset.done $0x0  }
0x5f: {  	p0 =	sne.s32 s22, s9;
	[sflag:s16] =	ssyncadd.s32 $0xFFFFC7C0  }
.Ltmp1:
0x60: {  	[bflag:$0x0] =	sbarrier.arrive $0xFFFF;
	(pc) =	sbr.rel @p0 .LBB2_1-.Ltmp1, $4  }
0x61: {  	[hbm:s8], [sflag:s5] =	dma.local [spmem:s21], $0x1680  }
0x62: {  	_ =	swait.ge [sflag:s13], $0x1680  }
0x63: {  	[sflag:s13] =	ssyncset.done $0x0  }
0x64: {  	[sflag:s13] =	ssyncadd.s32 $0xFFFFE980  }
0x65: {  	_ =	sfence.sel $0x180000  }
0x66: {  	[bflag:$0x0] =	sbarrier.arrive $0xFFFF  }
0x67: {  	p0 =	sne.s32 s0, $0x0;
	_ =	strace $0x90000059  }
0x68: {  	s0 =	sadd.s32 @!p0 $0x100000, s1;
	[bflag:$0x2] =	sbarrier.arrive $0xFFFF  }
0x69: {  	[sflag:s0] =	ssyncadd.tile.s32 @!p0 $0x1;
	_ =	shalt  }
.Lfunc_end2:
_tile_overlayer_lowered:
.L_overlay_start_2:
0x6a: {  	(tag) =	ssettag $0x2  }
0x6b: {  	s0 =	rddreg [dreg:$0x0];
	s2 =	stileid.u32  }
0x6c: {  	s1 =	rddreg [dreg:$0x1];
	p0 =	sne.s32 s2, $0x0  }
0x6d: {  	s3 =	rddreg [dreg:$0x2];
	[bflag:$0x3] =	sbarrier.arrive $0xFFFF;
	s2 =	simm.s32 @!p0 $0x1C03  }
0x6e: {  	[timem:s3], [sflag:s2] =	dma.local @!p0 [hbm:s0], s1  }
0x6f: {  	s0 =	simm.s32 @!p0 $0x3  }
0x70: {  	_ =	swait.ge @!p0 [sflag:s0], s1  }
0x71: {  	s1 =	ssub.s32 @!p0 $0x0, s1;
	[sflag:s0] =	ssyncset.done @!p0 $0x0  }
0x72: {  	[sflag:s0] =	ssyncadd.s32 @!p0 s1  }
0x73: {  	[bflag:$0x3] =	sbarrier.arrive $0xFFFF  }
0x74: {  	_ =	shalt  }

// kernel: kernel.39.cloned.1.call-start
scs
__scs_entry_jumppad:
0x0: {  	(pc) =	sbr.rel $0x88, $3  }
0x1: {  	(tag) =	ssettag $0x0;
	lr =	simm.s32 $0x1  }
0x2: {  	[smem:$0x3F8A] =	sst lr;
	_ =	strace $0xD0000000  }
0x3: {  	_ = 	snop  }
0x4: {  	_ = 	snop  }
0x5: {  	_ = 	snop  }
0x6: {  	_ = 	snop  }
0x7: {  	_ = 	snop  }
__scs_overlays_trampoline_lowered:
0x8: {  	[smem:$0x3F99] =	sst s0  }
0x9: {  	[smem:$0x3F9A] =	sst s1  }
0xa: {  	[smem:$0x3F9B] =	sst s2  }
0xb: {  	[smem:$0x3F9C] =	sst s3  }
0xc: {  	[smem:$0x3F9D] =	sst s4  }
0xd: {  	[smem:$0x3F9E] =	sst s5  }
0xe: {  	[smem:$0x3F9F] =	sst s6  }
0xf: {  	[smem:$0x3FA0] =	sst s7  }
0x10: {  	[smem:$0x3FA1] =	sst s8  }
0x11: {  	[smem:$0x3FA2] =	sst s9;
	s0 =	simm.s32 @!p0 $0x0  }
0x12: {  	s1 =	sld [smem:$0x3F88];
	s0 =	simm.s32 @p0 $0x1  }
0x13: {  	[smem:$0x3FA3] =	sst s0;
	s0 =	simm.s32 @!p1 $0x0  }
0x14: {  	s2 =	sld [smem:$0x3F87];
	s0 =	simm.s32 @p1 $0x1  }
0x15: {  	[smem:$0x3FA4] =	sst s0;
	s0 =	simm.s32 @!p2 $0x0  }
0x16: {  	s3 =	sld [smem:$0x3FDB];
	s0 =	simm.s32 @p2 $0x1  }
0x17: {  	s4 =	simm.s32 $0x1BF5;
	[smem:$0x3FA6] =	sst s0  }
0x18: {  	s0 =	sld [smem:$0x3F89];
	_ =	swait.ge [sflag:s4], $0x0  }
0x19: {  	s7 =	sld [smem:$0x3F8A]  }
0x1a: {  	s8 =	sadd.s32 $0xFFFFE003, lr  }
0x1b: {  	s9 =	sadd.s32 $0xFFFFFEF7, lr;
	s5 =	simm.s32 $0xFFFFFFFF;
	p2 =	slt.u32 s8, $0xFFFFF086  }
0x1c: {  	p1 =	slt.u32 s9, $0xF7A;
	s5 =	simm.s32 @!p2 $0x0  }
0x1d: {  	s5 =	simm.s32 @p1 $0x1;
	p0 =	seq.s32 s7, s2  }
0x1e: {  	s7 =	smul.u32 @!p0 $0xF7A, s2;
	p2 =	seq.s32 @!p0 s5, $0x0  }
0x1f: {  	s9 =	smul.u32 $0xF7A, s1;
	s8 =	simm.s32 @!p0 $0x1BF5;
	p2 =	por !p2, p0  }
0x20: {  	[sflag:s8] =	ssyncset.s32 @!p0 $0xFFFFF086;
	s6 =	sadd.s32 @!p0 s3, s7;
	s7 =	simm.s32 @!p0 $0x108  }
0x21: {  	s3 =	sadd.s32 s3, s9;
	s6 =	sadd.s32 @!p0 $0x88, s6;
	s7 =	simm.s32 @p2 $0x1082  }
0x22: {  	[simem:s7], [sflag:s8] =	dma.local @!p0 [hbm:s6], $0xF7A  }
0x23: {  	s9 =	sor.u32 $0xD0000000, s2;
	s6 =	simm.s32 $0x108;
	_ =	swait.ge @!p0 [sflag:s8], $0x0  }
0x24: {  	s3 =	sadd.s32 $0x88, s3;
	s6 =	simm.s32 @!p1 $0x1082;
	[sflag:s4] =	ssyncset.s32 $0xFFFFF086  }
0x25: {  	[simem:s6], [sflag:s4] =	dma.local [hbm:s3], $0xF7A  }
0x26: {  	[smem:$0x3F8A] =	sst s1;
	(tag) =	ssettag s2;
	_ =	strace s9  }
0x27: {  	s1 =	sld [smem:$0x3F9A]  }
0x28: {  	s2 =	sld [smem:$0x3F9B]  }
0x29: {  	s4 =	sld [smem:$0x3F9D]  }
0x2a: {  	p0 =	seq.s32 s5, $0x0;
	s5 =	sld [smem:$0x3F9E]  }
0x2b: {  	s6 =	sld [smem:$0x3F9F]  }
0x2c: {  	s7 =	sld [smem:$0x3FA0]  }
0x2d: {  	s3 =	simm.s32 $0x108;
	s8 =	sld [smem:$0x3FA1]  }
0x2e: {  	s3 =	simm.s32 @!p0 $0x1082;
	s9 =	sld [smem:$0x3FA2]  }
0x2f: {  	lr =	sadd.s32 s0, s3;
	s0 =	sld [smem:$0x3F99]  }
0x30: {  	s3 =	sld [smem:$0x3F9C]  }
0x31: {  	[smem:$0x3FA5] =	sst s10  }
0x32: {  	s10 =	sld [smem:$0x3FA3];
	_ =	sdelay $0x3  }
0x33: {  	p0 =	seq.s32 s10, $0x1;
	s10 =	sld [smem:$0x3FA5];
	_ =	sdelay $0x3  }
0x34: {  	[smem:$0x3FA5] =	sst s10  }
0x35: {  	s10 =	sld [smem:$0x3FA4];
	_ =	sdelay $0x3  }
0x36: {  	p1 =	seq.s32 s10, $0x1;
	s10 =	sld [smem:$0x3FA5];
	_ =	sdelay $0x3  }
0x37: {  	[smem:$0x3FA5] =	sst s10  }
0x38: {  	s10 =	sld [smem:$0x3FA6]  }
0x39: {  	_ = 	snop;
	(pc) =	sbr.ind lr, $3  }
0x3a: {  	_ = 	snop  }
0x3b: {  	_ = 	snop  }
0x3c: {  	p2 =	seq.s32 s10, $0x1;
	s10 =	sld [smem:$0x3FA5]  }
0x3d: {  	_ =	shalt  }
0x3e: {  	_ =	shalt  }
0x3f: {  	_ =	shalt  }
0x40: {  	_ =	shalt  }
0x41: {  	_ =	shalt  }
0x42: {  	_ =	shalt  }
0x43: {  	_ =	shalt  }
0x44: {  	_ =	shalt  }
0x45: {  	_ =	shalt  }
0x46: {  	_ =	shalt  }
0x47: {  	_ =	shalt  }
0x48: {  	_ =	shalt  }
0x49: {  	_ =	shalt  }
0x4a: {  	_ =	shalt  }
0x4b: {  	_ =	shalt  }
0x4c: {  	_ =	shalt  }
0x4d: {  	_ =	shalt  }
0x4e: {  	_ =	shalt  }
0x4f: {  	_ =	shalt  }
0x50: {  	_ =	shalt  }
0x51: {  	_ =	shalt  }
0x52: {  	_ =	shalt  }
0x53: {  	_ =	shalt  }
0x54: {  	_ =	shalt  }
0x55: {  	_ =	shalt  }
0x56: {  	_ =	shalt  }
0x57: {  	_ =	shalt  }
0x58: {  	_ =	shalt  }
0x59: {  	_ =	shalt  }
0x5a: {  	_ =	shalt  }
0x5b: {  	_ =	shalt  }
0x5c: {  	_ =	shalt  }
0x5d: {  	_ =	shalt  }
0x5e: {  	_ =	shalt  }
0x5f: {  	_ =	shalt  }
0x60: {  	_ =	shalt  }
0x61: {  	_ =	shalt  }
0x62: {  	_ =	shalt  }
0x63: {  	_ =	shalt  }
0x64: {  	_ =	shalt  }
0x65: {  	_ =	shalt  }
0x66: {  	_ =	shalt  }
0x67: {  	_ =	shalt  }
0x68: {  	_ =	shalt  }
0x69: {  	_ =	shalt  }
0x6a: {  	_ =	shalt  }
0x6b: {  	_ =	shalt  }
0x6c: {  	_ =	shalt  }
0x6d: {  	_ =	shalt  }
0x6e: {  	_ =	shalt  }
0x6f: {  	_ =	shalt  }
0x70: {  	_ =	shalt  }
0x71: {  	_ =	shalt  }
0x72: {  	_ =	shalt  }
0x73: {  	_ =	shalt  }
0x74: {  	_ =	shalt  }
0x75: {  	_ =	shalt  }
0x76: {  	_ =	shalt  }
0x77: {  	_ =	shalt  }
0x78: {  	_ =	shalt  }
0x79: {  	_ =	shalt  }
0x7a: {  	_ =	shalt  }
0x7b: {  	_ =	shalt  }
0x7c: {  	_ =	shalt  }
0x7d: {  	_ =	shalt  }
0x7e: {  	_ =	shalt  }
0x7f: {  	_ =	shalt  }
0x80: {  	_ =	shalt  }
0x81: {  	_ =	shalt  }
0x82: {  	_ =	shalt  }
0x83: {  	_ =	shalt  }
0x84: {  	_ =	shalt  }
0x85: {  	_ =	shalt  }
0x86: {  	_ =	shalt  }
0x87: {  	_ =	shalt  }
.Lfunc_end0:
.L_simem_size_0:
called_computation.7_lowered:
.L_overlay_start_0:
0x88: {  	s2 =	sld [smem:$0x3FD9]  }
0x89: {  	s3 =	sld [smem:$0x3FFE];
	_ =	sdelay $0x1  }
0x8a: {  	s1 =	srdreg.scid  }
0x8b: {  	s0 =	sand.u32 $0x1, s1  }
0x8c: {  	s17 =	sshll.u32 s0, $0xA;
	s2 =	sadd.s32 s3, s2  }
0x8d: {  	s2 =	sadd.s32 s2, s17  }
0x8e: {  	[smem:$0x3FB1] =	sst s2  }
0x8f: {  	_ = 	snop  }
0x90: {  	s2 =	sld [smem:$0x3FC5];
	(tm) =	ssettm $0x1  }
0x91: {  	s18 =	sld [smem:$0x3FFB];
	_ =	sdelay $0x3  }
0x92: {  	_ =	strace s18  }
0x93: {  	s3 =	sld [smem:$0x3FFC];
	_ =	sdelay $0x3  }
0x94: {  	_ =	strace s3  }
0x95: {  	s3 =	sld [smem:$0x3FFD];
	_ =	sdelay $0x3  }
0x96: {  	_ =	strace s3  }
0x97: {  	_ =	strace $0x8FFFFFFF  }
0x98: {  	s19 =	sld [smem:$0x3FDB];
	_ =	sdelay $0x1  }
0x99: {  	s4 =	simm.s32 $_scs_section_size  }
0x9a: {  	s5 =	simm.s32 $_size__tile_overlayer_lowered;
	s6 =	simm.s32 $_tile_overlayer_lowered  }
0x9b: {  	s22 =	simm.s32 $0x1BFF;
	s21 =	sshll.u32 s6, $0x1;
	s3 =	sadd.s32 s4, s19  }
0x9c: {  	s7 =	simm.s32 $0x0;
	s20 =	sshll.u32 s5, $0x1;
	s5 =	sadd.s32 s21, s3  }
0x9d: {  	[timem:s7], [sflag:s22] =	dma.local [hbm:s5], s20  }
0x9e: {  	_ =	swait.ge [sflag:s22], s20  }
0x9f: {  	s4 =	ssub.s32 $0x0, s20;
	[sflag:s22] =	ssyncset.done $0x0  }
0xa0: {  	[sflag:s22] =	ssyncadd.s32 s4;
	_ =	sdelay $0x1  }
0xa1: {  	s23 =	simm.s32 $0x1B8B  }
0xa2: {  	_ =	swait.ge [sflag:s23], $0x1  }
0xa3: {  	[sflag:s23] =	ssyncset.done $0x0  }
0xa4: {  	s25 =	simm.s32 $0x1B8E;
	s24 =	sld [smem:$0x3FFE];
	[sflag:s23] =	ssyncadd.s32 $0xFFFFFFFF  }
0xa5: {  	s26 =	simm.s32 $execute0_lowered;
	[smem:$0x3FD2] =	sst s25  }
0xa6: {  	s5 =	sshll.u32 s26, $0x1;
	_ =	strace $0x8000005B;
	[dreg:$0x1] =	wrdreg $0xFFFFFFFF  }
0xa7: {  	s28 =	simm.s32 $_size_execute0_lowered;
	s3 =	sadd.s32 s3, s5;
	[dreg:$0x0] =	wrdreg $0x0  }
0xa8: {  	s5 =	sshll.u32 s28, $0x1;
	[dreg:$0x2] =	wrdreg s3  }
0xa9: {  	[dreg:$0x3] =	wrdreg s5  }
0xaa: {  	[dreg:$0x4] =	wrdreg $0xC0  }
0xab: {  	_ =	task [dreg:s7], $0x5FFFF  }
0xac: {  	[dreg:$0x1] =	wrdreg $0xFFFFFFFF  }
0xad: {  	[dreg:$0x0] =	wrdreg $0x60  }
0xae: {  	[dreg:$0x2] =	wrdreg s24  }
0xaf: {  	[dreg:$0x3] =	wrdreg s2  }
0xb0: {  	[dreg:$0x4] =	wrdreg $0x9  }
0xb1: {  	_ =	task.clear_ibuf [dreg:s7], $0x5FFFF;
	_ =	strace $0x9000005B  }
0xb2: {  	s29 =	simm.s32 $0x9;
	_ =	strace $0x8000005D  }
0xb3: {  	_ =	swait.ge [sflag:s29], $0x1  }
0xb4: {  	[sflag:s29] =	ssyncadd.s32 $0xFFFFFFFF  }
0xb5: {  	_ =	strace $0x9000005D  }
0xb6: {  	_ =	sfence  }
0xb7: {  	s30 =	sld [smem:$0x0];
	_ =	sdelay $0x2  }
0xb8: {  	s31 =	sshll.u32 s1, $0xD;
	s1 =	sshrl.u32 s1, $0x2  }
0xb9: {  	s3 =	sand.u32 $0x4000, s31;
	s1 =	sadd.s32 s1, s30  }
0xba: {  	s0 =	sor.u32 s3, s0;
	s1 =	sshll.u32 s1, $0x11  }
0xbb: {  	s0 =	sor.u32 s1, s0  }
0xbc: {  	s0 =	sadd.s32 $0x8F2B, s0  }
0xbd: {  	[sflag:s0] =	ssyncadd.remote.s32 $0x1  }
0xbe: {  	_ =	sfence.sel $0xFFFF  }
0xbf: {  	[dreg:$0x0] =	wrdreg $0xFFFFFFFF;
	(pc) =	sbr.abs _section_cstart, $3  }
0xc0: {  	[dreg:$0x1] =	wrdreg $0xFFFFFFFF  }
0xc1: {  	_ =	task.clear_ibuf [dreg:s7], $0x2FFFF;
	_ =	strace $0x9FFFFFFF  }
0xc2: {  	(tm) =	ssettm $0x7FFFFFFF  }
0xc3: {  	_ =	shalt  }
tec
execute0_lowered:
.L_overlay_start_1:
0x0: {  	(tag) =	ssettag $0x1  }
0x1: {  	s1 =	srdreg.scid  }
0x2: {  	s8 =	rddreg [dreg:$0x0];
	s0 =	stileid.u32  }
0x3: {  	s3 =	rddreg [dreg:$0x1];
	s2 =	simm.s32 $0x0;
	s6 =	sand.u32 $0x1, s1  }
0x4: {  	s4 =	sshll.u32 s0, $0x6;
	s1 =	rddreg [dreg:$0x2];
	s5 =	sshll.u32 s6, $0x5  }
0x5: {  	s7 =	simm.s32 $0x1;
	[smem:$0x7FF] =	sst s2;
	s9 =	sor.u32 s5, s4  }
0x6: {  	_ =	strace $0x8000005C;
	s10 =	ssub.s32 $0x2, s6;
	s4 =	sshrl.u32 s9, $0x3  }
0x7: {  	s6 =	simm.s32 $0x20;
	s4 =	sadd.s32 s3, s4;
	s3 =	simm.s32 $0x2  }
0x8: {  	[tilespmem:s2], [sflag:$0x2] =	stream.linear.gather [hbm4b:s4+s2], $0x20, $0x38;
	[tilespmem:$0x1020] =	vst v63  }
0x9: {  	s5 =	sadd.s32 $0x9C00, s8;
	s11 =	sshrl.u32 s10, $0x1;
	_ =	swait.ge [sflag:s3], $0x20  }
0xa: {  	s9 =	sshll.u32 s9, $0x4;
	s31 =	ssub.s32 s10, s11;
	[sflag:s3] =	ssyncset.done $0x0  }
0xb: {  	s8 =	sadd.s32 s9, s8;
	s9 =	smax.u32 s31, $0x1;
	[sflag:s3] =	ssyncadd.s32 $0xFFFFFFE0  }
0xc: {  	[tilespmem:s6], [sflag:$0x1] =	stream.indirect.gather [hbm4b:s5+s6], $0x80, s2, s6, $0xb8;
	[tilespmem:$0x1020] =	vst v63  }
0xd: {  	p0 =	sne.s32 s9, $0x1;
	_ =	swait.ge [sflag:s7], $0x1000  }
.Ltmp0:
0xe: {  	[sflag:s7] =	ssyncset.done $0x0;
	(pc) =	sbr.rel @!p0 .LBB2_2-.Ltmp0, $4  }
0xf: {  	s8 =	sadd.s32 $0x31C00, s8;
	[sflag:s7] =	ssyncadd.s32 $0xFFFFF000  }
0x10: {  	[hbm4b:s8+s2] =	stream.linear.scatter [tilespmem:s6], [sflag:$0x2], $0x1000, $0x38;
	[tilespmem:$0x1020] =	vst v63  }
0x11: {  	_ =	swait.ge [sflag:s3], $0x1000  }
0x12: {  	s9 =	sadd.s32 $0xFFFFFFFF, s9;
	[sflag:s3] =	ssyncset.done $0x0  }
.LBB2_1:
0x13: {  	p0 =	sne.s32 s9, $0x1;
	s9 =	sadd.s32 $0xFFFFFFFF, s9;
	[sflag:s3] =	ssyncadd.s32 $0xFFFFF000  }
0x14: {  	[tilespmem:s2], [sflag:$0x2] =	stream.linear.gather [hbm4b:s4+s2], $0x20, $0x38;
	[tilespmem:$0x1020] =	vst v63  }
0x15: {  	_ =	swait.ge [sflag:s3], $0x20  }
0x16: {  	[sflag:s3] =	ssyncset.done $0x0  }
0x17: {  	[sflag:s3] =	ssyncadd.s32 $0xFFFFFFE0  }
0x18: {  	[tilespmem:s6], [sflag:$0x1] =	stream.indirect.gather [hbm4b:s5+s6], $0x80, s2, s6, $0xb8;
	[tilespmem:$0x1020] =	vst v63  }
0x19: {  	_ =	swait.ge [sflag:s7], $0x1000  }
.Ltmp1:
0x1a: {  	[sflag:s7] =	ssyncset.done $0x0;
	(pc) =	sbr.rel @p0 .LBB2_1-.Ltmp1, $4  }
0x1b: {  	[sflag:s7] =	ssyncadd.s32 $0xFFFFF000  }
0x1c: {  	[hbm4b:s8+s2] =	stream.linear.scatter [tilespmem:s6], [sflag:$0x2], $0x1000, $0x38;
	[tilespmem:$0x1020] =	vst v63  }
0x1d: {  	_ =	swait.ge [sflag:s3], $0x1000  }
0x1e: {  	[sflag:s3] =	ssyncset.done $0x0  }
.LBB2_2:
0x1f: {  	[sflag:s3] =	ssyncadd.s32 $0xFFFFF000  }
0x20: {  	_ =	sfence.sel $0x180000  }
0x21: {  	[bflag:$0x0] =	sbarrier.arrive $0xFFFF  }
0x22: {  	p0 =	sne.s32 s0, $0x0;
	_ =	strace $0x9000005C  }
0x23: {  	s0 =	sadd.s32 @!p0 $0x100000, s1;
	[bflag:$0x2] =	sbarrier.arrive $0xFFFF  }
0x24: {  	[sflag:s0] =	ssyncadd.tile.s32 @!p0 $0x1;
	_ =	shalt  }
.Lfunc_end2:
_tile_overlayer_lowered:
.L_overlay_start_2:
0x25: {  	(tag) =	ssettag $0x2  }
0x26: {  	s0 =	rddreg [dreg:$0x0];
	s2 =	stileid.u32  }
0x27: {  	s1 =	rddreg [dreg:$0x1];
	p0 =	sne.s32 s2, $0x0  }
0x28: {  	s3 =	rddreg [dreg:$0x2];
	[bflag:$0x3] =	sbarrier.arrive $0xFFFF;
	s2 =	simm.s32 @!p0 $0x1C02  }
0x29: {  	[timem:s3], [sflag:s2] =	dma.local @!p0 [hbm:s0], s1  }
0x2a: {  	s0 =	simm.s32 @!p0 $0x2  }
0x2b: {  	_ =	swait.ge @!p0 [sflag:s0], s1  }
0x2c: {  	s1 =	ssub.s32 @!p0 $0x0, s1;
	[sflag:s0] =	ssyncset.done @!p0 $0x0  }
0x2d: {  	[sflag:s0] =	ssyncadd.s32 @!p0 s1  }
0x2e: {  	[bflag:$0x3] =	sbarrier.arrive $0xFFFF  }
0x2f: {  	_ =	shalt  }

</sc_bundles>
